<compile_context>
chip_gen: v7x
topology: tpu7x:2x2x1
jax: 0.10.2.dev20260603
libtpu: 0.0.44.dev20260713+nightly
codegen_flags: <defaults>
</compile_context>

<pallas_src>
import functools

import jax
import jax.numpy as jnp
from jax import lax
from jax.experimental import pallas as pl
from jax.experimental.pallas import tpu as pltpu
from jax.experimental.pallas import tpu_sc as plsc

INTERP = 10
EPSILON = 0.01

QT = 1024
NT = 8192

NW = 32
LANES = 16


def _argmin_kernel(q_ref, w_ref, out_ref):
    i = pl.program_id(0)
    n_total = w_ref.shape[2]

    qa = q_ref[0]

    colf = lax.broadcasted_iota(jnp.int32, (QT, NT), 1).astype(jnp.float32)

    def body(k, carry):
        run_min, run_loc, run_chunk = carry
        sl = pl.ds(k * NT, NT)
        d2m = jnp.dot(qa, w_ref[0, :, sl],
                      preferred_element_type=jnp.float32)
        mn = jnp.min(d2m, axis=1, keepdims=True)
        loc = jnp.min(jnp.where(d2m == mn, colf, float(NT)),
                      axis=1, keepdims=True)

        upd = mn < run_min
        run_loc = jnp.where(upd, loc, run_loc)
        run_chunk = jnp.where(upd, k.astype(jnp.float32), run_chunk)
        run_min = jnp.where(upd, mn, run_min)
        return run_min, run_loc, run_chunk

    init = (jnp.full((QT, 1), jnp.inf, jnp.float32),
            jnp.zeros((QT, 1), jnp.float32),
            jnp.zeros((QT, 1), jnp.float32))
    _, run_loc, run_chunk = lax.fori_loop(0, n_total // NT, body, init)

    idx = (run_chunk * float(NT) + run_loc).astype(jnp.int32) + i * n_total
    out_ref[...] = idx[None]


CHUNK = 64


def _make_sc_loss(total_rows, total_q):
    pw = total_q // NW
    groups = pw // LANES
    chunks = pw // CHUNK
    per_chunk = CHUNK // LANES
    mesh = plsc.VectorSubcoreMesh(core_axis_name="c", subcore_axis_name="s")

    @functools.partial(
        pl.kernel, mesh=mesh,
        out_type=jax.ShapeDtypeStruct((NW, LANES), jnp.float32),
        scratch_types=[
            pltpu.VMEM((chunks, CHUNK), jnp.int32),
            pltpu.VMEM((pw,), jnp.float32),
            pltpu.VMEM((pw,), jnp.float32),
            pltpu.VMEM((pw,), jnp.float32),
            pltpu.VMEM((chunks, CHUNK), jnp.float32),
            pltpu.VMEM((chunks, CHUNK), jnp.float32),
            pltpu.VMEM((chunks, CHUNK), jnp.float32),
            pltpu.VMEM((chunks, CHUNK), jnp.float32),
            pltpu.VMEM((chunks, CHUNK), jnp.float32),
            pltpu.VMEM((chunks, CHUNK), jnp.float32),
            pltpu.VMEM((LANES,), jnp.float32),
            pltpu.SemaphoreType.DMA,
        ],
    )
    def sc_loss(idx_hbm, q0_hbm, q1_hbm, q2_hbm,
                s0_hbm, s1_hbm, s2_hbm, n0_hbm, n1_hbm, n2_hbm,
                out_hbm,
                idx_v, q0_v, q1_v, q2_v,
                s0_g, s1_g, s2_g, n0_g, n1_g, n2_g,
                acc_v, sem):
        wid = lax.axis_index("s") * 2 + lax.axis_index("c")
        base = wid * pw

        for c in range(chunks):
            pltpu.sync_copy(idx_hbm.at[pl.ds(base + c * CHUNK, CHUNK)],
                            idx_v.at[c])
        pltpu.sync_copy(q0_hbm.at[pl.ds(base, pw)], q0_v)
        pltpu.sync_copy(q1_hbm.at[pl.ds(base, pw)], q1_v)
        pltpu.sync_copy(q2_hbm.at[pl.ds(base, pw)], q2_v)

        copies = []
        for c in range(chunks):
            for hbm, dst in ((s0_hbm, s0_g), (s1_hbm, s1_g), (s2_hbm, s2_g),
                             (n0_hbm, n0_g), (n1_hbm, n1_g), (n2_hbm, n2_g)):
                copies.append(
                    pltpu.async_copy(hbm.at[idx_v.at[c]], dst.at[c], sem))
        for cp in copies:
            cp.wait()

        acc = jnp.zeros((LANES,), jnp.float32)
        for g in range(groups):
            r = g // per_chunk
            sl2 = pl.ds((g % per_chunk) * LANES, LANES)
            sl = pl.ds(g * LANES, LANES)
            p0 = s0_g[r, sl2]
            p1 = s1_g[r, sl2]
            p2 = s2_g[r, sl2]
            m0 = n0_g[r, sl2]
            m1 = n1_g[r, sl2]
            m2 = n2_g[r, sl2]
            dot = (((q0_v[sl] - p0) - EPSILON * m0) * m0
                   + ((q1_v[sl] - p1) - EPSILON * m1) * m1
                   + ((q2_v[sl] - p2) - EPSILON * m2) * m2)
            acc = acc + jnp.maximum(-dot, 0.0)

        acc_v[...] = acc
        pltpu.sync_copy(acc_v, out_hbm.at[wid])

    return sc_loss


def kernel(cage, shape, shape_normals):
    b, m, d = cage.shape
    n = shape.shape[1]
    q_count = m * INTERP

    cage_p = jnp.concatenate([cage[:, 1:, :], cage[:, :1, :]], axis=1)
    t = jnp.linspace(0.0, 1.0, INTERP).reshape(1, 1, INTERP, 1)
    q = (t * cage_p[:, :, None, :]
         + (1.0 - t) * cage[:, :, None, :]).reshape(b, q_count, d)

    def _split(x):
        bits = lax.bitcast_convert_type(x, jnp.uint32)
        hi_f = lax.bitcast_convert_type(
            bits & jnp.uint32(0xFFFF0000), jnp.float32)
        return hi_f.astype(jnp.bfloat16), (x - hi_f).astype(jnp.bfloat16)

    shape_t = shape.transpose(0, 2, 1)
    ss = jnp.sum(shape_t * shape_t, axis=1, keepdims=True)
    wf = jnp.concatenate([-2.0 * shape_t, ss,
                          jnp.zeros((b, 4, n), jnp.float32)], axis=1)
    w_hi, w_lo = _split(wf)
    w_c = jnp.concatenate(
        [w_hi, w_lo, w_hi, w_lo], axis=1)

    qf = jnp.concatenate(
        [q, jnp.ones((b, q_count, 1), jnp.float32),
         jnp.zeros((b, q_count, 4), jnp.float32)], axis=-1)
    q_hi, q_lo = _split(qf)
    qa = jnp.concatenate(
        [q_hi, q_hi, q_lo, q_lo], axis=-1)

    idx = pl.pallas_call(
        _argmin_kernel,
        grid=(b, q_count // QT),
        in_specs=[
            pl.BlockSpec((1, QT, 32), lambda i, j: (i, j, 0)),
            pl.BlockSpec((1, 32, n), lambda i, j: (i, 0, 0)),
        ],
        out_specs=pl.BlockSpec((1, QT, 1), lambda i, j: (i, j, 0)),
        out_shape=jax.ShapeDtypeStruct((b, q_count, 1), jnp.int32),
    )(qa, w_c)

    idx_flat = idx.reshape(b * q_count)
    q_all = q.transpose(2, 0, 1)
    sn_all = jnp.concatenate([shape, shape_normals],
                             axis=2).transpose(2, 0, 1)
    q0 = q_all[0].reshape(-1)
    q1 = q_all[1].reshape(-1)
    q2 = q_all[2].reshape(-1)
    s0 = sn_all[0].reshape(-1)
    s1 = sn_all[1].reshape(-1)
    s2 = sn_all[2].reshape(-1)
    n0 = sn_all[3].reshape(-1)
    n1 = sn_all[4].reshape(-1)
    n2 = sn_all[5].reshape(-1)

    sc_loss = _make_sc_loss(b * n, b * q_count)
    partials = sc_loss(idx_flat, q0, q1, q2, s0, s1, s2, n0, n1, n2)

    return jnp.sum(partials) / (b * q_count)

# --- scband reference (transcript-rebuilt; emitter-appended) ---
"""Pipeline reference for scband-inside-loss2-d-86517821214300 (READ-ONLY COPY).

The authoritative reference and input builder live on the scoring server;
editing this copy changes nothing except your own understanding.
"""

import jax, jax.numpy as jnp
import numpy as np

B, M, N, D = 2, 512, 8192, 3
INTERP = 10
EPSILON = 0.01


def setup_inputs(seed: int = 0) -> dict:
    key = jax.random.key(seed)
    k1, k2, k3 = jax.random.split(key, 3)
    cage = jax.random.normal(k1, (B, M, D), dtype=jnp.float32)
    shape = jax.random.normal(k2, (B, N, D), dtype=jnp.float32)
    shape_normals = jax.random.normal(k3, (B, N, D), dtype=jnp.float32)
    return {"cage": cage, "shape": shape, "shape_normals": shape_normals}


def reference(cage, shape, shape_normals):
    b, m, d = cage.shape
    # roll cage by one vertex to get segment endpoints
    cage_p = jnp.concatenate([cage[:, 1:, :], cage[:, :1, :]], axis=1)
    t = jnp.linspace(0.0, 1.0, INTERP).reshape(1, 1, INTERP, 1)
    cage_itp = t * cage_p[:, :, None, :] + (1.0 - t) * cage[:, :, None, :]
    cage_itp = cage_itp.reshape(b, m * INTERP, d)  # (B, Q, D)
    # brute-force 1-NN: squared L2 distances (B, Q, N)
    d2 = jnp.sum((cage_itp[:, :, None, :] - shape[:, None, :, :]) ** 2, axis=-1)
    nn_index = jnp.argmin(d2, axis=-1)  # (B, Q) int
    nn_point = jnp.take_along_axis(shape, nn_index[..., None], axis=1)  # (B, Q, D)
    nn_normal = jnp.take_along_axis(shape_normals, nn_index[..., None], axis=1)  # (B, Q, D)
    dot = jnp.sum((cage_itp - nn_point - EPSILON * nn_normal) * nn_normal, axis=-1)
    loss = jnp.where(dot < 0, -dot, jnp.zeros_like(dot))
    return loss.mean()

if __name__ == "__main__":
    import jax
    _d = setup_inputs()
    print(jax.jit(kernel)(*tuple(_d.values())))

</pallas_src>

<mosaic_0001>
#map = affine_map<(d0, d1) -> (0)>
#map1 = affine_map<(d0, d1) -> (0, 0)>
module attributes {stable_mosaic.version = 14 : i64} {
  func.func @sc_loss(%arg0: i32, %arg1: i32, %arg2: memref<10240xi32, #tpu.memory_space<hbm>>, %arg3: memref<10240xf32, #tpu.memory_space<hbm>>, %arg4: memref<10240xf32, #tpu.memory_space<hbm>>, %arg5: memref<10240xf32, #tpu.memory_space<hbm>>, %arg6: memref<16384xf32, #tpu.memory_space<hbm>>, %arg7: memref<16384xf32, #tpu.memory_space<hbm>>, %arg8: memref<16384xf32, #tpu.memory_space<hbm>>, %arg9: memref<16384xf32, #tpu.memory_space<hbm>>, %arg10: memref<16384xf32, #tpu.memory_space<hbm>>, %arg11: memref<16384xf32, #tpu.memory_space<hbm>>, %arg12: memref<32x16xf32, #tpu.memory_space<hbm>>, %arg13: memref<5x64xi32, #tpu.memory_space<vmem>>, %arg14: memref<320xf32, #tpu.memory_space<vmem>>, %arg15: memref<320xf32, #tpu.memory_space<vmem>>, %arg16: memref<320xf32, #tpu.memory_space<vmem>>, %arg17: memref<5x64xf32, #tpu.memory_space<vmem>>, %arg18: memref<5x64xf32, #tpu.memory_space<vmem>>, %arg19: memref<5x64xf32, #tpu.memory_space<vmem>>, %arg20: memref<5x64xf32, #tpu.memory_space<vmem>>, %arg21: memref<5x64xf32, #tpu.memory_space<vmem>>, %arg22: memref<5x64xf32, #tpu.memory_space<vmem>>, %arg23: memref<16xf32, #tpu.memory_space<vmem>>, %arg24: memref<!tpu.dma_semaphore, #tpu.memory_space<semaphore_mem>>) attributes {dimension_semantics = [#tpu.dimension_semantics<core_parallel>, #tpu.dimension_semantics<subcore_parallel>], iteration_bounds = array<i64: 2, 16>, scalar_prefetch = 0 : i64, scratch_operands = 12 : i64, tpu.core_type = #tpu.core_type<sc_vector_subcore>, window_params = [{transform_indices = #map}, {transform_indices = #map}, {transform_indices = #map}, {transform_indices = #map}, {transform_indices = #map}, {transform_indices = #map}, {transform_indices = #map}, {transform_indices = #map}, {transform_indices = #map}, {transform_indices = #map}, {transform_indices = #map1}]} {
    %mul3A = arith.constant 2 : i32
    %mul3A_0 = arith.muli %arg1, %mul3A : i32
    %add3A = arith.addi %mul3A_0, %arg0 : i32
    %mul3A_1 = arith.constant 320 : i32
    %mul3A_2 = arith.muli %add3A, %mul3A_1 : i32
    %add3A_3 = arith.constant 0 : i32
    %add3A_4 = arith.addi %mul3A_2, %add3A_3 : i32
    %run_scoped3A = arith.constant 0 : i32
    "tpu.region"() ({
      %run_scoped3A_1935 = tpu.sem_alloc : memref<!tpu.dma_semaphore, #tpu.memory_space<semaphore_mem>>
      %dma_start3A_1936 = arith.constant 0 : i32
      %dma_start3A_1937 = tpu.memref_slice %arg13[%run_scoped3A, %dma_start3A_1936] : memref<5x64xi32, #tpu.memory_space<vmem>> -> memref<1x64xi32, #tpu.memory_space<vmem>>
      %dma_start3A_1938 = tpu.memref_squeeze %dma_start3A_1937 : memref<1x64xi32, #tpu.memory_space<vmem>> -> memref<64xi32, #tpu.memory_space<vmem>>
      %dma_start3A_1939 = tpu.memref_slice %arg2[%add3A_4] : memref<10240xi32, #tpu.memory_space<hbm>> -> memref<64xi32, #tpu.memory_space<hbm>>
      %dma_start3A_1940 = arith.constant 0 : i32
      %dma_start3A_1941 = tpu.memref_slice %arg13[%run_scoped3A, %dma_start3A_1940] : memref<5x64xi32, #tpu.memory_space<vmem>> -> memref<1x64xi32, #tpu.memory_space<vmem>>
      %dma_start3A_1942 = tpu.memref_squeeze %dma_start3A_1941 : memref<1x64xi32, #tpu.memory_space<vmem>> -> memref<64xi32, #tpu.memory_space<vmem>>
      %dma_start3A_1943 = tpu.memref_slice %arg2[%add3A_4] : memref<10240xi32, #tpu.memory_space<hbm>> -> memref<64xi32, #tpu.memory_space<hbm>>
      tpu.enqueue_dma source(%dma_start3A_1943 : memref<64xi32, #tpu.memory_space<hbm>>) target(%dma_start3A_1942 : memref<64xi32, #tpu.memory_space<vmem>>) target_semaphore(%run_scoped3A_1935 : memref<!tpu.dma_semaphore, #tpu.memory_space<semaphore_mem>>)
      %dma_wait3A_1944 = arith.constant 0 : i32
      %dma_wait3A_1945 = tpu.memref_slice %arg13[%run_scoped3A, %dma_wait3A_1944] : memref<5x64xi32, #tpu.memory_space<vmem>> -> memref<1x64xi32, #tpu.memory_space<vmem>>
      %dma_wait3A_1946 = tpu.memref_squeeze %dma_wait3A_1945 : memref<1x64xi32, #tpu.memory_space<vmem>> -> memref<64xi32, #tpu.memory_space<vmem>>
      %dma_wait3A_1947 = tpu.memref_slice %arg2[%add3A_4] : memref<10240xi32, #tpu.memory_space<hbm>> -> memref<64xi32, #tpu.memory_space<hbm>>
      %dma_wait3A_1948 = arith.constant 0 : i32
      %dma_wait3A_1949 = tpu.memref_slice %arg13[%run_scoped3A, %dma_wait3A_1948] : memref<5x64xi32, #tpu.memory_space<vmem>> -> memref<1x64xi32, #tpu.memory_space<vmem>>
      %dma_wait3A_1950 = tpu.memref_squeeze %dma_wait3A_1949 : memref<1x64xi32, #tpu.memory_space<vmem>> -> memref<64xi32, #tpu.memory_space<vmem>>
      %dma_wait3A_1951 = tpu.memref_slice %arg2[%add3A_4] : memref<10240xi32, #tpu.memory_space<hbm>> -> memref<64xi32, #tpu.memory_space<hbm>>
      tpu.wait_dma2 semaphore(%run_scoped3A_1935 : memref<!tpu.dma_semaphore, #tpu.memory_space<semaphore_mem>>) src(%dma_wait3A_1951 : memref<64xi32, #tpu.memory_space<hbm>>) dst(%dma_wait3A_1950 : memref<64xi32, #tpu.memory_space<vmem>>)
      tpu.yield
    }) : () -> ()
    %add3A_5 = arith.constant 64 : i32
    %add3A_6 = arith.addi %mul3A_2, %add3A_5 : i32
    %run_scoped3A_7 = arith.constant 1 : i32
    "tpu.region"() ({
      %run_scoped3A_1935 = tpu.sem_alloc : memref<!tpu.dma_semaphore, #tpu.memory_space<semaphore_mem>>
      %dma_start3A_1936 = arith.constant 0 : i32
      %dma_start3A_1937 = tpu.memref_slice %arg13[%run_scoped3A_7, %dma_start3A_1936] : memref<5x64xi32, #tpu.memory_space<vmem>> -> memref<1x64xi32, #tpu.memory_space<vmem>>
      %dma_start3A_1938 = tpu.memref_squeeze %dma_start3A_1937 : memref<1x64xi32, #tpu.memory_space<vmem>> -> memref<64xi32, #tpu.memory_space<vmem>>
      %dma_start3A_1939 = tpu.memref_slice %arg2[%add3A_6] : memref<10240xi32, #tpu.memory_space<hbm>> -> memref<64xi32, #tpu.memory_space<hbm>>
      %dma_start3A_1940 = arith.constant 0 : i32
      %dma_start3A_1941 = tpu.memref_slice %arg13[%run_scoped3A_7, %dma_start3A_1940] : memref<5x64xi32, #tpu.memory_space<vmem>> -> memref<1x64xi32, #tpu.memory_space<vmem>>
      %dma_start3A_1942 = tpu.memref_squeeze %dma_start3A_1941 : memref<1x64xi32, #tpu.memory_space<vmem>> -> memref<64xi32, #tpu.memory_space<vmem>>
      %dma_start3A_1943 = tpu.memref_slice %arg2[%add3A_6] : memref<10240xi32, #tpu.memory_space<hbm>> -> memref<64xi32, #tpu.memory_space<hbm>>
      tpu.enqueue_dma source(%dma_start3A_1943 : memref<64xi32, #tpu.memory_space<hbm>>) target(%dma_start3A_1942 : memref<64xi32, #tpu.memory_space<vmem>>) target_semaphore(%run_scoped3A_1935 : memref<!tpu.dma_semaphore, #tpu.memory_space<semaphore_mem>>)
      %dma_wait3A_1944 = arith.constant 0 : i32
      %dma_wait3A_1945 = tpu.memref_slice %arg13[%run_scoped3A_7, %dma_wait3A_1944] : memref<5x64xi32, #tpu.memory_space<vmem>> -> memref<1x64xi32, #tpu.memory_space<vmem>>
      %dma_wait3A_1946 = tpu.memref_squeeze %dma_wait3A_1945 : memref<1x64xi32, #tpu.memory_space<vmem>> -> memref<64xi32, #tpu.memory_space<vmem>>
      %dma_wait3A_1947 = tpu.memref_slice %arg2[%add3A_6] : memref<10240xi32, #tpu.memory_space<hbm>> -> memref<64xi32, #tpu.memory_space<hbm>>
      %dma_wait3A_1948 = arith.constant 0 : i32
      %dma_wait3A_1949 = tpu.memref_slice %arg13[%run_scoped3A_7, %dma_wait3A_1948] : memref<5x64xi32, #tpu.memory_space<vmem>> -> memref<1x64xi32, #tpu.memory_space<vmem>>
      %dma_wait3A_1950 = tpu.memref_squeeze %dma_wait3A_1949 : memref<1x64xi32, #tpu.memory_space<vmem>> -> memref<64xi32, #tpu.memory_space<vmem>>
      %dma_wait3A_1951 = tpu.memref_slice %arg2[%add3A_6] : memref<10240xi32, #tpu.memory_space<hbm>> -> memref<64xi32, #tpu.memory_space<hbm>>
      tpu.wait_dma2 semaphore(%run_scoped3A_1935 : memref<!tpu.dma_semaphore, #tpu.memory_space<semaphore_mem>>) src(%dma_wait3A_1951 : memref<64xi32, #tpu.memory_space<hbm>>) dst(%dma_wait3A_1950 : memref<64xi32, #tpu.memory_space<vmem>>)
      tpu.yield
    }) : () -> ()
    %add3A_8 = arith.constant 128 : i32
    %add3A_9 = arith.addi %mul3A_2, %add3A_8 : i32
    %run_scoped3A_10 = arith.constant 2 : i32
    "tpu.region"() ({
      %run_scoped3A_1935 = tpu.sem_alloc : memref<!tpu.dma_semaphore, #tpu.memory_space<semaphore_mem>>
      %dma_start3A_1936 = arith.constant 0 : i32
      %dma_start3A_1937 = tpu.memref_slice %arg13[%run_scoped3A_10, %dma_start3A_1936] : memref<5x64xi32, #tpu.memory_space<vmem>> -> memref<1x64xi32, #tpu.memory_space<vmem>>
      %dma_start3A_1938 = tpu.memref_squeeze %dma_start3A_1937 : memref<1x64xi32, #tpu.memory_space<vmem>> -> memref<64xi32, #tpu.memory_space<vmem>>
      %dma_start3A_1939 = tpu.memref_slice %arg2[%add3A_9] : memref<10240xi32, #tpu.memory_space<hbm>> -> memref<64xi32, #tpu.memory_space<hbm>>
      %dma_start3A_1940 = arith.constant 0 : i32
      %dma_start3A_1941 = tpu.memref_slice %arg13[%run_scoped3A_10, %dma_start3A_1940] : memref<5x64xi32, #tpu.memory_space<vmem>> -> memref<1x64xi32, #tpu.memory_space<vmem>>
      %dma_start3A_1942 = tpu.memref_squeeze %dma_start3A_1941 : memref<1x64xi32, #tpu.memory_space<vmem>> -> memref<64xi32, #tpu.memory_space<vmem>>
      %dma_start3A_1943 = tpu.memref_slice %arg2[%add3A_9] : memref<10240xi32, #tpu.memory_space<hbm>> -> memref<64xi32, #tpu.memory_space<hbm>>
      tpu.enqueue_dma source(%dma_start3A_1943 : memref<64xi32, #tpu.memory_space<hbm>>) target(%dma_start3A_1942 : memref<64xi32, #tpu.memory_space<vmem>>) target_semaphore(%run_scoped3A_1935 : memref<!tpu.dma_semaphore, #tpu.memory_space<semaphore_mem>>)
      %dma_wait3A_1944 = arith.constant 0 : i32
      %dma_wait3A_1945 = tpu.memref_slice %arg13[%run_scoped3A_10, %dma_wait3A_1944] : memref<5x64xi32, #tpu.memory_space<vmem>> -> memref<1x64xi32, #tpu.memory_space<vmem>>
      %dma_wait3A_1946 = tpu.memref_squeeze %dma_wait3A_1945 : memref<1x64xi32, #tpu.memory_space<vmem>> -> memref<64xi32, #tpu.memory_space<vmem>>
      %dma_wait3A_1947 = tpu.memref_slice %arg2[%add3A_9] : memref<10240xi32, #tpu.memory_space<hbm>> -> memref<64xi32, #tpu.memory_space<hbm>>
      %dma_wait3A_1948 = arith.constant 0 : i32
      %dma_wait3A_1949 = tpu.memref_slice %arg13[%run_scoped3A_10, %dma_wait3A_1948] : memref<5x64xi32, #tpu.memory_space<vmem>> -> memref<1x64xi32, #tpu.memory_space<vmem>>
      %dma_wait3A_1950 = tpu.memref_squeeze %dma_wait3A_1949 : memref<1x64xi32, #tpu.memory_space<vmem>> -> memref<64xi32, #tpu.memory_space<vmem>>
      %dma_wait3A_1951 = tpu.memref_slice %arg2[%add3A_9] : memref<10240xi32, #tpu.memory_space<hbm>> -> memref<64xi32, #tpu.memory_space<hbm>>
      tpu.wait_dma2 semaphore(%run_scoped3A_1935 : memref<!tpu.dma_semaphore, #tpu.memory_space<semaphore_mem>>) src(%dma_wait3A_1951 : memref<64xi32, #tpu.memory_space<hbm>>) dst(%dma_wait3A_1950 : memref<64xi32, #tpu.memory_space<vmem>>)
      tpu.yield
    }) : () -> ()
    %add3A_11 = arith.constant 192 : i32
    %add3A_12 = arith.addi %mul3A_2, %add3A_11 : i32
    %run_scoped3A_13 = arith.constant 3 : i32
    "tpu.region"() ({
      %run_scoped3A_1935 = tpu.sem_alloc : memref<!tpu.dma_semaphore, #tpu.memory_space<semaphore_mem>>
      %dma_start3A_1936 = arith.constant 0 : i32
      %dma_start3A_1937 = tpu.memref_slice %arg13[%run_scoped3A_13, %dma_start3A_1936] : memref<5x64xi32, #tpu.memory_space<vmem>> -> memref<1x64xi32, #tpu.memory_space<vmem>>
      %dma_start3A_1938 = tpu.memref_squeeze %dma_start3A_1937 : memref<1x64xi32, #tpu.memory_space<vmem>> -> memref<64xi32, #tpu.memory_space<vmem>>
      %dma_start3A_1939 = tpu.memref_slice %arg2[%add3A_12] : memref<10240xi32, #tpu.memory_space<hbm>> -> memref<64xi32, #tpu.memory_space<hbm>>
      %dma_start3A_1940 = arith.constant 0 : i32
      %dma_start3A_1941 = tpu.memref_slice %arg13[%run_scoped3A_13, %dma_start3A_1940] : memref<5x64xi32, #tpu.memory_space<vmem>> -> memref<1x64xi32, #tpu.memory_space<vmem>>
      %dma_start3A_1942 = tpu.memref_squeeze %dma_start3A_1941 : memref<1x64xi32, #tpu.memory_space<vmem>> -> memref<64xi32, #tpu.memory_space<vmem>>
      %dma_start3A_1943 = tpu.memref_slice %arg2[%add3A_12] : memref<10240xi32, #tpu.memory_space<hbm>> -> memref<64xi32, #tpu.memory_space<hbm>>
      tpu.enqueue_dma source(%dma_start3A_1943 : memref<64xi32, #tpu.memory_space<hbm>>) target(%dma_start3A_1942 : memref<64xi32, #tpu.memory_space<vmem>>) target_semaphore(%run_scoped3A_1935 : memref<!tpu.dma_semaphore, #tpu.memory_space<semaphore_mem>>)
      %dma_wait3A_1944 = arith.constant 0 : i32
      %dma_wait3A_1945 = tpu.memref_slice %arg13[%run_scoped3A_13, %dma_wait3A_1944] : memref<5x64xi32, #tpu.memory_space<vmem>> -> memref<1x64xi32, #tpu.memory_space<vmem>>
      %dma_wait3A_1946 = tpu.memref_squeeze %dma_wait3A_1945 : memref<1x64xi32, #tpu.memory_space<vmem>> -> memref<64xi32, #tpu.memory_space<vmem>>
      %dma_wait3A_1947 = tpu.memref_slice %arg2[%add3A_12] : memref<10240xi32, #tpu.memory_space<hbm>> -> memref<64xi32, #tpu.memory_space<hbm>>
      %dma_wait3A_1948 = arith.constant 0 : i32
      %dma_wait3A_1949 = tpu.memref_slice %arg13[%run_scoped3A_13, %dma_wait3A_1948] : memref<5x64xi32, #tpu.memory_space<vmem>> -> memref<1x64xi32, #tpu.memory_space<vmem>>
      %dma_wait3A_1950 = tpu.memref_squeeze %dma_wait3A_1949 : memref<1x64xi32, #tpu.memory_space<vmem>> -> memref<64xi32, #tpu.memory_space<vmem>>
      %dma_wait3A_1951 = tpu.memref_slice %arg2[%add3A_12] : memref<10240xi32, #tpu.memory_space<hbm>> -> memref<64xi32, #tpu.memory_space<hbm>>
      tpu.wait_dma2 semaphore(%run_scoped3A_1935 : memref<!tpu.dma_semaphore, #tpu.memory_space<semaphore_mem>>) src(%dma_wait3A_1951 : memref<64xi32, #tpu.memory_space<hbm>>) dst(%dma_wait3A_1950 : memref<64xi32, #tpu.memory_space<vmem>>)
      tpu.yield
    }) : () -> ()
    %add3A_14 = arith.constant 256 : i32
    %add3A_15 = arith.addi %mul3A_2, %add3A_14 : i32
    %run_scoped3A_16 = arith.constant 4 : i32
    "tpu.region"() ({
      %run_scoped3A_1935 = tpu.sem_alloc : memref<!tpu.dma_semaphore, #tpu.memory_space<semaphore_mem>>
      %dma_start3A_1936 = arith.constant 0 : i32
      %dma_start3A_1937 = tpu.memref_slice %arg13[%run_scoped3A_16, %dma_start3A_1936] : memref<5x64xi32, #tpu.memory_space<vmem>> -> memref<1x64xi32, #tpu.memory_space<vmem>>
      %dma_start3A_1938 = tpu.memref_squeeze %dma_start3A_1937 : memref<1x64xi32, #tpu.memory_space<vmem>> -> memref<64xi32, #tpu.memory_space<vmem>>
      %dma_start3A_1939 = tpu.memref_slice %arg2[%add3A_15] : memref<10240xi32, #tpu.memory_space<hbm>> -> memref<64xi32, #tpu.memory_space<hbm>>
      %dma_start3A_1940 = arith.constant 0 : i32
      %dma_start3A_1941 = tpu.memref_slice %arg13[%run_scoped3A_16, %dma_start3A_1940] : memref<5x64xi32, #tpu.memory_space<vmem>> -> memref<1x64xi32, #tpu.memory_space<vmem>>
      %dma_start3A_1942 = tpu.memref_squeeze %dma_start3A_1941 : memref<1x64xi32, #tpu.memory_space<vmem>> -> memref<64xi32, #tpu.memory_space<vmem>>
      %dma_start3A_1943 = tpu.memref_slice %arg2[%add3A_15] : memref<10240xi32, #tpu.memory_space<hbm>> -> memref<64xi32, #tpu.memory_space<hbm>>
      tpu.enqueue_dma source(%dma_start3A_1943 : memref<64xi32, #tpu.memory_space<hbm>>) target(%dma_start3A_1942 : memref<64xi32, #tpu.memory_space<vmem>>) target_semaphore(%run_scoped3A_1935 : memref<!tpu.dma_semaphore, #tpu.memory_space<semaphore_mem>>)
      %dma_wait3A_1944 = arith.constant 0 : i32
      %dma_wait3A_1945 = tpu.memref_slice %arg13[%run_scoped3A_16, %dma_wait3A_1944] : memref<5x64xi32, #tpu.memory_space<vmem>> -> memref<1x64xi32, #tpu.memory_space<vmem>>
      %dma_wait3A_1946 = tpu.memref_squeeze %dma_wait3A_1945 : memref<1x64xi32, #tpu.memory_space<vmem>> -> memref<64xi32, #tpu.memory_space<vmem>>
      %dma_wait3A_1947 = tpu.memref_slice %arg2[%add3A_15] : memref<10240xi32, #tpu.memory_space<hbm>> -> memref<64xi32, #tpu.memory_space<hbm>>
      %dma_wait3A_1948 = arith.constant 0 : i32
      %dma_wait3A_1949 = tpu.memref_slice %arg13[%run_scoped3A_16, %dma_wait3A_1948] : memref<5x64xi32, #tpu.memory_space<vmem>> -> memref<1x64xi32, #tpu.memory_space<vmem>>
      %dma_wait3A_1950 = tpu.memref_squeeze %dma_wait3A_1949 : memref<1x64xi32, #tpu.memory_space<vmem>> -> memref<64xi32, #tpu.memory_space<vmem>>
      %dma_wait3A_1951 = tpu.memref_slice %arg2[%add3A_15] : memref<10240xi32, #tpu.memory_space<hbm>> -> memref<64xi32, #tpu.memory_space<hbm>>
      tpu.wait_dma2 semaphore(%run_scoped3A_1935 : memref<!tpu.dma_semaphore, #tpu.memory_space<semaphore_mem>>) src(%dma_wait3A_1951 : memref<64xi32, #tpu.memory_space<hbm>>) dst(%dma_wait3A_1950 : memref<64xi32, #tpu.memory_space<vmem>>)
      tpu.yield
    }) : () -> ()
    "tpu.region"() ({
      %run_scoped3A_1935 = tpu.sem_alloc : memref<!tpu.dma_semaphore, #tpu.memory_space<semaphore_mem>>
      %dma_start3A_1936 = tpu.memref_slice %arg3[%mul3A_2] : memref<10240xf32, #tpu.memory_space<hbm>> -> memref<320xf32, #tpu.memory_space<hbm>>
      %dma_start3A_1937 = tpu.memref_slice %arg3[%mul3A_2] : memref<10240xf32, #tpu.memory_space<hbm>> -> memref<320xf32, #tpu.memory_space<hbm>>
      tpu.enqueue_dma source(%dma_start3A_1937 : memref<320xf32, #tpu.memory_space<hbm>>) target(%arg14 : memref<320xf32, #tpu.memory_space<vmem>>) target_semaphore(%run_scoped3A_1935 : memref<!tpu.dma_semaphore, #tpu.memory_space<semaphore_mem>>)
      %dma_wait3A_1938 = tpu.memref_slice %arg3[%mul3A_2] : memref<10240xf32, #tpu.memory_space<hbm>> -> memref<320xf32, #tpu.memory_space<hbm>>
      %dma_wait3A_1939 = tpu.memref_slice %arg3[%mul3A_2] : memref<10240xf32, #tpu.memory_space<hbm>> -> memref<320xf32, #tpu.memory_space<hbm>>
      tpu.wait_dma2 semaphore(%run_scoped3A_1935 : memref<!tpu.dma_semaphore, #tpu.memory_space<semaphore_mem>>) src(%dma_wait3A_1939 : memref<320xf32, #tpu.memory_space<hbm>>) dst(%arg14 : memref<320xf32, #tpu.memory_space<vmem>>)
      tpu.yield
    }) : () -> ()
    "tpu.region"() ({
      %run_scoped3A_1935 = tpu.sem_alloc : memref<!tpu.dma_semaphore, #tpu.memory_space<semaphore_mem>>
      %dma_start3A_1936 = tpu.memref_slice %arg4[%mul3A_2] : memref<10240xf32, #tpu.memory_space<hbm>> -> memref<320xf32, #tpu.memory_space<hbm>>
      %dma_start3A_1937 = tpu.memref_slice %arg4[%mul3A_2] : memref<10240xf32, #tpu.memory_space<hbm>> -> memref<320xf32, #tpu.memory_space<hbm>>
      tpu.enqueue_dma source(%dma_start3A_1937 : memref<320xf32, #tpu.memory_space<hbm>>) target(%arg15 : memref<320xf32, #tpu.memory_space<vmem>>) target_semaphore(%run_scoped3A_1935 : memref<!tpu.dma_semaphore, #tpu.memory_space<semaphore_mem>>)
      %dma_wait3A_1938 = tpu.memref_slice %arg4[%mul3A_2] : memref<10240xf32, #tpu.memory_space<hbm>> -> memref<320xf32, #tpu.memory_space<hbm>>
      %dma_wait3A_1939 = tpu.memref_slice %arg4[%mul3A_2] : memref<10240xf32, #tpu.memory_space<hbm>> -> memref<320xf32, #tpu.memory_space<hbm>>
      tpu.wait_dma2 semaphore(%run_scoped3A_1935 : memref<!tpu.dma_semaphore, #tpu.memory_space<semaphore_mem>>) src(%dma_wait3A_1939 : memref<320xf32, #tpu.memory_space<hbm>>) dst(%arg15 : memref<320xf32, #tpu.memory_space<vmem>>)
      tpu.yield
    }) : () -> ()
    "tpu.region"() ({
      %run_scoped3A_1935 = tpu.sem_alloc : memref<!tpu.dma_semaphore, #tpu.memory_space<semaphore_mem>>
      %dma_start3A_1936 = tpu.memref_slice %arg5[%mul3A_2] : memref<10240xf32, #tpu.memory_space<hbm>> -> memref<320xf32, #tpu.memory_space<hbm>>
      %dma_start3A_1937 = tpu.memref_slice %arg5[%mul3A_2] : memref<10240xf32, #tpu.memory_space<hbm>> -> memref<320xf32, #tpu.memory_space<hbm>>
      tpu.enqueue_dma source(%dma_start3A_1937 : memref<320xf32, #tpu.memory_space<hbm>>) target(%arg16 : memref<320xf32, #tpu.memory_space<vmem>>) target_semaphore(%run_scoped3A_1935 : memref<!tpu.dma_semaphore, #tpu.memory_space<semaphore_mem>>)
      %dma_wait3A_1938 = tpu.memref_slice %arg5[%mul3A_2] : memref<10240xf32, #tpu.memory_space<hbm>> -> memref<320xf32, #tpu.memory_space<hbm>>
      %dma_wait3A_1939 = tpu.memref_slice %arg5[%mul3A_2] : memref<10240xf32, #tpu.memory_space<hbm>> -> memref<320xf32, #tpu.memory_space<hbm>>
      tpu.wait_dma2 semaphore(%run_scoped3A_1935 : memref<!tpu.dma_semaphore, #tpu.memory_space<semaphore_mem>>) src(%dma_wait3A_1939 : memref<320xf32, #tpu.memory_space<hbm>>) dst(%arg16 : memref<320xf32, #tpu.memory_space<vmem>>)
      tpu.yield
    }) : () -> ()
    %dma_start3A = arith.constant 0 : i32
    %dma_start3A_17 = arith.constant 0 : i32
    %dma_start3A_18 = arith.constant 0 : i32
    %dma_start3A_19 = tpu.memref_slice %arg17[%dma_start3A_17, %dma_start3A_18] : memref<5x64xf32, #tpu.memory_space<vmem>> -> memref<1x64xf32, #tpu.memory_space<vmem>>
    %dma_start3A_20 = tpu.memref_squeeze %dma_start3A_19 : memref<1x64xf32, #tpu.memory_space<vmem>> -> memref<64xf32, #tpu.memory_space<vmem>>
    %dma_start3A_21 = arith.constant 0 : i32
    %dma_start3A_22 = tpu.memref_slice %arg13[%dma_start3A, %dma_start3A_21] : memref<5x64xi32, #tpu.memory_space<vmem>> -> memref<1x64xi32, #tpu.memory_space<vmem>>
    %dma_start3A_23 = tpu.memref_squeeze %dma_start3A_22 : memref<1x64xi32, #tpu.memory_space<vmem>> -> memref<64xi32, #tpu.memory_space<vmem>>
    %dma_start3A_24 = arith.constant 0 : i32
    %dma_start3A_25 = tpu.memref_slice %arg6[%dma_start3A_24] : memref<16384xf32, #tpu.memory_space<hbm>> -> memref<16384xf32, #tpu.memory_space<hbm>>
    tpu.enqueue_indirect_dma source(%dma_start3A_25 : memref<16384xf32, #tpu.memory_space<hbm>>) target(%dma_start3A_20 : memref<64xf32, #tpu.memory_space<vmem>>) offsets(%dma_start3A_23 : memref<64xi32, #tpu.memory_space<vmem>>) semaphore(%arg24 : memref<!tpu.dma_semaphore, #tpu.memory_space<semaphore_mem>>)
    %dma_start3A_26 = arith.constant 0 : i32
    %dma_start3A_27 = arith.constant 0 : i32
    %dma_start3A_28 = arith.constant 0 : i32
    %dma_start3A_29 = tpu.memref_slice %arg18[%dma_start3A_27, %dma_start3A_28] : memref<5x64xf32, #tpu.memory_space<vmem>> -> memref<1x64xf32, #tpu.memory_space<vmem>>
    %dma_start3A_30 = tpu.memref_squeeze %dma_start3A_29 : memref<1x64xf32, #tpu.memory_space<vmem>> -> memref<64xf32, #tpu.memory_space<vmem>>
    %dma_start3A_31 = arith.constant 0 : i32
    %dma_start3A_32 = tpu.memref_slice %arg13[%dma_start3A_26, %dma_start3A_31] : memref<5x64xi32, #tpu.memory_space<vmem>> -> memref<1x64xi32, #tpu.memory_space<vmem>>
    %dma_start3A_33 = tpu.memref_squeeze %dma_start3A_32 : memref<1x64xi32, #tpu.memory_space<vmem>> -> memref<64xi32, #tpu.memory_space<vmem>>
    %dma_start3A_34 = arith.constant 0 : i32
    %dma_start3A_35 = tpu.memref_slice %arg7[%dma_start3A_34] : memref<16384xf32, #tpu.memory_space<hbm>> -> memref<16384xf32, #tpu.memory_space<hbm>>
    tpu.enqueue_indirect_dma source(%dma_start3A_35 : memref<16384xf32, #tpu.memory_space<hbm>>) target(%dma_start3A_30 : memref<64xf32, #tpu.memory_space<vmem>>) offsets(%dma_start3A_33 : memref<64xi32, #tpu.memory_space<vmem>>) semaphore(%arg24 : memref<!tpu.dma_semaphore, #tpu.memory_space<semaphore_mem>>)
    %dma_start3A_36 = arith.constant 0 : i32
    %dma_start3A_37 = arith.constant 0 : i32
    %dma_start3A_38 = arith.constant 0 : i32
    %dma_start3A_39 = tpu.memref_slice %arg19[%dma_start3A_37, %dma_start3A_38] : memref<5x64xf32, #tpu.memory_space<vmem>> -> memref<1x64xf32, #tpu.memory_space<vmem>>
    %dma_start3A_40 = tpu.memref_squeeze %dma_start3A_39 : memref<1x64xf32, #tpu.memory_space<vmem>> -> memref<64xf32, #tpu.memory_space<vmem>>
    %dma_start3A_41 = arith.constant 0 : i32
    %dma_start3A_42 = tpu.memref_slice %arg13[%dma_start3A_36, %dma_start3A_41] : memref<5x64xi32, #tpu.memory_space<vmem>> -> memref<1x64xi32, #tpu.memory_space<vmem>>
    %dma_start3A_43 = tpu.memref_squeeze %dma_start3A_42 : memref<1x64xi32, #tpu.memory_space<vmem>> -> memref<64xi32, #tpu.memory_space<vmem>>
    %dma_start3A_44 = arith.constant 0 : i32
    %dma_start3A_45 = tpu.memref_slice %arg8[%dma_start3A_44] : memref<16384xf32, #tpu.memory_space<hbm>> -> memref<16384xf32, #tpu.memory_space<hbm>>
    tpu.enqueue_indirect_dma source(%dma_start3A_45 : memref<16384xf32, #tpu.memory_space<hbm>>) target(%dma_start3A_40 : memref<64xf32, #tpu.memory_space<vmem>>) offsets(%dma_start3A_43 : memref<64xi32, #tpu.memory_space<vmem>>) semaphore(%arg24 : memref<!tpu.dma_semaphore, #tpu.memory_space<semaphore_mem>>)
    %dma_start3A_46 = arith.constant 0 : i32
    %dma_start3A_47 = arith.constant 0 : i32
    %dma_start3A_48 = arith.constant 0 : i32
    %dma_start3A_49 = tpu.memref_slice %arg20[%dma_start3A_47, %dma_start3A_48] : memref<5x64xf32, #tpu.memory_space<vmem>> -> memref<1x64xf32, #tpu.memory_space<vmem>>
    %dma_start3A_50 = tpu.memref_squeeze %dma_start3A_49 : memref<1x64xf32, #tpu.memory_space<vmem>> -> memref<64xf32, #tpu.memory_space<vmem>>
    %dma_start3A_51 = arith.constant 0 : i32
    %dma_start3A_52 = tpu.memref_slice %arg13[%dma_start3A_46, %dma_start3A_51] : memref<5x64xi32, #tpu.memory_space<vmem>> -> memref<1x64xi32, #tpu.memory_space<vmem>>
    %dma_start3A_53 = tpu.memref_squeeze %dma_start3A_52 : memref<1x64xi32, #tpu.memory_space<vmem>> -> memref<64xi32, #tpu.memory_space<vmem>>
    %dma_start3A_54 = arith.constant 0 : i32
    %dma_start3A_55 = tpu.memref_slice %arg9[%dma_start3A_54] : memref<16384xf32, #tpu.memory_space<hbm>> -> memref<16384xf32, #tpu.memory_space<hbm>>
    tpu.enqueue_indirect_dma source(%dma_start3A_55 : memref<16384xf32, #tpu.memory_space<hbm>>) target(%dma_start3A_50 : memref<64xf32, #tpu.memory_space<vmem>>) offsets(%dma_start3A_53 : memref<64xi32, #tpu.memory_space<vmem>>) semaphore(%arg24 : memref<!tpu.dma_semaphore, #tpu.memory_space<semaphore_mem>>)
    %dma_start3A_56 = arith.constant 0 : i32
    %dma_start3A_57 = arith.constant 0 : i32
    %dma_start3A_58 = arith.constant 0 : i32
    %dma_start3A_59 = tpu.memref_slice %arg21[%dma_start3A_57, %dma_start3A_58] : memref<5x64xf32, #tpu.memory_space<vmem>> -> memref<1x64xf32, #tpu.memory_space<vmem>>
    %dma_start3A_60 = tpu.memref_squeeze %dma_start3A_59 : memref<1x64xf32, #tpu.memory_space<vmem>> -> memref<64xf32, #tpu.memory_space<vmem>>
    %dma_start3A_61 = arith.constant 0 : i32
    %dma_start3A_62 = tpu.memref_slice %arg13[%dma_start3A_56, %dma_start3A_61] : memref<5x64xi32, #tpu.memory_space<vmem>> -> memref<1x64xi32, #tpu.memory_space<vmem>>
    %dma_start3A_63 = tpu.memref_squeeze %dma_start3A_62 : memref<1x64xi32, #tpu.memory_space<vmem>> -> memref<64xi32, #tpu.memory_space<vmem>>
    %dma_start3A_64 = arith.constant 0 : i32
    %dma_start3A_65 = tpu.memref_slice %arg10[%dma_start3A_64] : memref<16384xf32, #tpu.memory_space<hbm>> -> memref<16384xf32, #tpu.memory_space<hbm>>
    tpu.enqueue_indirect_dma source(%dma_start3A_65 : memref<16384xf32, #tpu.memory_space<hbm>>) target(%dma_start3A_60 : memref<64xf32, #tpu.memory_space<vmem>>) offsets(%dma_start3A_63 : memref<64xi32, #tpu.memory_space<vmem>>) semaphore(%arg24 : memref<!tpu.dma_semaphore, #tpu.memory_space<semaphore_mem>>)
    %dma_start3A_66 = arith.constant 0 : i32
    %dma_start3A_67 = arith.constant 0 : i32
    %dma_start3A_68 = arith.constant 0 : i32
    %dma_start3A_69 = tpu.memref_slice %arg22[%dma_start3A_67, %dma_start3A_68] : memref<5x64xf32, #tpu.memory_space<vmem>> -> memref<1x64xf32, #tpu.memory_space<vmem>>
    %dma_start3A_70 = tpu.memref_squeeze %dma_start3A_69 : memref<1x64xf32, #tpu.memory_space<vmem>> -> memref<64xf32, #tpu.memory_space<vmem>>
    %dma_start3A_71 = arith.constant 0 : i32
    %dma_start3A_72 = tpu.memref_slice %arg13[%dma_start3A_66, %dma_start3A_71] : memref<5x64xi32, #tpu.memory_space<vmem>> -> memref<1x64xi32, #tpu.memory_space<vmem>>
    %dma_start3A_73 = tpu.memref_squeeze %dma_start3A_72 : memref<1x64xi32, #tpu.memory_space<vmem>> -> memref<64xi32, #tpu.memory_space<vmem>>
    %dma_start3A_74 = arith.constant 0 : i32
    %dma_start3A_75 = tpu.memref_slice %arg11[%dma_start3A_74] : memref<16384xf32, #tpu.memory_space<hbm>> -> memref<16384xf32, #tpu.memory_space<hbm>>
    tpu.enqueue_indirect_dma source(%dma_start3A_75 : memref<16384xf32, #tpu.memory_space<hbm>>) target(%dma_start3A_70 : memref<64xf32, #tpu.memory_space<vmem>>) offsets(%dma_start3A_73 : memref<64xi32, #tpu.memory_space<vmem>>) semaphore(%arg24 : memref<!tpu.dma_semaphore, #tpu.memory_space<semaphore_mem>>)
    %dma_start3A_76 = arith.constant 1 : i32
    %dma_start3A_77 = arith.constant 1 : i32
    %dma_start3A_78 = arith.constant 0 : i32
    %dma_start3A_79 = tpu.memref_slice %arg17[%dma_start3A_77, %dma_start3A_78] : memref<5x64xf32, #tpu.memory_space<vmem>> -> memref<1x64xf32, #tpu.memory_space<vmem>>
    %dma_start3A_80 = tpu.memref_squeeze %dma_start3A_79 : memref<1x64xf32, #tpu.memory_space<vmem>> -> memref<64xf32, #tpu.memory_space<vmem>>
    %dma_start3A_81 = arith.constant 0 : i32
    %dma_start3A_82 = tpu.memref_slice %arg13[%dma_start3A_76, %dma_start3A_81] : memref<5x64xi32, #tpu.memory_space<vmem>> -> memref<1x64xi32, #tpu.memory_space<vmem>>
    %dma_start3A_83 = tpu.memref_squeeze %dma_start3A_82 : memref<1x64xi32, #tpu.memory_space<vmem>> -> memref<64xi32, #tpu.memory_space<vmem>>
    %dma_start3A_84 = arith.constant 0 : i32
    %dma_start3A_85 = tpu.memref_slice %arg6[%dma_start3A_84] : memref<16384xf32, #tpu.memory_space<hbm>> -> memref<16384xf32, #tpu.memory_space<hbm>>
    tpu.enqueue_indirect_dma source(%dma_start3A_85 : memref<16384xf32, #tpu.memory_space<hbm>>) target(%dma_start3A_80 : memref<64xf32, #tpu.memory_space<vmem>>) offsets(%dma_start3A_83 : memref<64xi32, #tpu.memory_space<vmem>>) semaphore(%arg24 : memref<!tpu.dma_semaphore, #tpu.memory_space<semaphore_mem>>)
    %dma_start3A_86 = arith.constant 1 : i32
    %dma_start3A_87 = arith.constant 1 : i32
    %dma_start3A_88 = arith.constant 0 : i32
    %dma_start3A_89 = tpu.memref_slice %arg18[%dma_start3A_87, %dma_start3A_88] : memref<5x64xf32, #tpu.memory_space<vmem>> -> memref<1x64xf32, #tpu.memory_space<vmem>>
    %dma_start3A_90 = tpu.memref_squeeze %dma_start3A_89 : memref<1x64xf32, #tpu.memory_space<vmem>> -> memref<64xf32, #tpu.memory_space<vmem>>
    %dma_start3A_91 = arith.constant 0 : i32
    %dma_start3A_92 = tpu.memref_slice %arg13[%dma_start3A_86, %dma_start3A_91] : memref<5x64xi32, #tpu.memory_space<vmem>> -> memref<1x64xi32, #tpu.memory_space<vmem>>
    %dma_start3A_93 = tpu.memref_squeeze %dma_start3A_92 : memref<1x64xi32, #tpu.memory_space<vmem>> -> memref<64xi32, #tpu.memory_space<vmem>>
    %dma_start3A_94 = arith.constant 0 : i32
    %dma_start3A_95 = tpu.memref_slice %arg7[%dma_start3A_94] : memref<16384xf32, #tpu.memory_space<hbm>> -> memref<16384xf32, #tpu.memory_space<hbm>>
    tpu.enqueue_indirect_dma source(%dma_start3A_95 : memref<16384xf32, #tpu.memory_space<hbm>>) target(%dma_start3A_90 : memref<64xf32, #tpu.memory_space<vmem>>) offsets(%dma_start3A_93 : memref<64xi32, #tpu.memory_space<vmem>>) semaphore(%arg24 : memref<!tpu.dma_semaphore, #tpu.memory_space<semaphore_mem>>)
    %dma_start3A_96 = arith.constant 1 : i32
    %dma_start3A_97 = arith.constant 1 : i32
    %dma_start3A_98 = arith.constant 0 : i32
    %dma_start3A_99 = tpu.memref_slice %arg19[%dma_start3A_97, %dma_start3A_98] : memref<5x64xf32, #tpu.memory_space<vmem>> -> memref<1x64xf32, #tpu.memory_space<vmem>>
    %dma_start3A_100 = tpu.memref_squeeze %dma_start3A_99 : memref<1x64xf32, #tpu.memory_space<vmem>> -> memref<64xf32, #tpu.memory_space<vmem>>
    %dma_start3A_101 = arith.constant 0 : i32
    %dma_start3A_102 = tpu.memref_slice %arg13[%dma_start3A_96, %dma_start3A_101] : memref<5x64xi32, #tpu.memory_space<vmem>> -> memref<1x64xi32, #tpu.memory_space<vmem>>
    %dma_start3A_103 = tpu.memref_squeeze %dma_start3A_102 : memref<1x64xi32, #tpu.memory_space<vmem>> -> memref<64xi32, #tpu.memory_space<vmem>>
    %dma_start3A_104 = arith.constant 0 : i32
    %dma_start3A_105 = tpu.memref_slice %arg8[%dma_start3A_104] : memref<16384xf32, #tpu.memory_space<hbm>> -> memref<16384xf32, #tpu.memory_space<hbm>>
    tpu.enqueue_indirect_dma source(%dma_start3A_105 : memref<16384xf32, #tpu.memory_space<hbm>>) target(%dma_start3A_100 : memref<64xf32, #tpu.memory_space<vmem>>) offsets(%dma_start3A_103 : memref<64xi32, #tpu.memory_space<vmem>>) semaphore(%arg24 : memref<!tpu.dma_semaphore, #tpu.memory_space<semaphore_mem>>)
    %dma_start3A_106 = arith.constant 1 : i32
    %dma_start3A_107 = arith.constant 1 : i32
    %dma_start3A_108 = arith.constant 0 : i32
    %dma_start3A_109 = tpu.memref_slice %arg20[%dma_start3A_107, %dma_start3A_108] : memref<5x64xf32, #tpu.memory_space<vmem>> -> memref<1x64xf32, #tpu.memory_space<vmem>>
    %dma_start3A_110 = tpu.memref_squeeze %dma_start3A_109 : memref<1x64xf32, #tpu.memory_space<vmem>> -> memref<64xf32, #tpu.memory_space<vmem>>
    %dma_start3A_111 = arith.constant 0 : i32
    %dma_start3A_112 = tpu.memref_slice %arg13[%dma_start3A_106, %dma_start3A_111] : memref<5x64xi32, #tpu.memory_space<vmem>> -> memref<1x64xi32, #tpu.memory_space<vmem>>
    %dma_start3A_113 = tpu.memref_squeeze %dma_start3A_112 : memref<1x64xi32, #tpu.memory_space<vmem>> -> memref<64xi32, #tpu.memory_space<vmem>>
    %dma_start3A_114 = arith.constant 0 : i32
    %dma_start3A_115 = tpu.memref_slice %arg9[%dma_start3A_114] : memref<16384xf32, #tpu.memory_space<hbm>> -> memref<16384xf32, #tpu.memory_space<hbm>>
    tpu.enqueue_indirect_dma source(%dma_start3A_115 : memref<16384xf32, #tpu.memory_space<hbm>>) target(%dma_start3A_110 : memref<64xf32, #tpu.memory_space<vmem>>) offsets(%dma_start3A_113 : memref<64xi32, #tpu.memory_space<vmem>>) semaphore(%arg24 : memref<!tpu.dma_semaphore, #tpu.memory_space<semaphore_mem>>)
    %dma_start3A_116 = arith.constant 1 : i32
    %dma_start3A_117 = arith.constant 1 : i32
    %dma_start3A_118 = arith.constant 0 : i32
    %dma_start3A_119 = tpu.memref_slice %arg21[%dma_start3A_117, %dma_start3A_118] : memref<5x64xf32, #tpu.memory_space<vmem>> -> memref<1x64xf32, #tpu.memory_space<vmem>>
    %dma_start3A_120 = tpu.memref_squeeze %dma_start3A_119 : memref<1x64xf32, #tpu.memory_space<vmem>> -> memref<64xf32, #tpu.memory_space<vmem>>
    %dma_start3A_121 = arith.constant 0 : i32
    %dma_start3A_122 = tpu.memref_slice %arg13[%dma_start3A_116, %dma_start3A_121] : memref<5x64xi32, #tpu.memory_space<vmem>> -> memref<1x64xi32, #tpu.memory_space<vmem>>
    %dma_start3A_123 = tpu.memref_squeeze %dma_start3A_122 : memref<1x64xi32, #tpu.memory_space<vmem>> -> memref<64xi32, #tpu.memory_space<vmem>>
    %dma_start3A_124 = arith.constant 0 : i32
    %dma_start3A_125 = tpu.memref_slice %arg10[%dma_start3A_124] : memref<16384xf32, #tpu.memory_space<hbm>> -> memref<16384xf32, #tpu.memory_space<hbm>>
    tpu.enqueue_indirect_dma source(%dma_start3A_125 : memref<16384xf32, #tpu.memory_space<hbm>>) target(%dma_start3A_120 : memref<64xf32, #tpu.memory_space<vmem>>) offsets(%dma_start3A_123 : memref<64xi32, #tpu.memory_space<vmem>>) semaphore(%arg24 : memref<!tpu.dma_semaphore, #tpu.memory_space<semaphore_mem>>)
    %dma_start3A_126 = arith.constant 1 : i32
    %dma_start3A_127 = arith.constant 1 : i32
    %dma_start3A_128 = arith.constant 0 : i32
    %dma_start3A_129 = tpu.memref_slice %arg22[%dma_start3A_127, %dma_start3A_128] : memref<5x64xf32, #tpu.memory_space<vmem>> -> memref<1x64xf32, #tpu.memory_space<vmem>>
    %dma_start3A_130 = tpu.memref_squeeze %dma_start3A_129 : memref<1x64xf32, #tpu.memory_space<vmem>> -> memref<64xf32, #tpu.memory_space<vmem>>
    %dma_start3A_131 = arith.constant 0 : i32
    %dma_start3A_132 = tpu.memref_slice %arg13[%dma_start3A_126, %dma_start3A_131] : memref<5x64xi32, #tpu.memory_space<vmem>> -> memref<1x64xi32, #tpu.memory_space<vmem>>
    %dma_start3A_133 = tpu.memref_squeeze %dma_start3A_132 : memref<1x64xi32, #tpu.memory_space<vmem>> -> memref<64xi32, #tpu.memory_space<vmem>>
    %dma_start3A_134 = arith.constant 0 : i32
    %dma_start3A_135 = tpu.memref_slice %arg11[%dma_start3A_134] : memref<16384xf32, #tpu.memory_space<hbm>> -> memref<16384xf32, #tpu.memory_space<hbm>>
    tpu.enqueue_indirect_dma source(%dma_start3A_135 : memref<16384xf32, #tpu.memory_space<hbm>>) target(%dma_start3A_130 : memref<64xf32, #tpu.memory_space<vmem>>) offsets(%dma_start3A_133 : memref<64xi32, #tpu.memory_space<vmem>>) semaphore(%arg24 : memref<!tpu.dma_semaphore, #tpu.memory_space<semaphore_mem>>)
    %dma_start3A_136 = arith.constant 2 : i32
    %dma_start3A_137 = arith.constant 2 : i32
    %dma_start3A_138 = arith.constant 0 : i32
    %dma_start3A_139 = tpu.memref_slice %arg17[%dma_start3A_137, %dma_start3A_138] : memref<5x64xf32, #tpu.memory_space<vmem>> -> memref<1x64xf32, #tpu.memory_space<vmem>>
    %dma_start3A_140 = tpu.memref_squeeze %dma_start3A_139 : memref<1x64xf32, #tpu.memory_space<vmem>> -> memref<64xf32, #tpu.memory_space<vmem>>
    %dma_start3A_141 = arith.constant 0 : i32
    %dma_start3A_142 = tpu.memref_slice %arg13[%dma_start3A_136, %dma_start3A_141] : memref<5x64xi32, #tpu.memory_space<vmem>> -> memref<1x64xi32, #tpu.memory_space<vmem>>
    %dma_start3A_143 = tpu.memref_squeeze %dma_start3A_142 : memref<1x64xi32, #tpu.memory_space<vmem>> -> memref<64xi32, #tpu.memory_space<vmem>>
    %dma_start3A_144 = arith.constant 0 : i32
    %dma_start3A_145 = tpu.memref_slice %arg6[%dma_start3A_144] : memref<16384xf32, #tpu.memory_space<hbm>> -> memref<16384xf32, #tpu.memory_space<hbm>>
    tpu.enqueue_indirect_dma source(%dma_start3A_145 : memref<16384xf32, #tpu.memory_space<hbm>>) target(%dma_start3A_140 : memref<64xf32, #tpu.memory_space<vmem>>) offsets(%dma_start3A_143 : memref<64xi32, #tpu.memory_space<vmem>>) semaphore(%arg24 : memref<!tpu.dma_semaphore, #tpu.memory_space<semaphore_mem>>)
    %dma_start3A_146 = arith.constant 2 : i32
    %dma_start3A_147 = arith.constant 2 : i32
    %dma_start3A_148 = arith.constant 0 : i32
    %dma_start3A_149 = tpu.memref_slice %arg18[%dma_start3A_147, %dma_start3A_148] : memref<5x64xf32, #tpu.memory_space<vmem>> -> memref<1x64xf32, #tpu.memory_space<vmem>>
    %dma_start3A_150 = tpu.memref_squeeze %dma_start3A_149 : memref<1x64xf32, #tpu.memory_space<vmem>> -> memref<64xf32, #tpu.memory_space<vmem>>
    %dma_start3A_151 = arith.constant 0 : i32
    %dma_start3A_152 = tpu.memref_slice %arg13[%dma_start3A_146, %dma_start3A_151] : memref<5x64xi32, #tpu.memory_space<vmem>> -> memref<1x64xi32, #tpu.memory_space<vmem>>
    %dma_start3A_153 = tpu.memref_squeeze %dma_start3A_152 : memref<1x64xi32, #tpu.memory_space<vmem>> -> memref<64xi32, #tpu.memory_space<vmem>>
    %dma_start3A_154 = arith.constant 0 : i32
    %dma_start3A_155 = tpu.memref_slice %arg7[%dma_start3A_154] : memref<16384xf32, #tpu.memory_space<hbm>> -> memref<16384xf32, #tpu.memory_space<hbm>>
    tpu.enqueue_indirect_dma source(%dma_start3A_155 : memref<16384xf32, #tpu.memory_space<hbm>>) target(%dma_start3A_150 : memref<64xf32, #tpu.memory_space<vmem>>) offsets(%dma_start3A_153 : memref<64xi32, #tpu.memory_space<vmem>>) semaphore(%arg24 : memref<!tpu.dma_semaphore, #tpu.memory_space<semaphore_mem>>)
    %dma_start3A_156 = arith.constant 2 : i32
    %dma_start3A_157 = arith.constant 2 : i32
    %dma_start3A_158 = arith.constant 0 : i32
    %dma_start3A_159 = tpu.memref_slice %arg19[%dma_start3A_157, %dma_start3A_158] : memref<5x64xf32, #tpu.memory_space<vmem>> -> memref<1x64xf32, #tpu.memory_space<vmem>>
    %dma_start3A_160 = tpu.memref_squeeze %dma_start3A_159 : memref<1x64xf32, #tpu.memory_space<vmem>> -> memref<64xf32, #tpu.memory_space<vmem>>
    %dma_start3A_161 = arith.constant 0 : i32
    %dma_start3A_162 = tpu.memref_slice %arg13[%dma_start3A_156, %dma_start3A_161] : memref<5x64xi32, #tpu.memory_space<vmem>> -> memref<1x64xi32, #tpu.memory_space<vmem>>
    %dma_start3A_163 = tpu.memref_squeeze %dma_start3A_162 : memref<1x64xi32, #tpu.memory_space<vmem>> -> memref<64xi32, #tpu.memory_space<vmem>>
    %dma_start3A_164 = arith.constant 0 : i32
    %dma_start3A_165 = tpu.memref_slice %arg8[%dma_start3A_164] : memref<16384xf32, #tpu.memory_space<hbm>> -> memref<16384xf32, #tpu.memory_space<hbm>>
    tpu.enqueue_indirect_dma source(%dma_start3A_165 : memref<16384xf32, #tpu.memory_space<hbm>>) target(%dma_start3A_160 : memref<64xf32, #tpu.memory_space<vmem>>) offsets(%dma_start3A_163 : memref<64xi32, #tpu.memory_space<vmem>>) semaphore(%arg24 : memref<!tpu.dma_semaphore, #tpu.memory_space<semaphore_mem>>)
    %dma_start3A_166 = arith.constant 2 : i32
    %dma_start3A_167 = arith.constant 2 : i32
    %dma_start3A_168 = arith.constant 0 : i32
    %dma_start3A_169 = tpu.memref_slice %arg20[%dma_start3A_167, %dma_start3A_168] : memref<5x64xf32, #tpu.memory_space<vmem>> -> memref<1x64xf32, #tpu.memory_space<vmem>>
    %dma_start3A_170 = tpu.memref_squeeze %dma_start3A_169 : memref<1x64xf32, #tpu.memory_space<vmem>> -> memref<64xf32, #tpu.memory_space<vmem>>
    %dma_start3A_171 = arith.constant 0 : i32
    %dma_start3A_172 = tpu.memref_slice %arg13[%dma_start3A_166, %dma_start3A_171] : memref<5x64xi32, #tpu.memory_space<vmem>> -> memref<1x64xi32, #tpu.memory_space<vmem>>
    %dma_start3A_173 = tpu.memref_squeeze %dma_start3A_172 : memref<1x64xi32, #tpu.memory_space<vmem>> -> memref<64xi32, #tpu.memory_space<vmem>>
    %dma_start3A_174 = arith.constant 0 : i32
    %dma_start3A_175 = tpu.memref_slice %arg9[%dma_start3A_174] : memref<16384xf32, #tpu.memory_space<hbm>> -> memref<16384xf32, #tpu.memory_space<hbm>>
    tpu.enqueue_indirect_dma source(%dma_start3A_175 : memref<16384xf32, #tpu.memory_space<hbm>>) target(%dma_start3A_170 : memref<64xf32, #tpu.memory_space<vmem>>) offsets(%dma_start3A_173 : memref<64xi32, #tpu.memory_space<vmem>>) semaphore(%arg24 : memref<!tpu.dma_semaphore, #tpu.memory_space<semaphore_mem>>)
    %dma_start3A_176 = arith.constant 2 : i32
    %dma_start3A_177 = arith.constant 2 : i32
    %dma_start3A_178 = arith.constant 0 : i32
    %dma_start3A_179 = tpu.memref_slice %arg21[%dma_start3A_177, %dma_start3A_178] : memref<5x64xf32, #tpu.memory_space<vmem>> -> memref<1x64xf32, #tpu.memory_space<vmem>>
    %dma_start3A_180 = tpu.memref_squeeze %dma_start3A_179 : memref<1x64xf32, #tpu.memory_space<vmem>> -> memref<64xf32, #tpu.memory_space<vmem>>
    %dma_start3A_181 = arith.constant 0 : i32
    %dma_start3A_182 = tpu.memref_slice %arg13[%dma_start3A_176, %dma_start3A_181] : memref<5x64xi32, #tpu.memory_space<vmem>> -> memref<1x64xi32, #tpu.memory_space<vmem>>
    %dma_start3A_183 = tpu.memref_squeeze %dma_start3A_182 : memref<1x64xi32, #tpu.memory_space<vmem>> -> memref<64xi32, #tpu.memory_space<vmem>>
    %dma_start3A_184 = arith.constant 0 : i32
    %dma_start3A_185 = tpu.memref_slice %arg10[%dma_start3A_184] : memref<16384xf32, #tpu.memory_space<hbm>> -> memref<16384xf32, #tpu.memory_space<hbm>>
    tpu.enqueue_indirect_dma source(%dma_start3A_185 : memref<16384xf32, #tpu.memory_space<hbm>>) target(%dma_start3A_180 : memref<64xf32, #tpu.memory_space<vmem>>) offsets(%dma_start3A_183 : memref<64xi32, #tpu.memory_space<vmem>>) semaphore(%arg24 : memref<!tpu.dma_semaphore, #tpu.memory_space<semaphore_mem>>)
    %dma_start3A_186 = arith.constant 2 : i32
    %dma_start3A_187 = arith.constant 2 : i32
    %dma_start3A_188 = arith.constant 0 : i32
    %dma_start3A_189 = tpu.memref_slice %arg22[%dma_start3A_187, %dma_start3A_188] : memref<5x64xf32, #tpu.memory_space<vmem>> -> memref<1x64xf32, #tpu.memory_space<vmem>>
    %dma_start3A_190 = tpu.memref_squeeze %dma_start3A_189 : memref<1x64xf32, #tpu.memory_space<vmem>> -> memref<64xf32, #tpu.memory_space<vmem>>
    %dma_start3A_191 = arith.constant 0 : i32
    %dma_start3A_192 = tpu.memref_slice %arg13[%dma_start3A_186, %dma_start3A_191] : memref<5x64xi32, #tpu.memory_space<vmem>> -> memref<1x64xi32, #tpu.memory_space<vmem>>
    %dma_start3A_193 = tpu.memref_squeeze %dma_start3A_192 : memref<1x64xi32, #tpu.memory_space<vmem>> -> memref<64xi32, #tpu.memory_space<vmem>>
    %dma_start3A_194 = arith.constant 0 : i32
    %dma_start3A_195 = tpu.memref_slice %arg11[%dma_start3A_194] : memref<16384xf32, #tpu.memory_space<hbm>> -> memref<16384xf32, #tpu.memory_space<hbm>>
    tpu.enqueue_indirect_dma source(%dma_start3A_195 : memref<16384xf32, #tpu.memory_space<hbm>>) target(%dma_start3A_190 : memref<64xf32, #tpu.memory_space<vmem>>) offsets(%dma_start3A_193 : memref<64xi32, #tpu.memory_space<vmem>>) semaphore(%arg24 : memref<!tpu.dma_semaphore, #tpu.memory_space<semaphore_mem>>)
    %dma_start3A_196 = arith.constant 3 : i32
    %dma_start3A_197 = arith.constant 3 : i32
    %dma_start3A_198 = arith.constant 0 : i32
    %dma_start3A_199 = tpu.memref_slice %arg17[%dma_start3A_197, %dma_start3A_198] : memref<5x64xf32, #tpu.memory_space<vmem>> -> memref<1x64xf32, #tpu.memory_space<vmem>>
    %dma_start3A_200 = tpu.memref_squeeze %dma_start3A_199 : memref<1x64xf32, #tpu.memory_space<vmem>> -> memref<64xf32, #tpu.memory_space<vmem>>
    %dma_start3A_201 = arith.constant 0 : i32
    %dma_start3A_202 = tpu.memref_slice %arg13[%dma_start3A_196, %dma_start3A_201] : memref<5x64xi32, #tpu.memory_space<vmem>> -> memref<1x64xi32, #tpu.memory_space<vmem>>
    %dma_start3A_203 = tpu.memref_squeeze %dma_start3A_202 : memref<1x64xi32, #tpu.memory_space<vmem>> -> memref<64xi32, #tpu.memory_space<vmem>>
    %dma_start3A_204 = arith.constant 0 : i32
    %dma_start3A_205 = tpu.memref_slice %arg6[%dma_start3A_204] : memref<16384xf32, #tpu.memory_space<hbm>> -> memref<16384xf32, #tpu.memory_space<hbm>>
    tpu.enqueue_indirect_dma source(%dma_start3A_205 : memref<16384xf32, #tpu.memory_space<hbm>>) target(%dma_start3A_200 : memref<64xf32, #tpu.memory_space<vmem>>) offsets(%dma_start3A_203 : memref<64xi32, #tpu.memory_space<vmem>>) semaphore(%arg24 : memref<!tpu.dma_semaphore, #tpu.memory_space<semaphore_mem>>)
    %dma_start3A_206 = arith.constant 3 : i32
    %dma_start3A_207 = arith.constant 3 : i32
    %dma_start3A_208 = arith.constant 0 : i32
    %dma_start3A_209 = tpu.memref_slice %arg18[%dma_start3A_207, %dma_start3A_208] : memref<5x64xf32, #tpu.memory_space<vmem>> -> memref<1x64xf32, #tpu.memory_space<vmem>>
    %dma_start3A_210 = tpu.memref_squeeze %dma_start3A_209 : memref<1x64xf32, #tpu.memory_space<vmem>> -> memref<64xf32, #tpu.memory_space<vmem>>
    %dma_start3A_211 = arith.constant 0 : i32
    %dma_start3A_212 = tpu.memref_slice %arg13[%dma_start3A_206, %dma_start3A_211] : memref<5x64xi32, #tpu.memory_space<vmem>> -> memref<1x64xi32, #tpu.memory_space<vmem>>
    %dma_start3A_213 = tpu.memref_squeeze %dma_start3A_212 : memref<1x64xi32, #tpu.memory_space<vmem>> -> memref<64xi32, #tpu.memory_space<vmem>>
    %dma_start3A_214 = arith.constant 0 : i32
    %dma_start3A_215 = tpu.memref_slice %arg7[%dma_start3A_214] : memref<16384xf32, #tpu.memory_space<hbm>> -> memref<16384xf32, #tpu.memory_space<hbm>>
    tpu.enqueue_indirect_dma source(%dma_start3A_215 : memref<16384xf32, #tpu.memory_space<hbm>>) target(%dma_start3A_210 : memref<64xf32, #tpu.memory_space<vmem>>) offsets(%dma_start3A_213 : memref<64xi32, #tpu.memory_space<vmem>>) semaphore(%arg24 : memref<!tpu.dma_semaphore, #tpu.memory_space<semaphore_mem>>)
    %dma_start3A_216 = arith.constant 3 : i32
    %dma_start3A_217 = arith.constant 3 : i32
    %dma_start3A_218 = arith.constant 0 : i32
    %dma_start3A_219 = tpu.memref_slice %arg19[%dma_start3A_217, %dma_start3A_218] : memref<5x64xf32, #tpu.memory_space<vmem>> -> memref<1x64xf32, #tpu.memory_space<vmem>>
    %dma_start3A_220 = tpu.memref_squeeze %dma_start3A_219 : memref<1x64xf32, #tpu.memory_space<vmem>> -> memref<64xf32, #tpu.memory_space<vmem>>
    %dma_start3A_221 = arith.constant 0 : i32
    %dma_start3A_222 = tpu.memref_slice %arg13[%dma_start3A_216, %dma_start3A_221] : memref<5x64xi32, #tpu.memory_space<vmem>> -> memref<1x64xi32, #tpu.memory_space<vmem>>
    %dma_start3A_223 = tpu.memref_squeeze %dma_start3A_222 : memref<1x64xi32, #tpu.memory_space<vmem>> -> memref<64xi32, #tpu.memory_space<vmem>>
    %dma_start3A_224 = arith.constant 0 : i32
    %dma_start3A_225 = tpu.memref_slice %arg8[%dma_start3A_224] : memref<16384xf32, #tpu.memory_space<hbm>> -> memref<16384xf32, #tpu.memory_space<hbm>>
    tpu.enqueue_indirect_dma source(%dma_start3A_225 : memref<16384xf32, #tpu.memory_space<hbm>>) target(%dma_start3A_220 : memref<64xf32, #tpu.memory_space<vmem>>) offsets(%dma_start3A_223 : memref<64xi32, #tpu.memory_space<vmem>>) semaphore(%arg24 : memref<!tpu.dma_semaphore, #tpu.memory_space<semaphore_mem>>)
    %dma_start3A_226 = arith.constant 3 : i32
    %dma_start3A_227 = arith.constant 3 : i32
    %dma_start3A_228 = arith.constant 0 : i32
    %dma_start3A_229 = tpu.memref_slice %arg20[%dma_start3A_227, %dma_start3A_228] : memref<5x64xf32, #tpu.memory_space<vmem>> -> memref<1x64xf32, #tpu.memory_space<vmem>>
    %dma_start3A_230 = tpu.memref_squeeze %dma_start3A_229 : memref<1x64xf32, #tpu.memory_space<vmem>> -> memref<64xf32, #tpu.memory_space<vmem>>
    %dma_start3A_231 = arith.constant 0 : i32
    %dma_start3A_232 = tpu.memref_slice %arg13[%dma_start3A_226, %dma_start3A_231] : memref<5x64xi32, #tpu.memory_space<vmem>> -> memref<1x64xi32, #tpu.memory_space<vmem>>
    %dma_start3A_233 = tpu.memref_squeeze %dma_start3A_232 : memref<1x64xi32, #tpu.memory_space<vmem>> -> memref<64xi32, #tpu.memory_space<vmem>>
    %dma_start3A_234 = arith.constant 0 : i32
    %dma_start3A_235 = tpu.memref_slice %arg9[%dma_start3A_234] : memref<16384xf32, #tpu.memory_space<hbm>> -> memref<16384xf32, #tpu.memory_space<hbm>>
    tpu.enqueue_indirect_dma source(%dma_start3A_235 : memref<16384xf32, #tpu.memory_space<hbm>>) target(%dma_start3A_230 : memref<64xf32, #tpu.memory_space<vmem>>) offsets(%dma_start3A_233 : memref<64xi32, #tpu.memory_space<vmem>>) semaphore(%arg24 : memref<!tpu.dma_semaphore, #tpu.memory_space<semaphore_mem>>)
    %dma_start3A_236 = arith.constant 3 : i32
    %dma_start3A_237 = arith.constant 3 : i32
    %dma_start3A_238 = arith.constant 0 : i32
    %dma_start3A_239 = tpu.memref_slice %arg21[%dma_start3A_237, %dma_start3A_238] : memref<5x64xf32, #tpu.memory_space<vmem>> -> memref<1x64xf32, #tpu.memory_space<vmem>>
    %dma_start3A_240 = tpu.memref_squeeze %dma_start3A_239 : memref<1x64xf32, #tpu.memory_space<vmem>> -> memref<64xf32, #tpu.memory_space<vmem>>
    %dma_start3A_241 = arith.constant 0 : i32
    %dma_start3A_242 = tpu.memref_slice %arg13[%dma_start3A_236, %dma_start3A_241] : memref<5x64xi32, #tpu.memory_space<vmem>> -> memref<1x64xi32, #tpu.memory_space<vmem>>
    %dma_start3A_243 = tpu.memref_squeeze %dma_start3A_242 : memref<1x64xi32, #tpu.memory_space<vmem>> -> memref<64xi32, #tpu.memory_space<vmem>>
    %dma_start3A_244 = arith.constant 0 : i32
    %dma_start3A_245 = tpu.memref_slice %arg10[%dma_start3A_244] : memref<16384xf32, #tpu.memory_space<hbm>> -> memref<16384xf32, #tpu.memory_space<hbm>>
    tpu.enqueue_indirect_dma source(%dma_start3A_245 : memref<16384xf32, #tpu.memory_space<hbm>>) target(%dma_start3A_240 : memref<64xf32, #tpu.memory_space<vmem>>) offsets(%dma_start3A_243 : memref<64xi32, #tpu.memory_space<vmem>>) semaphore(%arg24 : memref<!tpu.dma_semaphore, #tpu.memory_space<semaphore_mem>>)
    %dma_start3A_246 = arith.constant 3 : i32
    %dma_start3A_247 = arith.constant 3 : i32
    %dma_start3A_248 = arith.constant 0 : i32
    %dma_start3A_249 = tpu.memref_slice %arg22[%dma_start3A_247, %dma_start3A_248] : memref<5x64xf32, #tpu.memory_space<vmem>> -> memref<1x64xf32, #tpu.memory_space<vmem>>
    %dma_start3A_250 = tpu.memref_squeeze %dma_start3A_249 : memref<1x64xf32, #tpu.memory_space<vmem>> -> memref<64xf32, #tpu.memory_space<vmem>>
    %dma_start3A_251 = arith.constant 0 : i32
    %dma_start3A_252 = tpu.memref_slice %arg13[%dma_start3A_246, %dma_start3A_251] : memref<5x64xi32, #tpu.memory_space<vmem>> -> memref<1x64xi32, #tpu.memory_space<vmem>>
    %dma_start3A_253 = tpu.memref_squeeze %dma_start3A_252 : memref<1x64xi32, #tpu.memory_space<vmem>> -> memref<64xi32, #tpu.memory_space<vmem>>
    %dma_start3A_254 = arith.constant 0 : i32
    %dma_start3A_255 = tpu.memref_slice %arg11[%dma_start3A_254] : memref<16384xf32, #tpu.memory_space<hbm>> -> memref<16384xf32, #tpu.memory_space<hbm>>
    tpu.enqueue_indirect_dma source(%dma_start3A_255 : memref<16384xf32, #tpu.memory_space<hbm>>) target(%dma_start3A_250 : memref<64xf32, #tpu.memory_space<vmem>>) offsets(%dma_start3A_253 : memref<64xi32, #tpu.memory_space<vmem>>) semaphore(%arg24 : memref<!tpu.dma_semaphore, #tpu.memory_space<semaphore_mem>>)
    %dma_start3A_256 = arith.constant 4 : i32
    %dma_start3A_257 = arith.constant 4 : i32
    %dma_start3A_258 = arith.constant 0 : i32
    %dma_start3A_259 = tpu.memref_slice %arg17[%dma_start3A_257, %dma_start3A_258] : memref<5x64xf32, #tpu.memory_space<vmem>> -> memref<1x64xf32, #tpu.memory_space<vmem>>
    %dma_start3A_260 = tpu.memref_squeeze %dma_start3A_259 : memref<1x64xf32, #tpu.memory_space<vmem>> -> memref<64xf32, #tpu.memory_space<vmem>>
    %dma_start3A_261 = arith.constant 0 : i32
    %dma_start3A_262 = tpu.memref_slice %arg13[%dma_start3A_256, %dma_start3A_261] : memref<5x64xi32, #tpu.memory_space<vmem>> -> memref<1x64xi32, #tpu.memory_space<vmem>>
    %dma_start3A_263 = tpu.memref_squeeze %dma_start3A_262 : memref<1x64xi32, #tpu.memory_space<vmem>> -> memref<64xi32, #tpu.memory_space<vmem>>
    %dma_start3A_264 = arith.constant 0 : i32
    %dma_start3A_265 = tpu.memref_slice %arg6[%dma_start3A_264] : memref<16384xf32, #tpu.memory_space<hbm>> -> memref<16384xf32, #tpu.memory_space<hbm>>
    tpu.enqueue_indirect_dma source(%dma_start3A_265 : memref<16384xf32, #tpu.memory_space<hbm>>) target(%dma_start3A_260 : memref<64xf32, #tpu.memory_space<vmem>>) offsets(%dma_start3A_263 : memref<64xi32, #tpu.memory_space<vmem>>) semaphore(%arg24 : memref<!tpu.dma_semaphore, #tpu.memory_space<semaphore_mem>>)
    %dma_start3A_266 = arith.constant 4 : i32
    %dma_start3A_267 = arith.constant 4 : i32
    %dma_start3A_268 = arith.constant 0 : i32
    %dma_start3A_269 = tpu.memref_slice %arg18[%dma_start3A_267, %dma_start3A_268] : memref<5x64xf32, #tpu.memory_space<vmem>> -> memref<1x64xf32, #tpu.memory_space<vmem>>
    %dma_start3A_270 = tpu.memref_squeeze %dma_start3A_269 : memref<1x64xf32, #tpu.memory_space<vmem>> -> memref<64xf32, #tpu.memory_space<vmem>>
    %dma_start3A_271 = arith.constant 0 : i32
    %dma_start3A_272 = tpu.memref_slice %arg13[%dma_start3A_266, %dma_start3A_271] : memref<5x64xi32, #tpu.memory_space<vmem>> -> memref<1x64xi32, #tpu.memory_space<vmem>>
    %dma_start3A_273 = tpu.memref_squeeze %dma_start3A_272 : memref<1x64xi32, #tpu.memory_space<vmem>> -> memref<64xi32, #tpu.memory_space<vmem>>
    %dma_start3A_274 = arith.constant 0 : i32
    %dma_start3A_275 = tpu.memref_slice %arg7[%dma_start3A_274] : memref<16384xf32, #tpu.memory_space<hbm>> -> memref<16384xf32, #tpu.memory_space<hbm>>
    tpu.enqueue_indirect_dma source(%dma_start3A_275 : memref<16384xf32, #tpu.memory_space<hbm>>) target(%dma_start3A_270 : memref<64xf32, #tpu.memory_space<vmem>>) offsets(%dma_start3A_273 : memref<64xi32, #tpu.memory_space<vmem>>) semaphore(%arg24 : memref<!tpu.dma_semaphore, #tpu.memory_space<semaphore_mem>>)
    %dma_start3A_276 = arith.constant 4 : i32
    %dma_start3A_277 = arith.constant 4 : i32
    %dma_start3A_278 = arith.constant 0 : i32
    %dma_start3A_279 = tpu.memref_slice %arg19[%dma_start3A_277, %dma_start3A_278] : memref<5x64xf32, #tpu.memory_space<vmem>> -> memref<1x64xf32, #tpu.memory_space<vmem>>
    %dma_start3A_280 = tpu.memref_squeeze %dma_start3A_279 : memref<1x64xf32, #tpu.memory_space<vmem>> -> memref<64xf32, #tpu.memory_space<vmem>>
    %dma_start3A_281 = arith.constant 0 : i32
    %dma_start3A_282 = tpu.memref_slice %arg13[%dma_start3A_276, %dma_start3A_281] : memref<5x64xi32, #tpu.memory_space<vmem>> -> memref<1x64xi32, #tpu.memory_space<vmem>>
    %dma_start3A_283 = tpu.memref_squeeze %dma_start3A_282 : memref<1x64xi32, #tpu.memory_space<vmem>> -> memref<64xi32, #tpu.memory_space<vmem>>
    %dma_start3A_284 = arith.constant 0 : i32
    %dma_start3A_285 = tpu.memref_slice %arg8[%dma_start3A_284] : memref<16384xf32, #tpu.memory_space<hbm>> -> memref<16384xf32, #tpu.memory_space<hbm>>
    tpu.enqueue_indirect_dma source(%dma_start3A_285 : memref<16384xf32, #tpu.memory_space<hbm>>) target(%dma_start3A_280 : memref<64xf32, #tpu.memory_space<vmem>>) offsets(%dma_start3A_283 : memref<64xi32, #tpu.memory_space<vmem>>) semaphore(%arg24 : memref<!tpu.dma_semaphore, #tpu.memory_space<semaphore_mem>>)
    %dma_start3A_286 = arith.constant 4 : i32
    %dma_start3A_287 = arith.constant 4 : i32
    %dma_start3A_288 = arith.constant 0 : i32
    %dma_start3A_289 = tpu.memref_slice %arg20[%dma_start3A_287, %dma_start3A_288] : memref<5x64xf32, #tpu.memory_space<vmem>> -> memref<1x64xf32, #tpu.memory_space<vmem>>
    %dma_start3A_290 = tpu.memref_squeeze %dma_start3A_289 : memref<1x64xf32, #tpu.memory_space<vmem>> -> memref<64xf32, #tpu.memory_space<vmem>>
    %dma_start3A_291 = arith.constant 0 : i32
    %dma_start3A_292 = tpu.memref_slice %arg13[%dma_start3A_286, %dma_start3A_291] : memref<5x64xi32, #tpu.memory_space<vmem>> -> memref<1x64xi32, #tpu.memory_space<vmem>>
    %dma_start3A_293 = tpu.memref_squeeze %dma_start3A_292 : memref<1x64xi32, #tpu.memory_space<vmem>> -> memref<64xi32, #tpu.memory_space<vmem>>
    %dma_start3A_294 = arith.constant 0 : i32
    %dma_start3A_295 = tpu.memref_slice %arg9[%dma_start3A_294] : memref<16384xf32, #tpu.memory_space<hbm>> -> memref<16384xf32, #tpu.memory_space<hbm>>
    tpu.enqueue_indirect_dma source(%dma_start3A_295 : memref<16384xf32, #tpu.memory_space<hbm>>) target(%dma_start3A_290 : memref<64xf32, #tpu.memory_space<vmem>>) offsets(%dma_start3A_293 : memref<64xi32, #tpu.memory_space<vmem>>) semaphore(%arg24 : memref<!tpu.dma_semaphore, #tpu.memory_space<semaphore_mem>>)
    %dma_start3A_296 = arith.constant 4 : i32
    %dma_start3A_297 = arith.constant 4 : i32
    %dma_start3A_298 = arith.constant 0 : i32
    %dma_start3A_299 = tpu.memref_slice %arg21[%dma_start3A_297, %dma_start3A_298] : memref<5x64xf32, #tpu.memory_space<vmem>> -> memref<1x64xf32, #tpu.memory_space<vmem>>
    %dma_start3A_300 = tpu.memref_squeeze %dma_start3A_299 : memref<1x64xf32, #tpu.memory_space<vmem>> -> memref<64xf32, #tpu.memory_space<vmem>>
    %dma_start3A_301 = arith.constant 0 : i32
    %dma_start3A_302 = tpu.memref_slice %arg13[%dma_start3A_296, %dma_start3A_301] : memref<5x64xi32, #tpu.memory_space<vmem>> -> memref<1x64xi32, #tpu.memory_space<vmem>>
    %dma_start3A_303 = tpu.memref_squeeze %dma_start3A_302 : memref<1x64xi32, #tpu.memory_space<vmem>> -> memref<64xi32, #tpu.memory_space<vmem>>
    %dma_start3A_304 = arith.constant 0 : i32
    %dma_start3A_305 = tpu.memref_slice %arg10[%dma_start3A_304] : memref<16384xf32, #tpu.memory_space<hbm>> -> memref<16384xf32, #tpu.memory_space<hbm>>
    tpu.enqueue_indirect_dma source(%dma_start3A_305 : memref<16384xf32, #tpu.memory_space<hbm>>) target(%dma_start3A_300 : memref<64xf32, #tpu.memory_space<vmem>>) offsets(%dma_start3A_303 : memref<64xi32, #tpu.memory_space<vmem>>) semaphore(%arg24 : memref<!tpu.dma_semaphore, #tpu.memory_space<semaphore_mem>>)
    %dma_start3A_306 = arith.constant 4 : i32
    %dma_start3A_307 = arith.constant 4 : i32
    %dma_start3A_308 = arith.constant 0 : i32
    %dma_start3A_309 = tpu.memref_slice %arg22[%dma_start3A_307, %dma_start3A_308] : memref<5x64xf32, #tpu.memory_space<vmem>> -> memref<1x64xf32, #tpu.memory_space<vmem>>
    %dma_start3A_310 = tpu.memref_squeeze %dma_start3A_309 : memref<1x64xf32, #tpu.memory_space<vmem>> -> memref<64xf32, #tpu.memory_space<vmem>>
    %dma_start3A_311 = arith.constant 0 : i32
    %dma_start3A_312 = tpu.memref_slice %arg13[%dma_start3A_306, %dma_start3A_311] : memref<5x64xi32, #tpu.memory_space<vmem>> -> memref<1x64xi32, #tpu.memory_space<vmem>>
    %dma_start3A_313 = tpu.memref_squeeze %dma_start3A_312 : memref<1x64xi32, #tpu.memory_space<vmem>> -> memref<64xi32, #tpu.memory_space<vmem>>
    %dma_start3A_314 = arith.constant 0 : i32
    %dma_start3A_315 = tpu.memref_slice %arg11[%dma_start3A_314] : memref<16384xf32, #tpu.memory_space<hbm>> -> memref<16384xf32, #tpu.memory_space<hbm>>
    tpu.enqueue_indirect_dma source(%dma_start3A_315 : memref<16384xf32, #tpu.memory_space<hbm>>) target(%dma_start3A_310 : memref<64xf32, #tpu.memory_space<vmem>>) offsets(%dma_start3A_313 : memref<64xi32, #tpu.memory_space<vmem>>) semaphore(%arg24 : memref<!tpu.dma_semaphore, #tpu.memory_space<semaphore_mem>>)
    %dma_wait3A = arith.constant 0 : i32
    %dma_wait3A_316 = arith.constant 0 : i32
    %dma_wait3A_317 = arith.constant 0 : i32
    %dma_wait3A_318 = tpu.memref_slice %arg17[%dma_wait3A_316, %dma_wait3A_317] : memref<5x64xf32, #tpu.memory_space<vmem>> -> memref<1x64xf32, #tpu.memory_space<vmem>>
    %dma_wait3A_319 = tpu.memref_squeeze %dma_wait3A_318 : memref<1x64xf32, #tpu.memory_space<vmem>> -> memref<64xf32, #tpu.memory_space<vmem>>
    %dma_wait3A_320 = arith.constant 0 : i32
    %dma_wait3A_321 = tpu.memref_slice %arg13[%dma_wait3A, %dma_wait3A_320] : memref<5x64xi32, #tpu.memory_space<vmem>> -> memref<1x64xi32, #tpu.memory_space<vmem>>
    %dma_wait3A_322 = tpu.memref_squeeze %dma_wait3A_321 : memref<1x64xi32, #tpu.memory_space<vmem>> -> memref<64xi32, #tpu.memory_space<vmem>>
    %dma_wait3A_323 = arith.constant 0 : i32
    %dma_wait3A_324 = tpu.memref_slice %arg6[%dma_wait3A_323] : memref<16384xf32, #tpu.memory_space<hbm>> -> memref<16384xf32, #tpu.memory_space<hbm>>
    tpu.wait_indirect_dma semaphore(%arg24 : memref<!tpu.dma_semaphore, #tpu.memory_space<semaphore_mem>>) src(%dma_wait3A_324 : memref<16384xf32, #tpu.memory_space<hbm>>) dst(%dma_wait3A_319 : memref<64xf32, #tpu.memory_space<vmem>>)
    %dma_wait3A_325 = arith.constant 0 : i32
    %dma_wait3A_326 = arith.constant 0 : i32
    %dma_wait3A_327 = arith.constant 0 : i32
    %dma_wait3A_328 = tpu.memref_slice %arg18[%dma_wait3A_326, %dma_wait3A_327] : memref<5x64xf32, #tpu.memory_space<vmem>> -> memref<1x64xf32, #tpu.memory_space<vmem>>
    %dma_wait3A_329 = tpu.memref_squeeze %dma_wait3A_328 : memref<1x64xf32, #tpu.memory_space<vmem>> -> memref<64xf32, #tpu.memory_space<vmem>>
    %dma_wait3A_330 = arith.constant 0 : i32
    %dma_wait3A_331 = tpu.memref_slice %arg13[%dma_wait3A_325, %dma_wait3A_330] : memref<5x64xi32, #tpu.memory_space<vmem>> -> memref<1x64xi32, #tpu.memory_space<vmem>>
    %dma_wait3A_332 = tpu.memref_squeeze %dma_wait3A_331 : memref<1x64xi32, #tpu.memory_space<vmem>> -> memref<64xi32, #tpu.memory_space<vmem>>
    %dma_wait3A_333 = arith.constant 0 : i32
    %dma_wait3A_334 = tpu.memref_slice %arg7[%dma_wait3A_333] : memref<16384xf32, #tpu.memory_space<hbm>> -> memref<16384xf32, #tpu.memory_space<hbm>>
    tpu.wait_indirect_dma semaphore(%arg24 : memref<!tpu.dma_semaphore, #tpu.memory_space<semaphore_mem>>) src(%dma_wait3A_334 : memref<16384xf32, #tpu.memory_space<hbm>>) dst(%dma_wait3A_329 : memref<64xf32, #tpu.memory_space<vmem>>)
    %dma_wait3A_335 = arith.constant 0 : i32
    %dma_wait3A_336 = arith.constant 0 : i32
    %dma_wait3A_337 = arith.constant 0 : i32
    %dma_wait3A_338 = tpu.memref_slice %arg19[%dma_wait3A_336, %dma_wait3A_337] : memref<5x64xf32, #tpu.memory_space<vmem>> -> memref<1x64xf32, #tpu.memory_space<vmem>>
    %dma_wait3A_339 = tpu.memref_squeeze %dma_wait3A_338 : memref<1x64xf32, #tpu.memory_space<vmem>> -> memref<64xf32, #tpu.memory_space<vmem>>
    %dma_wait3A_340 = arith.constant 0 : i32
    %dma_wait3A_341 = tpu.memref_slice %arg13[%dma_wait3A_335, %dma_wait3A_340] : memref<5x64xi32, #tpu.memory_space<vmem>> -> memref<1x64xi32, #tpu.memory_space<vmem>>
    %dma_wait3A_342 = tpu.memref_squeeze %dma_wait3A_341 : memref<1x64xi32, #tpu.memory_space<vmem>> -> memref<64xi32, #tpu.memory_space<vmem>>
    %dma_wait3A_343 = arith.constant 0 : i32
    %dma_wait3A_344 = tpu.memref_slice %arg8[%dma_wait3A_343] : memref<16384xf32, #tpu.memory_space<hbm>> -> memref<16384xf32, #tpu.memory_space<hbm>>
    tpu.wait_indirect_dma semaphore(%arg24 : memref<!tpu.dma_semaphore, #tpu.memory_space<semaphore_mem>>) src(%dma_wait3A_344 : memref<16384xf32, #tpu.memory_space<hbm>>) dst(%dma_wait3A_339 : memref<64xf32, #tpu.memory_space<vmem>>)
    %dma_wait3A_345 = arith.constant 0 : i32
    %dma_wait3A_346 = arith.constant 0 : i32
    %dma_wait3A_347 = arith.constant 0 : i32
    %dma_wait3A_348 = tpu.memref_slice %arg20[%dma_wait3A_346, %dma_wait3A_347] : memref<5x64xf32, #tpu.memory_space<vmem>> -> memref<1x64xf32, #tpu.memory_space<vmem>>
    %dma_wait3A_349 = tpu.memref_squeeze %dma_wait3A_348 : memref<1x64xf32, #tpu.memory_space<vmem>> -> memref<64xf32, #tpu.memory_space<vmem>>
    %dma_wait3A_350 = arith.constant 0 : i32
    %dma_wait3A_351 = tpu.memref_slice %arg13[%dma_wait3A_345, %dma_wait3A_350] : memref<5x64xi32, #tpu.memory_space<vmem>> -> memref<1x64xi32, #tpu.memory_space<vmem>>
    %dma_wait3A_352 = tpu.memref_squeeze %dma_wait3A_351 : memref<1x64xi32, #tpu.memory_space<vmem>> -> memref<64xi32, #tpu.memory_space<vmem>>
    %dma_wait3A_353 = arith.constant 0 : i32
    %dma_wait3A_354 = tpu.memref_slice %arg9[%dma_wait3A_353] : memref<16384xf32, #tpu.memory_space<hbm>> -> memref<16384xf32, #tpu.memory_space<hbm>>
    tpu.wait_indirect_dma semaphore(%arg24 : memref<!tpu.dma_semaphore, #tpu.memory_space<semaphore_mem>>) src(%dma_wait3A_354 : memref<16384xf32, #tpu.memory_space<hbm>>) dst(%dma_wait3A_349 : memref<64xf32, #tpu.memory_space<vmem>>)
    %dma_wait3A_355 = arith.constant 0 : i32
    %dma_wait3A_356 = arith.constant 0 : i32
    %dma_wait3A_357 = arith.constant 0 : i32
    %dma_wait3A_358 = tpu.memref_slice %arg21[%dma_wait3A_356, %dma_wait3A_357] : memref<5x64xf32, #tpu.memory_space<vmem>> -> memref<1x64xf32, #tpu.memory_space<vmem>>
    %dma_wait3A_359 = tpu.memref_squeeze %dma_wait3A_358 : memref<1x64xf32, #tpu.memory_space<vmem>> -> memref<64xf32, #tpu.memory_space<vmem>>
    %dma_wait3A_360 = arith.constant 0 : i32
    %dma_wait3A_361 = tpu.memref_slice %arg13[%dma_wait3A_355, %dma_wait3A_360] : memref<5x64xi32, #tpu.memory_space<vmem>> -> memref<1x64xi32, #tpu.memory_space<vmem>>
    %dma_wait3A_362 = tpu.memref_squeeze %dma_wait3A_361 : memref<1x64xi32, #tpu.memory_space<vmem>> -> memref<64xi32, #tpu.memory_space<vmem>>
    %dma_wait3A_363 = arith.constant 0 : i32
    %dma_wait3A_364 = tpu.memref_slice %arg10[%dma_wait3A_363] : memref<16384xf32, #tpu.memory_space<hbm>> -> memref<16384xf32, #tpu.memory_space<hbm>>
    tpu.wait_indirect_dma semaphore(%arg24 : memref<!tpu.dma_semaphore, #tpu.memory_space<semaphore_mem>>) src(%dma_wait3A_364 : memref<16384xf32, #tpu.memory_space<hbm>>) dst(%dma_wait3A_359 : memref<64xf32, #tpu.memory_space<vmem>>)
    %dma_wait3A_365 = arith.constant 0 : i32
    %dma_wait3A_366 = arith.constant 0 : i32
    %dma_wait3A_367 = arith.constant 0 : i32
    %dma_wait3A_368 = tpu.memref_slice %arg22[%dma_wait3A_366, %dma_wait3A_367] : memref<5x64xf32, #tpu.memory_space<vmem>> -> memref<1x64xf32, #tpu.memory_space<vmem>>
    %dma_wait3A_369 = tpu.memref_squeeze %dma_wait3A_368 : memref<1x64xf32, #tpu.memory_space<vmem>> -> memref<64xf32, #tpu.memory_space<vmem>>
    %dma_wait3A_370 = arith.constant 0 : i32
    %dma_wait3A_371 = tpu.memref_slice %arg13[%dma_wait3A_365, %dma_wait3A_370] : memref<5x64xi32, #tpu.memory_space<vmem>> -> memref<1x64xi32, #tpu.memory_space<vmem>>
    %dma_wait3A_372 = tpu.memref_squeeze %dma_wait3A_371 : memref<1x64xi32, #tpu.memory_space<vmem>> -> memref<64xi32, #tpu.memory_space<vmem>>
    %dma_wait3A_373 = arith.constant 0 : i32
    %dma_wait3A_374 = tpu.memref_slice %arg11[%dma_wait3A_373] : memref<16384xf32, #tpu.memory_space<hbm>> -> memref<16384xf32, #tpu.memory_space<hbm>>
    tpu.wait_indirect_dma semaphore(%arg24 : memref<!tpu.dma_semaphore, #tpu.memory_space<semaphore_mem>>) src(%dma_wait3A_374 : memref<16384xf32, #tpu.memory_space<hbm>>) dst(%dma_wait3A_369 : memref<64xf32, #tpu.memory_space<vmem>>)
    %dma_wait3A_375 = arith.constant 1 : i32
    %dma_wait3A_376 = arith.constant 1 : i32
    %dma_wait3A_377 = arith.constant 0 : i32
    %dma_wait3A_378 = tpu.memref_slice %arg17[%dma_wait3A_376, %dma_wait3A_377] : memref<5x64xf32, #tpu.memory_space<vmem>> -> memref<1x64xf32, #tpu.memory_space<vmem>>
    %dma_wait3A_379 = tpu.memref_squeeze %dma_wait3A_378 : memref<1x64xf32, #tpu.memory_space<vmem>> -> memref<64xf32, #tpu.memory_space<vmem>>
    %dma_wait3A_380 = arith.constant 0 : i32
    %dma_wait3A_381 = tpu.memref_slice %arg13[%dma_wait3A_375, %dma_wait3A_380] : memref<5x64xi32, #tpu.memory_space<vmem>> -> memref<1x64xi32, #tpu.memory_space<vmem>>
    %dma_wait3A_382 = tpu.memref_squeeze %dma_wait3A_381 : memref<1x64xi32, #tpu.memory_space<vmem>> -> memref<64xi32, #tpu.memory_space<vmem>>
    %dma_wait3A_383 = arith.constant 0 : i32
    %dma_wait3A_384 = tpu.memref_slice %arg6[%dma_wait3A_383] : memref<16384xf32, #tpu.memory_space<hbm>> -> memref<16384xf32, #tpu.memory_space<hbm>>
    tpu.wait_indirect_dma semaphore(%arg24 : memref<!tpu.dma_semaphore, #tpu.memory_space<semaphore_mem>>) src(%dma_wait3A_384 : memref<16384xf32, #tpu.memory_space<hbm>>) dst(%dma_wait3A_379 : memref<64xf32, #tpu.memory_space<vmem>>)
    %dma_wait3A_385 = arith.constant 1 : i32
    %dma_wait3A_386 = arith.constant 1 : i32
    %dma_wait3A_387 = arith.constant 0 : i32
    %dma_wait3A_388 = tpu.memref_slice %arg18[%dma_wait3A_386, %dma_wait3A_387] : memref<5x64xf32, #tpu.memory_space<vmem>> -> memref<1x64xf32, #tpu.memory_space<vmem>>
    %dma_wait3A_389 = tpu.memref_squeeze %dma_wait3A_388 : memref<1x64xf32, #tpu.memory_space<vmem>> -> memref<64xf32, #tpu.memory_space<vmem>>
    %dma_wait3A_390 = arith.constant 0 : i32
    %dma_wait3A_391 = tpu.memref_slice %arg13[%dma_wait3A_385, %dma_wait3A_390] : memref<5x64xi32, #tpu.memory_space<vmem>> -> memref<1x64xi32, #tpu.memory_space<vmem>>
    %dma_wait3A_392 = tpu.memref_squeeze %dma_wait3A_391 : memref<1x64xi32, #tpu.memory_space<vmem>> -> memref<64xi32, #tpu.memory_space<vmem>>
    %dma_wait3A_393 = arith.constant 0 : i32
    %dma_wait3A_394 = tpu.memref_slice %arg7[%dma_wait3A_393] : memref<16384xf32, #tpu.memory_space<hbm>> -> memref<16384xf32, #tpu.memory_space<hbm>>
    tpu.wait_indirect_dma semaphore(%arg24 : memref<!tpu.dma_semaphore, #tpu.memory_space<semaphore_mem>>) src(%dma_wait3A_394 : memref<16384xf32, #tpu.memory_space<hbm>>) dst(%dma_wait3A_389 : memref<64xf32, #tpu.memory_space<vmem>>)
    %dma_wait3A_395 = arith.constant 1 : i32
    %dma_wait3A_396 = arith.constant 1 : i32
    %dma_wait3A_397 = arith.constant 0 : i32
    %dma_wait3A_398 = tpu.memref_slice %arg19[%dma_wait3A_396, %dma_wait3A_397] : memref<5x64xf32, #tpu.memory_space<vmem>> -> memref<1x64xf32, #tpu.memory_space<vmem>>
    %dma_wait3A_399 = tpu.memref_squeeze %dma_wait3A_398 : memref<1x64xf32, #tpu.memory_space<vmem>> -> memref<64xf32, #tpu.memory_space<vmem>>
    %dma_wait3A_400 = arith.constant 0 : i32
    %dma_wait3A_401 = tpu.memref_slice %arg13[%dma_wait3A_395, %dma_wait3A_400] : memref<5x64xi32, #tpu.memory_space<vmem>> -> memref<1x64xi32, #tpu.memory_space<vmem>>
    %dma_wait3A_402 = tpu.memref_squeeze %dma_wait3A_401 : memref<1x64xi32, #tpu.memory_space<vmem>> -> memref<64xi32, #tpu.memory_space<vmem>>
    %dma_wait3A_403 = arith.constant 0 : i32
    %dma_wait3A_404 = tpu.memref_slice %arg8[%dma_wait3A_403] : memref<16384xf32, #tpu.memory_space<hbm>> -> memref<16384xf32, #tpu.memory_space<hbm>>
    tpu.wait_indirect_dma semaphore(%arg24 : memref<!tpu.dma_semaphore, #tpu.memory_space<semaphore_mem>>) src(%dma_wait3A_404 : memref<16384xf32, #tpu.memory_space<hbm>>) dst(%dma_wait3A_399 : memref<64xf32, #tpu.memory_space<vmem>>)
    %dma_wait3A_405 = arith.constant 1 : i32
    %dma_wait3A_406 = arith.constant 1 : i32
    %dma_wait3A_407 = arith.constant 0 : i32
    %dma_wait3A_408 = tpu.memref_slice %arg20[%dma_wait3A_406, %dma_wait3A_407] : memref<5x64xf32, #tpu.memory_space<vmem>> -> memref<1x64xf32, #tpu.memory_space<vmem>>
    %dma_wait3A_409 = tpu.memref_squeeze %dma_wait3A_408 : memref<1x64xf32, #tpu.memory_space<vmem>> -> memref<64xf32, #tpu.memory_space<vmem>>
    %dma_wait3A_410 = arith.constant 0 : i32
    %dma_wait3A_411 = tpu.memref_slice %arg13[%dma_wait3A_405, %dma_wait3A_410] : memref<5x64xi32, #tpu.memory_space<vmem>> -> memref<1x64xi32, #tpu.memory_space<vmem>>
    %dma_wait3A_412 = tpu.memref_squeeze %dma_wait3A_411 : memref<1x64xi32, #tpu.memory_space<vmem>> -> memref<64xi32, #tpu.memory_space<vmem>>
    %dma_wait3A_413 = arith.constant 0 : i32
    %dma_wait3A_414 = tpu.memref_slice %arg9[%dma_wait3A_413] : memref<16384xf32, #tpu.memory_space<hbm>> -> memref<16384xf32, #tpu.memory_space<hbm>>
    tpu.wait_indirect_dma semaphore(%arg24 : memref<!tpu.dma_semaphore, #tpu.memory_space<semaphore_mem>>) src(%dma_wait3A_414 : memref<16384xf32, #tpu.memory_space<hbm>>) dst(%dma_wait3A_409 : memref<64xf32, #tpu.memory_space<vmem>>)
    %dma_wait3A_415 = arith.constant 1 : i32
    %dma_wait3A_416 = arith.constant 1 : i32
    %dma_wait3A_417 = arith.constant 0 : i32
    %dma_wait3A_418 = tpu.memref_slice %arg21[%dma_wait3A_416, %dma_wait3A_417] : memref<5x64xf32, #tpu.memory_space<vmem>> -> memref<1x64xf32, #tpu.memory_space<vmem>>
    %dma_wait3A_419 = tpu.memref_squeeze %dma_wait3A_418 : memref<1x64xf32, #tpu.memory_space<vmem>> -> memref<64xf32, #tpu.memory_space<vmem>>
    %dma_wait3A_420 = arith.constant 0 : i32
    %dma_wait3A_421 = tpu.memref_slice %arg13[%dma_wait3A_415, %dma_wait3A_420] : memref<5x64xi32, #tpu.memory_space<vmem>> -> memref<1x64xi32, #tpu.memory_space<vmem>>
    %dma_wait3A_422 = tpu.memref_squeeze %dma_wait3A_421 : memref<1x64xi32, #tpu.memory_space<vmem>> -> memref<64xi32, #tpu.memory_space<vmem>>
    %dma_wait3A_423 = arith.constant 0 : i32
    %dma_wait3A_424 = tpu.memref_slice %arg10[%dma_wait3A_423] : memref<16384xf32, #tpu.memory_space<hbm>> -> memref<16384xf32, #tpu.memory_space<hbm>>
    tpu.wait_indirect_dma semaphore(%arg24 : memref<!tpu.dma_semaphore, #tpu.memory_space<semaphore_mem>>) src(%dma_wait3A_424 : memref<16384xf32, #tpu.memory_space<hbm>>) dst(%dma_wait3A_419 : memref<64xf32, #tpu.memory_space<vmem>>)
    %dma_wait3A_425 = arith.constant 1 : i32
    %dma_wait3A_426 = arith.constant 1 : i32
    %dma_wait3A_427 = arith.constant 0 : i32
    %dma_wait3A_428 = tpu.memref_slice %arg22[%dma_wait3A_426, %dma_wait3A_427] : memref<5x64xf32, #tpu.memory_space<vmem>> -> memref<1x64xf32, #tpu.memory_space<vmem>>
    %dma_wait3A_429 = tpu.memref_squeeze %dma_wait3A_428 : memref<1x64xf32, #tpu.memory_space<vmem>> -> memref<64xf32, #tpu.memory_space<vmem>>
    %dma_wait3A_430 = arith.constant 0 : i32
    %dma_wait3A_431 = tpu.memref_slice %arg13[%dma_wait3A_425, %dma_wait3A_430] : memref<5x64xi32, #tpu.memory_space<vmem>> -> memref<1x64xi32, #tpu.memory_space<vmem>>
    %dma_wait3A_432 = tpu.memref_squeeze %dma_wait3A_431 : memref<1x64xi32, #tpu.memory_space<vmem>> -> memref<64xi32, #tpu.memory_space<vmem>>
    %dma_wait3A_433 = arith.constant 0 : i32
    %dma_wait3A_434 = tpu.memref_slice %arg11[%dma_wait3A_433] : memref<16384xf32, #tpu.memory_space<hbm>> -> memref<16384xf32, #tpu.memory_space<hbm>>
    tpu.wait_indirect_dma semaphore(%arg24 : memref<!tpu.dma_semaphore, #tpu.memory_space<semaphore_mem>>) src(%dma_wait3A_434 : memref<16384xf32, #tpu.memory_space<hbm>>) dst(%dma_wait3A_429 : memref<64xf32, #tpu.memory_space<vmem>>)
    %dma_wait3A_435 = arith.constant 2 : i32
    %dma_wait3A_436 = arith.constant 2 : i32
    %dma_wait3A_437 = arith.constant 0 : i32
    %dma_wait3A_438 = tpu.memref_slice %arg17[%dma_wait3A_436, %dma_wait3A_437] : memref<5x64xf32, #tpu.memory_space<vmem>> -> memref<1x64xf32, #tpu.memory_space<vmem>>
    %dma_wait3A_439 = tpu.memref_squeeze %dma_wait3A_438 : memref<1x64xf32, #tpu.memory_space<vmem>> -> memref<64xf32, #tpu.memory_space<vmem>>
    %dma_wait3A_440 = arith.constant 0 : i32
    %dma_wait3A_441 = tpu.memref_slice %arg13[%dma_wait3A_435, %dma_wait3A_440] : memref<5x64xi32, #tpu.memory_space<vmem>> -> memref<1x64xi32, #tpu.memory_space<vmem>>
    %dma_wait3A_442 = tpu.memref_squeeze %dma_wait3A_441 : memref<1x64xi32, #tpu.memory_space<vmem>> -> memref<64xi32, #tpu.memory_space<vmem>>
    %dma_wait3A_443 = arith.constant 0 : i32
    %dma_wait3A_444 = tpu.memref_slice %arg6[%dma_wait3A_443] : memref<16384xf32, #tpu.memory_space<hbm>> -> memref<16384xf32, #tpu.memory_space<hbm>>
    tpu.wait_indirect_dma semaphore(%arg24 : memref<!tpu.dma_semaphore, #tpu.memory_space<semaphore_mem>>) src(%dma_wait3A_444 : memref<16384xf32, #tpu.memory_space<hbm>>) dst(%dma_wait3A_439 : memref<64xf32, #tpu.memory_space<vmem>>)
    %dma_wait3A_445 = arith.constant 2 : i32
    %dma_wait3A_446 = arith.constant 2 : i32
    %dma_wait3A_447 = arith.constant 0 : i32
    %dma_wait3A_448 = tpu.memref_slice %arg18[%dma_wait3A_446, %dma_wait3A_447] : memref<5x64xf32, #tpu.memory_space<vmem>> -> memref<1x64xf32, #tpu.memory_space<vmem>>
    %dma_wait3A_449 = tpu.memref_squeeze %dma_wait3A_448 : memref<1x64xf32, #tpu.memory_space<vmem>> -> memref<64xf32, #tpu.memory_space<vmem>>
    %dma_wait3A_450 = arith.constant 0 : i32
    %dma_wait3A_451 = tpu.memref_slice %arg13[%dma_wait3A_445, %dma_wait3A_450] : memref<5x64xi32, #tpu.memory_space<vmem>> -> memref<1x64xi32, #tpu.memory_space<vmem>>
    %dma_wait3A_452 = tpu.memref_squeeze %dma_wait3A_451 : memref<1x64xi32, #tpu.memory_space<vmem>> -> memref<64xi32, #tpu.memory_space<vmem>>
    %dma_wait3A_453 = arith.constant 0 : i32
    %dma_wait3A_454 = tpu.memref_slice %arg7[%dma_wait3A_453] : memref<16384xf32, #tpu.memory_space<hbm>> -> memref<16384xf32, #tpu.memory_space<hbm>>
    tpu.wait_indirect_dma semaphore(%arg24 : memref<!tpu.dma_semaphore, #tpu.memory_space<semaphore_mem>>) src(%dma_wait3A_454 : memref<16384xf32, #tpu.memory_space<hbm>>) dst(%dma_wait3A_449 : memref<64xf32, #tpu.memory_space<vmem>>)
    %dma_wait3A_455 = arith.constant 2 : i32
    %dma_wait3A_456 = arith.constant 2 : i32
    %dma_wait3A_457 = arith.constant 0 : i32
    %dma_wait3A_458 = tpu.memref_slice %arg19[%dma_wait3A_456, %dma_wait3A_457] : memref<5x64xf32, #tpu.memory_space<vmem>> -> memref<1x64xf32, #tpu.memory_space<vmem>>
    %dma_wait3A_459 = tpu.memref_squeeze %dma_wait3A_458 : memref<1x64xf32, #tpu.memory_space<vmem>> -> memref<64xf32, #tpu.memory_space<vmem>>
    %dma_wait3A_460 = arith.constant 0 : i32
    %dma_wait3A_461 = tpu.memref_slice %arg13[%dma_wait3A_455, %dma_wait3A_460] : memref<5x64xi32, #tpu.memory_space<vmem>> -> memref<1x64xi32, #tpu.memory_space<vmem>>
    %dma_wait3A_462 = tpu.memref_squeeze %dma_wait3A_461 : memref<1x64xi32, #tpu.memory_space<vmem>> -> memref<64xi32, #tpu.memory_space<vmem>>
    %dma_wait3A_463 = arith.constant 0 : i32
    %dma_wait3A_464 = tpu.memref_slice %arg8[%dma_wait3A_463] : memref<16384xf32, #tpu.memory_space<hbm>> -> memref<16384xf32, #tpu.memory_space<hbm>>
    tpu.wait_indirect_dma semaphore(%arg24 : memref<!tpu.dma_semaphore, #tpu.memory_space<semaphore_mem>>) src(%dma_wait3A_464 : memref<16384xf32, #tpu.memory_space<hbm>>) dst(%dma_wait3A_459 : memref<64xf32, #tpu.memory_space<vmem>>)
    %dma_wait3A_465 = arith.constant 2 : i32
    %dma_wait3A_466 = arith.constant 2 : i32
    %dma_wait3A_467 = arith.constant 0 : i32
    %dma_wait3A_468 = tpu.memref_slice %arg20[%dma_wait3A_466, %dma_wait3A_467] : memref<5x64xf32, #tpu.memory_space<vmem>> -> memref<1x64xf32, #tpu.memory_space<vmem>>
    %dma_wait3A_469 = tpu.memref_squeeze %dma_wait3A_468 : memref<1x64xf32, #tpu.memory_space<vmem>> -> memref<64xf32, #tpu.memory_space<vmem>>
    %dma_wait3A_470 = arith.constant 0 : i32
    %dma_wait3A_471 = tpu.memref_slice %arg13[%dma_wait3A_465, %dma_wait3A_470] : memref<5x64xi32, #tpu.memory_space<vmem>> -> memref<1x64xi32, #tpu.memory_space<vmem>>
    %dma_wait3A_472 = tpu.memref_squeeze %dma_wait3A_471 : memref<1x64xi32, #tpu.memory_space<vmem>> -> memref<64xi32, #tpu.memory_space<vmem>>
    %dma_wait3A_473 = arith.constant 0 : i32
    %dma_wait3A_474 = tpu.memref_slice %arg9[%dma_wait3A_473] : memref<16384xf32, #tpu.memory_space<hbm>> -> memref<16384xf32, #tpu.memory_space<hbm>>
    tpu.wait_indirect_dma semaphore(%arg24 : memref<!tpu.dma_semaphore, #tpu.memory_space<semaphore_mem>>) src(%dma_wait3A_474 : memref<16384xf32, #tpu.memory_space<hbm>>) dst(%dma_wait3A_469 : memref<64xf32, #tpu.memory_space<vmem>>)
    %dma_wait3A_475 = arith.constant 2 : i32
    %dma_wait3A_476 = arith.constant 2 : i32
    %dma_wait3A_477 = arith.constant 0 : i32
    %dma_wait3A_478 = tpu.memref_slice %arg21[%dma_wait3A_476, %dma_wait3A_477] : memref<5x64xf32, #tpu.memory_space<vmem>> -> memref<1x64xf32, #tpu.memory_space<vmem>>
    %dma_wait3A_479 = tpu.memref_squeeze %dma_wait3A_478 : memref<1x64xf32, #tpu.memory_space<vmem>> -> memref<64xf32, #tpu.memory_space<vmem>>
    %dma_wait3A_480 = arith.constant 0 : i32
    %dma_wait3A_481 = tpu.memref_slice %arg13[%dma_wait3A_475, %dma_wait3A_480] : memref<5x64xi32, #tpu.memory_space<vmem>> -> memref<1x64xi32, #tpu.memory_space<vmem>>
    %dma_wait3A_482 = tpu.memref_squeeze %dma_wait3A_481 : memref<1x64xi32, #tpu.memory_space<vmem>> -> memref<64xi32, #tpu.memory_space<vmem>>
    %dma_wait3A_483 = arith.constant 0 : i32
    %dma_wait3A_484 = tpu.memref_slice %arg10[%dma_wait3A_483] : memref<16384xf32, #tpu.memory_space<hbm>> -> memref<16384xf32, #tpu.memory_space<hbm>>
    tpu.wait_indirect_dma semaphore(%arg24 : memref<!tpu.dma_semaphore, #tpu.memory_space<semaphore_mem>>) src(%dma_wait3A_484 : memref<16384xf32, #tpu.memory_space<hbm>>) dst(%dma_wait3A_479 : memref<64xf32, #tpu.memory_space<vmem>>)
    %dma_wait3A_485 = arith.constant 2 : i32
    %dma_wait3A_486 = arith.constant 2 : i32
    %dma_wait3A_487 = arith.constant 0 : i32
    %dma_wait3A_488 = tpu.memref_slice %arg22[%dma_wait3A_486, %dma_wait3A_487] : memref<5x64xf32, #tpu.memory_space<vmem>> -> memref<1x64xf32, #tpu.memory_space<vmem>>
    %dma_wait3A_489 = tpu.memref_squeeze %dma_wait3A_488 : memref<1x64xf32, #tpu.memory_space<vmem>> -> memref<64xf32, #tpu.memory_space<vmem>>
    %dma_wait3A_490 = arith.constant 0 : i32
    %dma_wait3A_491 = tpu.memref_slice %arg13[%dma_wait3A_485, %dma_wait3A_490] : memref<5x64xi32, #tpu.memory_space<vmem>> -> memref<1x64xi32, #tpu.memory_space<vmem>>
    %dma_wait3A_492 = tpu.memref_squeeze %dma_wait3A_491 : memref<1x64xi32, #tpu.memory_space<vmem>> -> memref<64xi32, #tpu.memory_space<vmem>>
    %dma_wait3A_493 = arith.constant 0 : i32
    %dma_wait3A_494 = tpu.memref_slice %arg11[%dma_wait3A_493] : memref<16384xf32, #tpu.memory_space<hbm>> -> memref<16384xf32, #tpu.memory_space<hbm>>
    tpu.wait_indirect_dma semaphore(%arg24 : memref<!tpu.dma_semaphore, #tpu.memory_space<semaphore_mem>>) src(%dma_wait3A_494 : memref<16384xf32, #tpu.memory_space<hbm>>) dst(%dma_wait3A_489 : memref<64xf32, #tpu.memory_space<vmem>>)
    %dma_wait3A_495 = arith.constant 3 : i32
    %dma_wait3A_496 = arith.constant 3 : i32
    %dma_wait3A_497 = arith.constant 0 : i32
    %dma_wait3A_498 = tpu.memref_slice %arg17[%dma_wait3A_496, %dma_wait3A_497] : memref<5x64xf32, #tpu.memory_space<vmem>> -> memref<1x64xf32, #tpu.memory_space<vmem>>
    %dma_wait3A_499 = tpu.memref_squeeze %dma_wait3A_498 : memref<1x64xf32, #tpu.memory_space<vmem>> -> memref<64xf32, #tpu.memory_space<vmem>>
    %dma_wait3A_500 = arith.constant 0 : i32
    %dma_wait3A_501 = tpu.memref_slice %arg13[%dma_wait3A_495, %dma_wait3A_500] : memref<5x64xi32, #tpu.memory_space<vmem>> -> memref<1x64xi32, #tpu.memory_space<vmem>>
    %dma_wait3A_502 = tpu.memref_squeeze %dma_wait3A_501 : memref<1x64xi32, #tpu.memory_space<vmem>> -> memref<64xi32, #tpu.memory_space<vmem>>
    %dma_wait3A_503 = arith.constant 0 : i32
    %dma_wait3A_504 = tpu.memref_slice %arg6[%dma_wait3A_503] : memref<16384xf32, #tpu.memory_space<hbm>> -> memref<16384xf32, #tpu.memory_space<hbm>>
    tpu.wait_indirect_dma semaphore(%arg24 : memref<!tpu.dma_semaphore, #tpu.memory_space<semaphore_mem>>) src(%dma_wait3A_504 : memref<16384xf32, #tpu.memory_space<hbm>>) dst(%dma_wait3A_499 : memref<64xf32, #tpu.memory_space<vmem>>)
    %dma_wait3A_505 = arith.constant 3 : i32
    %dma_wait3A_506 = arith.constant 3 : i32
    %dma_wait3A_507 = arith.constant 0 : i32
    %dma_wait3A_508 = tpu.memref_slice %arg18[%dma_wait3A_506, %dma_wait3A_507] : memref<5x64xf32, #tpu.memory_space<vmem>> -> memref<1x64xf32, #tpu.memory_space<vmem>>
    %dma_wait3A_509 = tpu.memref_squeeze %dma_wait3A_508 : memref<1x64xf32, #tpu.memory_space<vmem>> -> memref<64xf32, #tpu.memory_space<vmem>>
    %dma_wait3A_510 = arith.constant 0 : i32
    %dma_wait3A_511 = tpu.memref_slice %arg13[%dma_wait3A_505, %dma_wait3A_510] : memref<5x64xi32, #tpu.memory_space<vmem>> -> memref<1x64xi32, #tpu.memory_space<vmem>>
    %dma_wait3A_512 = tpu.memref_squeeze %dma_wait3A_511 : memref<1x64xi32, #tpu.memory_space<vmem>> -> memref<64xi32, #tpu.memory_space<vmem>>
    %dma_wait3A_513 = arith.constant 0 : i32
    %dma_wait3A_514 = tpu.memref_slice %arg7[%dma_wait3A_513] : memref<16384xf32, #tpu.memory_space<hbm>> -> memref<16384xf32, #tpu.memory_space<hbm>>
    tpu.wait_indirect_dma semaphore(%arg24 : memref<!tpu.dma_semaphore, #tpu.memory_space<semaphore_mem>>) src(%dma_wait3A_514 : memref<16384xf32, #tpu.memory_space<hbm>>) dst(%dma_wait3A_509 : memref<64xf32, #tpu.memory_space<vmem>>)
    %dma_wait3A_515 = arith.constant 3 : i32
    %dma_wait3A_516 = arith.constant 3 : i32
    %dma_wait3A_517 = arith.constant 0 : i32
    %dma_wait3A_518 = tpu.memref_slice %arg19[%dma_wait3A_516, %dma_wait3A_517] : memref<5x64xf32, #tpu.memory_space<vmem>> -> memref<1x64xf32, #tpu.memory_space<vmem>>
    %dma_wait3A_519 = tpu.memref_squeeze %dma_wait3A_518 : memref<1x64xf32, #tpu.memory_space<vmem>> -> memref<64xf32, #tpu.memory_space<vmem>>
    %dma_wait3A_520 = arith.constant 0 : i32
    %dma_wait3A_521 = tpu.memref_slice %arg13[%dma_wait3A_515, %dma_wait3A_520] : memref<5x64xi32, #tpu.memory_space<vmem>> -> memref<1x64xi32, #tpu.memory_space<vmem>>
    %dma_wait3A_522 = tpu.memref_squeeze %dma_wait3A_521 : memref<1x64xi32, #tpu.memory_space<vmem>> -> memref<64xi32, #tpu.memory_space<vmem>>
    %dma_wait3A_523 = arith.constant 0 : i32
    %dma_wait3A_524 = tpu.memref_slice %arg8[%dma_wait3A_523] : memref<16384xf32, #tpu.memory_space<hbm>> -> memref<16384xf32, #tpu.memory_space<hbm>>
    tpu.wait_indirect_dma semaphore(%arg24 : memref<!tpu.dma_semaphore, #tpu.memory_space<semaphore_mem>>) src(%dma_wait3A_524 : memref<16384xf32, #tpu.memory_space<hbm>>) dst(%dma_wait3A_519 : memref<64xf32, #tpu.memory_space<vmem>>)
    %dma_wait3A_525 = arith.constant 3 : i32
    %dma_wait3A_526 = arith.constant 3 : i32
    %dma_wait3A_527 = arith.constant 0 : i32
    %dma_wait3A_528 = tpu.memref_slice %arg20[%dma_wait3A_526, %dma_wait3A_527] : memref<5x64xf32, #tpu.memory_space<vmem>> -> memref<1x64xf32, #tpu.memory_space<vmem>>
    %dma_wait3A_529 = tpu.memref_squeeze %dma_wait3A_528 : memref<1x64xf32, #tpu.memory_space<vmem>> -> memref<64xf32, #tpu.memory_space<vmem>>
    %dma_wait3A_530 = arith.constant 0 : i32
    %dma_wait3A_531 = tpu.memref_slice %arg13[%dma_wait3A_525, %dma_wait3A_530] : memref<5x64xi32, #tpu.memory_space<vmem>> -> memref<1x64xi32, #tpu.memory_space<vmem>>
    %dma_wait3A_532 = tpu.memref_squeeze %dma_wait3A_531 : memref<1x64xi32, #tpu.memory_space<vmem>> -> memref<64xi32, #tpu.memory_space<vmem>>
    %dma_wait3A_533 = arith.constant 0 : i32
    %dma_wait3A_534 = tpu.memref_slice %arg9[%dma_wait3A_533] : memref<16384xf32, #tpu.memory_space<hbm>> -> memref<16384xf32, #tpu.memory_space<hbm>>
    tpu.wait_indirect_dma semaphore(%arg24 : memref<!tpu.dma_semaphore, #tpu.memory_space<semaphore_mem>>) src(%dma_wait3A_534 : memref<16384xf32, #tpu.memory_space<hbm>>) dst(%dma_wait3A_529 : memref<64xf32, #tpu.memory_space<vmem>>)
    %dma_wait3A_535 = arith.constant 3 : i32
    %dma_wait3A_536 = arith.constant 3 : i32
    %dma_wait3A_537 = arith.constant 0 : i32
    %dma_wait3A_538 = tpu.memref_slice %arg21[%dma_wait3A_536, %dma_wait3A_537] : memref<5x64xf32, #tpu.memory_space<vmem>> -> memref<1x64xf32, #tpu.memory_space<vmem>>
    %dma_wait3A_539 = tpu.memref_squeeze %dma_wait3A_538 : memref<1x64xf32, #tpu.memory_space<vmem>> -> memref<64xf32, #tpu.memory_space<vmem>>
    %dma_wait3A_540 = arith.constant 0 : i32
    %dma_wait3A_541 = tpu.memref_slice %arg13[%dma_wait3A_535, %dma_wait3A_540] : memref<5x64xi32, #tpu.memory_space<vmem>> -> memref<1x64xi32, #tpu.memory_space<vmem>>
    %dma_wait3A_542 = tpu.memref_squeeze %dma_wait3A_541 : memref<1x64xi32, #tpu.memory_space<vmem>> -> memref<64xi32, #tpu.memory_space<vmem>>
    %dma_wait3A_543 = arith.constant 0 : i32
    %dma_wait3A_544 = tpu.memref_slice %arg10[%dma_wait3A_543] : memref<16384xf32, #tpu.memory_space<hbm>> -> memref<16384xf32, #tpu.memory_space<hbm>>
    tpu.wait_indirect_dma semaphore(%arg24 : memref<!tpu.dma_semaphore, #tpu.memory_space<semaphore_mem>>) src(%dma_wait3A_544 : memref<16384xf32, #tpu.memory_space<hbm>>) dst(%dma_wait3A_539 : memref<64xf32, #tpu.memory_space<vmem>>)
    %dma_wait3A_545 = arith.constant 3 : i32
    %dma_wait3A_546 = arith.constant 3 : i32
    %dma_wait3A_547 = arith.constant 0 : i32
    %dma_wait3A_548 = tpu.memref_slice %arg22[%dma_wait3A_546, %dma_wait3A_547] : memref<5x64xf32, #tpu.memory_space<vmem>> -> memref<1x64xf32, #tpu.memory_space<vmem>>
    %dma_wait3A_549 = tpu.memref_squeeze %dma_wait3A_548 : memref<1x64xf32, #tpu.memory_space<vmem>> -> memref<64xf32, #tpu.memory_space<vmem>>
    %dma_wait3A_550 = arith.constant 0 : i32
    %dma_wait3A_551 = tpu.memref_slice %arg13[%dma_wait3A_545, %dma_wait3A_550] : memref<5x64xi32, #tpu.memory_space<vmem>> -> memref<1x64xi32, #tpu.memory_space<vmem>>
    %dma_wait3A_552 = tpu.memref_squeeze %dma_wait3A_551 : memref<1x64xi32, #tpu.memory_space<vmem>> -> memref<64xi32, #tpu.memory_space<vmem>>
    %dma_wait3A_553 = arith.constant 0 : i32
    %dma_wait3A_554 = tpu.memref_slice %arg11[%dma_wait3A_553] : memref<16384xf32, #tpu.memory_space<hbm>> -> memref<16384xf32, #tpu.memory_space<hbm>>
    tpu.wait_indirect_dma semaphore(%arg24 : memref<!tpu.dma_semaphore, #tpu.memory_space<semaphore_mem>>) src(%dma_wait3A_554 : memref<16384xf32, #tpu.memory_space<hbm>>) dst(%dma_wait3A_549 : memref<64xf32, #tpu.memory_space<vmem>>)
    %dma_wait3A_555 = arith.constant 4 : i32
    %dma_wait3A_556 = arith.constant 4 : i32
    %dma_wait3A_557 = arith.constant 0 : i32
    %dma_wait3A_558 = tpu.memref_slice %arg17[%dma_wait3A_556, %dma_wait3A_557] : memref<5x64xf32, #tpu.memory_space<vmem>> -> memref<1x64xf32, #tpu.memory_space<vmem>>
    %dma_wait3A_559 = tpu.memref_squeeze %dma_wait3A_558 : memref<1x64xf32, #tpu.memory_space<vmem>> -> memref<64xf32, #tpu.memory_space<vmem>>
    %dma_wait3A_560 = arith.constant 0 : i32
    %dma_wait3A_561 = tpu.memref_slice %arg13[%dma_wait3A_555, %dma_wait3A_560] : memref<5x64xi32, #tpu.memory_space<vmem>> -> memref<1x64xi32, #tpu.memory_space<vmem>>
    %dma_wait3A_562 = tpu.memref_squeeze %dma_wait3A_561 : memref<1x64xi32, #tpu.memory_space<vmem>> -> memref<64xi32, #tpu.memory_space<vmem>>
    %dma_wait3A_563 = arith.constant 0 : i32
    %dma_wait3A_564 = tpu.memref_slice %arg6[%dma_wait3A_563] : memref<16384xf32, #tpu.memory_space<hbm>> -> memref<16384xf32, #tpu.memory_space<hbm>>
    tpu.wait_indirect_dma semaphore(%arg24 : memref<!tpu.dma_semaphore, #tpu.memory_space<semaphore_mem>>) src(%dma_wait3A_564 : memref<16384xf32, #tpu.memory_space<hbm>>) dst(%dma_wait3A_559 : memref<64xf32, #tpu.memory_space<vmem>>)
    %dma_wait3A_565 = arith.constant 4 : i32
    %dma_wait3A_566 = arith.constant 4 : i32
    %dma_wait3A_567 = arith.constant 0 : i32
    %dma_wait3A_568 = tpu.memref_slice %arg18[%dma_wait3A_566, %dma_wait3A_567] : memref<5x64xf32, #tpu.memory_space<vmem>> -> memref<1x64xf32, #tpu.memory_space<vmem>>
    %dma_wait3A_569 = tpu.memref_squeeze %dma_wait3A_568 : memref<1x64xf32, #tpu.memory_space<vmem>> -> memref<64xf32, #tpu.memory_space<vmem>>
    %dma_wait3A_570 = arith.constant 0 : i32
    %dma_wait3A_571 = tpu.memref_slice %arg13[%dma_wait3A_565, %dma_wait3A_570] : memref<5x64xi32, #tpu.memory_space<vmem>> -> memref<1x64xi32, #tpu.memory_space<vmem>>
    %dma_wait3A_572 = tpu.memref_squeeze %dma_wait3A_571 : memref<1x64xi32, #tpu.memory_space<vmem>> -> memref<64xi32, #tpu.memory_space<vmem>>
    %dma_wait3A_573 = arith.constant 0 : i32
    %dma_wait3A_574 = tpu.memref_slice %arg7[%dma_wait3A_573] : memref<16384xf32, #tpu.memory_space<hbm>> -> memref<16384xf32, #tpu.memory_space<hbm>>
    tpu.wait_indirect_dma semaphore(%arg24 : memref<!tpu.dma_semaphore, #tpu.memory_space<semaphore_mem>>) src(%dma_wait3A_574 : memref<16384xf32, #tpu.memory_space<hbm>>) dst(%dma_wait3A_569 : memref<64xf32, #tpu.memory_space<vmem>>)
    %dma_wait3A_575 = arith.constant 4 : i32
    %dma_wait3A_576 = arith.constant 4 : i32
    %dma_wait3A_577 = arith.constant 0 : i32
    %dma_wait3A_578 = tpu.memref_slice %arg19[%dma_wait3A_576, %dma_wait3A_577] : memref<5x64xf32, #tpu.memory_space<vmem>> -> memref<1x64xf32, #tpu.memory_space<vmem>>
    %dma_wait3A_579 = tpu.memref_squeeze %dma_wait3A_578 : memref<1x64xf32, #tpu.memory_space<vmem>> -> memref<64xf32, #tpu.memory_space<vmem>>
    %dma_wait3A_580 = arith.constant 0 : i32
    %dma_wait3A_581 = tpu.memref_slice %arg13[%dma_wait3A_575, %dma_wait3A_580] : memref<5x64xi32, #tpu.memory_space<vmem>> -> memref<1x64xi32, #tpu.memory_space<vmem>>
    %dma_wait3A_582 = tpu.memref_squeeze %dma_wait3A_581 : memref<1x64xi32, #tpu.memory_space<vmem>> -> memref<64xi32, #tpu.memory_space<vmem>>
    %dma_wait3A_583 = arith.constant 0 : i32
    %dma_wait3A_584 = tpu.memref_slice %arg8[%dma_wait3A_583] : memref<16384xf32, #tpu.memory_space<hbm>> -> memref<16384xf32, #tpu.memory_space<hbm>>
    tpu.wait_indirect_dma semaphore(%arg24 : memref<!tpu.dma_semaphore, #tpu.memory_space<semaphore_mem>>) src(%dma_wait3A_584 : memref<16384xf32, #tpu.memory_space<hbm>>) dst(%dma_wait3A_579 : memref<64xf32, #tpu.memory_space<vmem>>)
    %dma_wait3A_585 = arith.constant 4 : i32
    %dma_wait3A_586 = arith.constant 4 : i32
    %dma_wait3A_587 = arith.constant 0 : i32
    %dma_wait3A_588 = tpu.memref_slice %arg20[%dma_wait3A_586, %dma_wait3A_587] : memref<5x64xf32, #tpu.memory_space<vmem>> -> memref<1x64xf32, #tpu.memory_space<vmem>>
    %dma_wait3A_589 = tpu.memref_squeeze %dma_wait3A_588 : memref<1x64xf32, #tpu.memory_space<vmem>> -> memref<64xf32, #tpu.memory_space<vmem>>
    %dma_wait3A_590 = arith.constant 0 : i32
    %dma_wait3A_591 = tpu.memref_slice %arg13[%dma_wait3A_585, %dma_wait3A_590] : memref<5x64xi32, #tpu.memory_space<vmem>> -> memref<1x64xi32, #tpu.memory_space<vmem>>
    %dma_wait3A_592 = tpu.memref_squeeze %dma_wait3A_591 : memref<1x64xi32, #tpu.memory_space<vmem>> -> memref<64xi32, #tpu.memory_space<vmem>>
    %dma_wait3A_593 = arith.constant 0 : i32
    %dma_wait3A_594 = tpu.memref_slice %arg9[%dma_wait3A_593] : memref<16384xf32, #tpu.memory_space<hbm>> -> memref<16384xf32, #tpu.memory_space<hbm>>
    tpu.wait_indirect_dma semaphore(%arg24 : memref<!tpu.dma_semaphore, #tpu.memory_space<semaphore_mem>>) src(%dma_wait3A_594 : memref<16384xf32, #tpu.memory_space<hbm>>) dst(%dma_wait3A_589 : memref<64xf32, #tpu.memory_space<vmem>>)
    %dma_wait3A_595 = arith.constant 4 : i32
    %dma_wait3A_596 = arith.constant 4 : i32
    %dma_wait3A_597 = arith.constant 0 : i32
    %dma_wait3A_598 = tpu.memref_slice %arg21[%dma_wait3A_596, %dma_wait3A_597] : memref<5x64xf32, #tpu.memory_space<vmem>> -> memref<1x64xf32, #tpu.memory_space<vmem>>
    %dma_wait3A_599 = tpu.memref_squeeze %dma_wait3A_598 : memref<1x64xf32, #tpu.memory_space<vmem>> -> memref<64xf32, #tpu.memory_space<vmem>>
    %dma_wait3A_600 = arith.constant 0 : i32
    %dma_wait3A_601 = tpu.memref_slice %arg13[%dma_wait3A_595, %dma_wait3A_600] : memref<5x64xi32, #tpu.memory_space<vmem>> -> memref<1x64xi32, #tpu.memory_space<vmem>>
    %dma_wait3A_602 = tpu.memref_squeeze %dma_wait3A_601 : memref<1x64xi32, #tpu.memory_space<vmem>> -> memref<64xi32, #tpu.memory_space<vmem>>
    %dma_wait3A_603 = arith.constant 0 : i32
    %dma_wait3A_604 = tpu.memref_slice %arg10[%dma_wait3A_603] : memref<16384xf32, #tpu.memory_space<hbm>> -> memref<16384xf32, #tpu.memory_space<hbm>>
    tpu.wait_indirect_dma semaphore(%arg24 : memref<!tpu.dma_semaphore, #tpu.memory_space<semaphore_mem>>) src(%dma_wait3A_604 : memref<16384xf32, #tpu.memory_space<hbm>>) dst(%dma_wait3A_599 : memref<64xf32, #tpu.memory_space<vmem>>)
    %dma_wait3A_605 = arith.constant 4 : i32
    %dma_wait3A_606 = arith.constant 4 : i32
    %dma_wait3A_607 = arith.constant 0 : i32
    %dma_wait3A_608 = tpu.memref_slice %arg22[%dma_wait3A_606, %dma_wait3A_607] : memref<5x64xf32, #tpu.memory_space<vmem>> -> memref<1x64xf32, #tpu.memory_space<vmem>>
    %dma_wait3A_609 = tpu.memref_squeeze %dma_wait3A_608 : memref<1x64xf32, #tpu.memory_space<vmem>> -> memref<64xf32, #tpu.memory_space<vmem>>
    %dma_wait3A_610 = arith.constant 0 : i32
    %dma_wait3A_611 = tpu.memref_slice %arg13[%dma_wait3A_605, %dma_wait3A_610] : memref<5x64xi32, #tpu.memory_space<vmem>> -> memref<1x64xi32, #tpu.memory_space<vmem>>
    %dma_wait3A_612 = tpu.memref_squeeze %dma_wait3A_611 : memref<1x64xi32, #tpu.memory_space<vmem>> -> memref<64xi32, #tpu.memory_space<vmem>>
    %dma_wait3A_613 = arith.constant 0 : i32
    %dma_wait3A_614 = tpu.memref_slice %arg11[%dma_wait3A_613] : memref<16384xf32, #tpu.memory_space<hbm>> -> memref<16384xf32, #tpu.memory_space<hbm>>
    tpu.wait_indirect_dma semaphore(%arg24 : memref<!tpu.dma_semaphore, #tpu.memory_space<semaphore_mem>>) src(%dma_wait3A_614 : memref<16384xf32, #tpu.memory_space<hbm>>) dst(%dma_wait3A_609 : memref<64xf32, #tpu.memory_space<vmem>>)
    %broadcast_in_dim3A = arith.constant 0.000000e+00 : f32
    %broadcast_in_dim3A_615 = vector.broadcast %broadcast_in_dim3A : f32 to vector<16xf32>
    %get3A = arith.constant 0 : i32
    %get3A_616 = arith.index_cast %get3A : i32 to index
    %get3A_617 = arith.constant 0 : index
    %get3A_618 = tpu.vector_load %arg17[%get3A_616, %get3A_617] {strides = array<i32>} : memref<5x64xf32, #tpu.memory_space<vmem>>, vector<1x16xf32>,
    %get3A_619 = vector.shape_cast %get3A_618 : vector<1x16xf32> to vector<16xf32>
    %get3A_620 = arith.constant 0 : i32
    %get3A_621 = arith.index_cast %get3A_620 : i32 to index
    %get3A_622 = arith.constant 0 : index
    %get3A_623 = tpu.vector_load %arg18[%get3A_621, %get3A_622] {strides = array<i32>} : memref<5x64xf32, #tpu.memory_space<vmem>>, vector<1x16xf32>,
    %get3A_624 = vector.shape_cast %get3A_623 : vector<1x16xf32> to vector<16xf32>
    %get3A_625 = arith.constant 0 : i32
    %get3A_626 = arith.index_cast %get3A_625 : i32 to index
    %get3A_627 = arith.constant 0 : index
    %get3A_628 = tpu.vector_load %arg19[%get3A_626, %get3A_627] {strides = array<i32>} : memref<5x64xf32, #tpu.memory_space<vmem>>, vector<1x16xf32>,
    %get3A_629 = vector.shape_cast %get3A_628 : vector<1x16xf32> to vector<16xf32>
    %get3A_630 = arith.constant 0 : i32
    %get3A_631 = arith.index_cast %get3A_630 : i32 to index
    %get3A_632 = arith.constant 0 : index
    %get3A_633 = tpu.vector_load %arg20[%get3A_631, %get3A_632] {strides = array<i32>} : memref<5x64xf32, #tpu.memory_space<vmem>>, vector<1x16xf32>,
    %get3A_634 = vector.shape_cast %get3A_633 : vector<1x16xf32> to vector<16xf32>
    %get3A_635 = arith.constant 0 : i32
    %get3A_636 = arith.index_cast %get3A_635 : i32 to index
    %get3A_637 = arith.constant 0 : index
    %get3A_638 = tpu.vector_load %arg21[%get3A_636, %get3A_637] {strides = array<i32>} : memref<5x64xf32, #tpu.memory_space<vmem>>, vector<1x16xf32>,
    %get3A_639 = vector.shape_cast %get3A_638 : vector<1x16xf32> to vector<16xf32>
    %get3A_640 = arith.constant 0 : i32
    %get3A_641 = arith.index_cast %get3A_640 : i32 to index
    %get3A_642 = arith.constant 0 : index
    %get3A_643 = tpu.vector_load %arg22[%get3A_641, %get3A_642] {strides = array<i32>} : memref<5x64xf32, #tpu.memory_space<vmem>>, vector<1x16xf32>,
    %get3A_644 = vector.shape_cast %get3A_643 : vector<1x16xf32> to vector<16xf32>
    %get3A_645 = arith.constant 0 : index
    %get3A_646 = tpu.vector_load %arg14[%get3A_645] {strides = array<i32>} : memref<320xf32, #tpu.memory_space<vmem>>, vector<16xf32>,
    %get3A_647 = vector.shape_cast %get3A_646 : vector<16xf32> to vector<16xf32>
    %sub3A = arith.subf %get3A_647, %get3A_619 : vector<16xf32>
    %mul3A_648 = arith.constant 0.00999999977 : f32
    %mul3A_649 = vector.broadcast %mul3A_648 : f32 to vector<16xf32>
    %mul3A_650 = arith.mulf %mul3A_649, %get3A_634 : vector<16xf32>
    %sub3A_651 = arith.subf %sub3A, %mul3A_650 : vector<16xf32>
    %mul3A_652 = arith.mulf %sub3A_651, %get3A_634 : vector<16xf32>
    %get3A_653 = arith.constant 0 : index
    %get3A_654 = tpu.vector_load %arg15[%get3A_653] {strides = array<i32>} : memref<320xf32, #tpu.memory_space<vmem>>, vector<16xf32>,
    %get3A_655 = vector.shape_cast %get3A_654 : vector<16xf32> to vector<16xf32>
    %sub3A_656 = arith.subf %get3A_655, %get3A_624 : vector<16xf32>
    %mul3A_657 = arith.constant 0.00999999977 : f32
    %mul3A_658 = vector.broadcast %mul3A_657 : f32 to vector<16xf32>
    %mul3A_659 = arith.mulf %mul3A_658, %get3A_639 : vector<16xf32>
    %sub3A_660 = arith.subf %sub3A_656, %mul3A_659 : vector<16xf32>
    %mul3A_661 = arith.mulf %sub3A_660, %get3A_639 : vector<16xf32>
    %add3A_662 = arith.addf %mul3A_652, %mul3A_661 : vector<16xf32>
    %get3A_663 = arith.constant 0 : index
    %get3A_664 = tpu.vector_load %arg16[%get3A_663] {strides = array<i32>} : memref<320xf32, #tpu.memory_space<vmem>>, vector<16xf32>,
    %get3A_665 = vector.shape_cast %get3A_664 : vector<16xf32> to vector<16xf32>
    %sub3A_666 = arith.subf %get3A_665, %get3A_629 : vector<16xf32>
    %mul3A_667 = arith.constant 0.00999999977 : f32
    %mul3A_668 = vector.broadcast %mul3A_667 : f32 to vector<16xf32>
    %mul3A_669 = arith.mulf %mul3A_668, %get3A_644 : vector<16xf32>
    %sub3A_670 = arith.subf %sub3A_666, %mul3A_669 : vector<16xf32>
    %mul3A_671 = arith.mulf %sub3A_670, %get3A_644 : vector<16xf32>
    %add3A_672 = arith.addf %add3A_662, %mul3A_671 : vector<16xf32>
    %neg3A = arith.constant 0.000000e+00 : f32
    %neg3A_673 = vector.broadcast %neg3A : f32 to vector<16xf32>
    %neg3A_674 = arith.subf %neg3A_673, %add3A_672 : vector<16xf32>
    %max3A = arith.constant 0.000000e+00 : f32
    %max3A_675 = vector.broadcast %max3A : f32 to vector<16xf32>
    %max3A_676 = arith.maximumf %neg3A_674, %max3A_675 : vector<16xf32>
    %add3A_677 = arith.addf %broadcast_in_dim3A_615, %max3A_676 : vector<16xf32>
    %get3A_678 = arith.constant 0 : i32
    %get3A_679 = arith.index_cast %get3A_678 : i32 to index
    %get3A_680 = arith.constant 16 : index
    %get3A_681 = tpu.vector_load %arg17[%get3A_679, %get3A_680] {strides = array<i32>} : memref<5x64xf32, #tpu.memory_space<vmem>>, vector<1x16xf32>,
    %get3A_682 = vector.shape_cast %get3A_681 : vector<1x16xf32> to vector<16xf32>
    %get3A_683 = arith.constant 0 : i32
    %get3A_684 = arith.index_cast %get3A_683 : i32 to index
    %get3A_685 = arith.constant 16 : index
    %get3A_686 = tpu.vector_load %arg18[%get3A_684, %get3A_685] {strides = array<i32>} : memref<5x64xf32, #tpu.memory_space<vmem>>, vector<1x16xf32>,
    %get3A_687 = vector.shape_cast %get3A_686 : vector<1x16xf32> to vector<16xf32>
    %get3A_688 = arith.constant 0 : i32
    %get3A_689 = arith.index_cast %get3A_688 : i32 to index
    %get3A_690 = arith.constant 16 : index
    %get3A_691 = tpu.vector_load %arg19[%get3A_689, %get3A_690] {strides = array<i32>} : memref<5x64xf32, #tpu.memory_space<vmem>>, vector<1x16xf32>,
    %get3A_692 = vector.shape_cast %get3A_691 : vector<1x16xf32> to vector<16xf32>
    %get3A_693 = arith.constant 0 : i32
    %get3A_694 = arith.index_cast %get3A_693 : i32 to index
    %get3A_695 = arith.constant 16 : index
    %get3A_696 = tpu.vector_load %arg20[%get3A_694, %get3A_695] {strides = array<i32>} : memref<5x64xf32, #tpu.memory_space<vmem>>, vector<1x16xf32>,
    %get3A_697 = vector.shape_cast %get3A_696 : vector<1x16xf32> to vector<16xf32>
    %get3A_698 = arith.constant 0 : i32
    %get3A_699 = arith.index_cast %get3A_698 : i32 to index
    %get3A_700 = arith.constant 16 : index
    %get3A_701 = tpu.vector_load %arg21[%get3A_699, %get3A_700] {strides = array<i32>} : memref<5x64xf32, #tpu.memory_space<vmem>>, vector<1x16xf32>,
    %get3A_702 = vector.shape_cast %get3A_701 : vector<1x16xf32> to vector<16xf32>
    %get3A_703 = arith.constant 0 : i32
    %get3A_704 = arith.index_cast %get3A_703 : i32 to index
    %get3A_705 = arith.constant 16 : index
    %get3A_706 = tpu.vector_load %arg22[%get3A_704, %get3A_705] {strides = array<i32>} : memref<5x64xf32, #tpu.memory_space<vmem>>, vector<1x16xf32>,
    %get3A_707 = vector.shape_cast %get3A_706 : vector<1x16xf32> to vector<16xf32>
    %get3A_708 = arith.constant 16 : index
    %get3A_709 = tpu.vector_load %arg14[%get3A_708] {strides = array<i32>} : memref<320xf32, #tpu.memory_space<vmem>>, vector<16xf32>,
    %get3A_710 = vector.shape_cast %get3A_709 : vector<16xf32> to vector<16xf32>
    %sub3A_711 = arith.subf %get3A_710, %get3A_682 : vector<16xf32>
    %mul3A_712 = arith.constant 0.00999999977 : f32
    %mul3A_713 = vector.broadcast %mul3A_712 : f32 to vector<16xf32>
    %mul3A_714 = arith.mulf %mul3A_713, %get3A_697 : vector<16xf32>
    %sub3A_715 = arith.subf %sub3A_711, %mul3A_714 : vector<16xf32>
    %mul3A_716 = arith.mulf %sub3A_715, %get3A_697 : vector<16xf32>
    %get3A_717 = arith.constant 16 : index
    %get3A_718 = tpu.vector_load %arg15[%get3A_717] {strides = array<i32>} : memref<320xf32, #tpu.memory_space<vmem>>, vector<16xf32>,
    %get3A_719 = vector.shape_cast %get3A_718 : vector<16xf32> to vector<16xf32>
    %sub3A_720 = arith.subf %get3A_719, %get3A_687 : vector<16xf32>
    %mul3A_721 = arith.constant 0.00999999977 : f32
    %mul3A_722 = vector.broadcast %mul3A_721 : f32 to vector<16xf32>
    %mul3A_723 = arith.mulf %mul3A_722, %get3A_702 : vector<16xf32>
    %sub3A_724 = arith.subf %sub3A_720, %mul3A_723 : vector<16xf32>
    %mul3A_725 = arith.mulf %sub3A_724, %get3A_702 : vector<16xf32>
    %add3A_726 = arith.addf %mul3A_716, %mul3A_725 : vector<16xf32>
    %get3A_727 = arith.constant 16 : index
    %get3A_728 = tpu.vector_load %arg16[%get3A_727] {strides = array<i32>} : memref<320xf32, #tpu.memory_space<vmem>>, vector<16xf32>,
    %get3A_729 = vector.shape_cast %get3A_728 : vector<16xf32> to vector<16xf32>
    %sub3A_730 = arith.subf %get3A_729, %get3A_692 : vector<16xf32>
    %mul3A_731 = arith.constant 0.00999999977 : f32
    %mul3A_732 = vector.broadcast %mul3A_731 : f32 to vector<16xf32>
    %mul3A_733 = arith.mulf %mul3A_732, %get3A_707 : vector<16xf32>
    %sub3A_734 = arith.subf %sub3A_730, %mul3A_733 : vector<16xf32>
    %mul3A_735 = arith.mulf %sub3A_734, %get3A_707 : vector<16xf32>
    %add3A_736 = arith.addf %add3A_726, %mul3A_735 : vector<16xf32>
    %neg3A_737 = arith.constant 0.000000e+00 : f32
    %neg3A_738 = vector.broadcast %neg3A_737 : f32 to vector<16xf32>
    %neg3A_739 = arith.subf %neg3A_738, %add3A_736 : vector<16xf32>
    %max3A_740 = arith.constant 0.000000e+00 : f32
    %max3A_741 = vector.broadcast %max3A_740 : f32 to vector<16xf32>
    %max3A_742 = arith.maximumf %neg3A_739, %max3A_741 : vector<16xf32>
    %add3A_743 = arith.addf %add3A_677, %max3A_742 : vector<16xf32>
    %get3A_744 = arith.constant 0 : i32
    %get3A_745 = arith.index_cast %get3A_744 : i32 to index
    %get3A_746 = arith.constant 32 : index
    %get3A_747 = tpu.vector_load %arg17[%get3A_745, %get3A_746] {strides = array<i32>} : memref<5x64xf32, #tpu.memory_space<vmem>>, vector<1x16xf32>,
    %get3A_748 = vector.shape_cast %get3A_747 : vector<1x16xf32> to vector<16xf32>
    %get3A_749 = arith.constant 0 : i32
    %get3A_750 = arith.index_cast %get3A_749 : i32 to index
    %get3A_751 = arith.constant 32 : index
    %get3A_752 = tpu.vector_load %arg18[%get3A_750, %get3A_751] {strides = array<i32>} : memref<5x64xf32, #tpu.memory_space<vmem>>, vector<1x16xf32>,
    %get3A_753 = vector.shape_cast %get3A_752 : vector<1x16xf32> to vector<16xf32>
    %get3A_754 = arith.constant 0 : i32
    %get3A_755 = arith.index_cast %get3A_754 : i32 to index
    %get3A_756 = arith.constant 32 : index
    %get3A_757 = tpu.vector_load %arg19[%get3A_755, %get3A_756] {strides = array<i32>} : memref<5x64xf32, #tpu.memory_space<vmem>>, vector<1x16xf32>,
    %get3A_758 = vector.shape_cast %get3A_757 : vector<1x16xf32> to vector<16xf32>
    %get3A_759 = arith.constant 0 : i32
    %get3A_760 = arith.index_cast %get3A_759 : i32 to index
    %get3A_761 = arith.constant 32 : index
    %get3A_762 = tpu.vector_load %arg20[%get3A_760, %get3A_761] {strides = array<i32>} : memref<5x64xf32, #tpu.memory_space<vmem>>, vector<1x16xf32>,
    %get3A_763 = vector.shape_cast %get3A_762 : vector<1x16xf32> to vector<16xf32>
    %get3A_764 = arith.constant 0 : i32
    %get3A_765 = arith.index_cast %get3A_764 : i32 to index
    %get3A_766 = arith.constant 32 : index
    %get3A_767 = tpu.vector_load %arg21[%get3A_765, %get3A_766] {strides = array<i32>} : memref<5x64xf32, #tpu.memory_space<vmem>>, vector<1x16xf32>,
    %get3A_768 = vector.shape_cast %get3A_767 : vector<1x16xf32> to vector<16xf32>
    %get3A_769 = arith.constant 0 : i32
    %get3A_770 = arith.index_cast %get3A_769 : i32 to index
    %get3A_771 = arith.constant 32 : index
    %get3A_772 = tpu.vector_load %arg22[%get3A_770, %get3A_771] {strides = array<i32>} : memref<5x64xf32, #tpu.memory_space<vmem>>, vector<1x16xf32>,
    %get3A_773 = vector.shape_cast %get3A_772 : vector<1x16xf32> to vector<16xf32>
    %get3A_774 = arith.constant 32 : index
    %get3A_775 = tpu.vector_load %arg14[%get3A_774] {strides = array<i32>} : memref<320xf32, #tpu.memory_space<vmem>>, vector<16xf32>,
    %get3A_776 = vector.shape_cast %get3A_775 : vector<16xf32> to vector<16xf32>
    %sub3A_777 = arith.subf %get3A_776, %get3A_748 : vector<16xf32>
    %mul3A_778 = arith.constant 0.00999999977 : f32
    %mul3A_779 = vector.broadcast %mul3A_778 : f32 to vector<16xf32>
    %mul3A_780 = arith.mulf %mul3A_779, %get3A_763 : vector<16xf32>
    %sub3A_781 = arith.subf %sub3A_777, %mul3A_780 : vector<16xf32>
    %mul3A_782 = arith.mulf %sub3A_781, %get3A_763 : vector<16xf32>
    %get3A_783 = arith.constant 32 : index
    %get3A_784 = tpu.vector_load %arg15[%get3A_783] {strides = array<i32>} : memref<320xf32, #tpu.memory_space<vmem>>, vector<16xf32>,
    %get3A_785 = vector.shape_cast %get3A_784 : vector<16xf32> to vector<16xf32>
    %sub3A_786 = arith.subf %get3A_785, %get3A_753 : vector<16xf32>
    %mul3A_787 = arith.constant 0.00999999977 : f32
    %mul3A_788 = vector.broadcast %mul3A_787 : f32 to vector<16xf32>
    %mul3A_789 = arith.mulf %mul3A_788, %get3A_768 : vector<16xf32>
    %sub3A_790 = arith.subf %sub3A_786, %mul3A_789 : vector<16xf32>
    %mul3A_791 = arith.mulf %sub3A_790, %get3A_768 : vector<16xf32>
    %add3A_792 = arith.addf %mul3A_782, %mul3A_791 : vector<16xf32>
    %get3A_793 = arith.constant 32 : index
    %get3A_794 = tpu.vector_load %arg16[%get3A_793] {strides = array<i32>} : memref<320xf32, #tpu.memory_space<vmem>>, vector<16xf32>,
    %get3A_795 = vector.shape_cast %get3A_794 : vector<16xf32> to vector<16xf32>
    %sub3A_796 = arith.subf %get3A_795, %get3A_758 : vector<16xf32>
    %mul3A_797 = arith.constant 0.00999999977 : f32
    %mul3A_798 = vector.broadcast %mul3A_797 : f32 to vector<16xf32>
    %mul3A_799 = arith.mulf %mul3A_798, %get3A_773 : vector<16xf32>
    %sub3A_800 = arith.subf %sub3A_796, %mul3A_799 : vector<16xf32>
    %mul3A_801 = arith.mulf %sub3A_800, %get3A_773 : vector<16xf32>
    %add3A_802 = arith.addf %add3A_792, %mul3A_801 : vector<16xf32>
    %neg3A_803 = arith.constant 0.000000e+00 : f32
    %neg3A_804 = vector.broadcast %neg3A_803 : f32 to vector<16xf32>
    %neg3A_805 = arith.subf %neg3A_804, %add3A_802 : vector<16xf32>
    %max3A_806 = arith.constant 0.000000e+00 : f32
    %max3A_807 = vector.broadcast %max3A_806 : f32 to vector<16xf32>
    %max3A_808 = arith.maximumf %neg3A_805, %max3A_807 : vector<16xf32>
    %add3A_809 = arith.addf %add3A_743, %max3A_808 : vector<16xf32>
    %get3A_810 = arith.constant 0 : i32
    %get3A_811 = arith.index_cast %get3A_810 : i32 to index
    %get3A_812 = arith.constant 48 : index
    %get3A_813 = tpu.vector_load %arg17[%get3A_811, %get3A_812] {strides = array<i32>} : memref<5x64xf32, #tpu.memory_space<vmem>>, vector<1x16xf32>,
    %get3A_814 = vector.shape_cast %get3A_813 : vector<1x16xf32> to vector<16xf32>
    %get3A_815 = arith.constant 0 : i32
    %get3A_816 = arith.index_cast %get3A_815 : i32 to index
    %get3A_817 = arith.constant 48 : index
    %get3A_818 = tpu.vector_load %arg18[%get3A_816, %get3A_817] {strides = array<i32>} : memref<5x64xf32, #tpu.memory_space<vmem>>, vector<1x16xf32>,
    %get3A_819 = vector.shape_cast %get3A_818 : vector<1x16xf32> to vector<16xf32>
    %get3A_820 = arith.constant 0 : i32
    %get3A_821 = arith.index_cast %get3A_820 : i32 to index
    %get3A_822 = arith.constant 48 : index
    %get3A_823 = tpu.vector_load %arg19[%get3A_821, %get3A_822] {strides = array<i32>} : memref<5x64xf32, #tpu.memory_space<vmem>>, vector<1x16xf32>,
    %get3A_824 = vector.shape_cast %get3A_823 : vector<1x16xf32> to vector<16xf32>
    %get3A_825 = arith.constant 0 : i32
    %get3A_826 = arith.index_cast %get3A_825 : i32 to index
    %get3A_827 = arith.constant 48 : index
    %get3A_828 = tpu.vector_load %arg20[%get3A_826, %get3A_827] {strides = array<i32>} : memref<5x64xf32, #tpu.memory_space<vmem>>, vector<1x16xf32>,
    %get3A_829 = vector.shape_cast %get3A_828 : vector<1x16xf32> to vector<16xf32>
    %get3A_830 = arith.constant 0 : i32
    %get3A_831 = arith.index_cast %get3A_830 : i32 to index
    %get3A_832 = arith.constant 48 : index
    %get3A_833 = tpu.vector_load %arg21[%get3A_831, %get3A_832] {strides = array<i32>} : memref<5x64xf32, #tpu.memory_space<vmem>>, vector<1x16xf32>,
    %get3A_834 = vector.shape_cast %get3A_833 : vector<1x16xf32> to vector<16xf32>
    %get3A_835 = arith.constant 0 : i32
    %get3A_836 = arith.index_cast %get3A_835 : i32 to index
    %get3A_837 = arith.constant 48 : index
    %get3A_838 = tpu.vector_load %arg22[%get3A_836, %get3A_837] {strides = array<i32>} : memref<5x64xf32, #tpu.memory_space<vmem>>, vector<1x16xf32>,
    %get3A_839 = vector.shape_cast %get3A_838 : vector<1x16xf32> to vector<16xf32>
    %get3A_840 = arith.constant 48 : index
    %get3A_841 = tpu.vector_load %arg14[%get3A_840] {strides = array<i32>} : memref<320xf32, #tpu.memory_space<vmem>>, vector<16xf32>,
    %get3A_842 = vector.shape_cast %get3A_841 : vector<16xf32> to vector<16xf32>
    %sub3A_843 = arith.subf %get3A_842, %get3A_814 : vector<16xf32>
    %mul3A_844 = arith.constant 0.00999999977 : f32
    %mul3A_845 = vector.broadcast %mul3A_844 : f32 to vector<16xf32>
    %mul3A_846 = arith.mulf %mul3A_845, %get3A_829 : vector<16xf32>
    %sub3A_847 = arith.subf %sub3A_843, %mul3A_846 : vector<16xf32>
    %mul3A_848 = arith.mulf %sub3A_847, %get3A_829 : vector<16xf32>
    %get3A_849 = arith.constant 48 : index
    %get3A_850 = tpu.vector_load %arg15[%get3A_849] {strides = array<i32>} : memref<320xf32, #tpu.memory_space<vmem>>, vector<16xf32>,
    %get3A_851 = vector.shape_cast %get3A_850 : vector<16xf32> to vector<16xf32>
    %sub3A_852 = arith.subf %get3A_851, %get3A_819 : vector<16xf32>
    %mul3A_853 = arith.constant 0.00999999977 : f32
    %mul3A_854 = vector.broadcast %mul3A_853 : f32 to vector<16xf32>
    %mul3A_855 = arith.mulf %mul3A_854, %get3A_834 : vector<16xf32>
    %sub3A_856 = arith.subf %sub3A_852, %mul3A_855 : vector<16xf32>
    %mul3A_857 = arith.mulf %sub3A_856, %get3A_834 : vector<16xf32>
    %add3A_858 = arith.addf %mul3A_848, %mul3A_857 : vector<16xf32>
    %get3A_859 = arith.constant 48 : index
    %get3A_860 = tpu.vector_load %arg16[%get3A_859] {strides = array<i32>} : memref<320xf32, #tpu.memory_space<vmem>>, vector<16xf32>,
    %get3A_861 = vector.shape_cast %get3A_860 : vector<16xf32> to vector<16xf32>
    %sub3A_862 = arith.subf %get3A_861, %get3A_824 : vector<16xf32>
    %mul3A_863 = arith.constant 0.00999999977 : f32
    %mul3A_864 = vector.broadcast %mul3A_863 : f32 to vector<16xf32>
    %mul3A_865 = arith.mulf %mul3A_864, %get3A_839 : vector<16xf32>
    %sub3A_866 = arith.subf %sub3A_862, %mul3A_865 : vector<16xf32>
    %mul3A_867 = arith.mulf %sub3A_866, %get3A_839 : vector<16xf32>
    %add3A_868 = arith.addf %add3A_858, %mul3A_867 : vector<16xf32>
    %neg3A_869 = arith.constant 0.000000e+00 : f32
    %neg3A_870 = vector.broadcast %neg3A_869 : f32 to vector<16xf32>
    %neg3A_871 = arith.subf %neg3A_870, %add3A_868 : vector<16xf32>
    %max3A_872 = arith.constant 0.000000e+00 : f32
    %max3A_873 = vector.broadcast %max3A_872 : f32 to vector<16xf32>
    %max3A_874 = arith.maximumf %neg3A_871, %max3A_873 : vector<16xf32>
    %add3A_875 = arith.addf %add3A_809, %max3A_874 : vector<16xf32>
    %get3A_876 = arith.constant 1 : i32
    %get3A_877 = arith.index_cast %get3A_876 : i32 to index
    %get3A_878 = arith.constant 0 : index
    %get3A_879 = tpu.vector_load %arg17[%get3A_877, %get3A_878] {strides = array<i32>} : memref<5x64xf32, #tpu.memory_space<vmem>>, vector<1x16xf32>,
    %get3A_880 = vector.shape_cast %get3A_879 : vector<1x16xf32> to vector<16xf32>
    %get3A_881 = arith.constant 1 : i32
    %get3A_882 = arith.index_cast %get3A_881 : i32 to index
    %get3A_883 = arith.constant 0 : index
    %get3A_884 = tpu.vector_load %arg18[%get3A_882, %get3A_883] {strides = array<i32>} : memref<5x64xf32, #tpu.memory_space<vmem>>, vector<1x16xf32>,
    %get3A_885 = vector.shape_cast %get3A_884 : vector<1x16xf32> to vector<16xf32>
    %get3A_886 = arith.constant 1 : i32
    %get3A_887 = arith.index_cast %get3A_886 : i32 to index
    %get3A_888 = arith.constant 0 : index
    %get3A_889 = tpu.vector_load %arg19[%get3A_887, %get3A_888] {strides = array<i32>} : memref<5x64xf32, #tpu.memory_space<vmem>>, vector<1x16xf32>,
    %get3A_890 = vector.shape_cast %get3A_889 : vector<1x16xf32> to vector<16xf32>
    %get3A_891 = arith.constant 1 : i32
    %get3A_892 = arith.index_cast %get3A_891 : i32 to index
    %get3A_893 = arith.constant 0 : index
    %get3A_894 = tpu.vector_load %arg20[%get3A_892, %get3A_893] {strides = array<i32>} : memref<5x64xf32, #tpu.memory_space<vmem>>, vector<1x16xf32>,
    %get3A_895 = vector.shape_cast %get3A_894 : vector<1x16xf32> to vector<16xf32>
    %get3A_896 = arith.constant 1 : i32
    %get3A_897 = arith.index_cast %get3A_896 : i32 to index
    %get3A_898 = arith.constant 0 : index
    %get3A_899 = tpu.vector_load %arg21[%get3A_897, %get3A_898] {strides = array<i32>} : memref<5x64xf32, #tpu.memory_space<vmem>>, vector<1x16xf32>,
    %get3A_900 = vector.shape_cast %get3A_899 : vector<1x16xf32> to vector<16xf32>
    %get3A_901 = arith.constant 1 : i32
    %get3A_902 = arith.index_cast %get3A_901 : i32 to index
    %get3A_903 = arith.constant 0 : index
    %get3A_904 = tpu.vector_load %arg22[%get3A_902, %get3A_903] {strides = array<i32>} : memref<5x64xf32, #tpu.memory_space<vmem>>, vector<1x16xf32>,
    %get3A_905 = vector.shape_cast %get3A_904 : vector<1x16xf32> to vector<16xf32>
    %get3A_906 = arith.constant 64 : index
    %get3A_907 = tpu.vector_load %arg14[%get3A_906] {strides = array<i32>} : memref<320xf32, #tpu.memory_space<vmem>>, vector<16xf32>,
    %get3A_908 = vector.shape_cast %get3A_907 : vector<16xf32> to vector<16xf32>
    %sub3A_909 = arith.subf %get3A_908, %get3A_880 : vector<16xf32>
    %mul3A_910 = arith.constant 0.00999999977 : f32
    %mul3A_911 = vector.broadcast %mul3A_910 : f32 to vector<16xf32>
    %mul3A_912 = arith.mulf %mul3A_911, %get3A_895 : vector<16xf32>
    %sub3A_913 = arith.subf %sub3A_909, %mul3A_912 : vector<16xf32>
    %mul3A_914 = arith.mulf %sub3A_913, %get3A_895 : vector<16xf32>
    %get3A_915 = arith.constant 64 : index
    %get3A_916 = tpu.vector_load %arg15[%get3A_915] {strides = array<i32>} : memref<320xf32, #tpu.memory_space<vmem>>, vector<16xf32>,
    %get3A_917 = vector.shape_cast %get3A_916 : vector<16xf32> to vector<16xf32>
    %sub3A_918 = arith.subf %get3A_917, %get3A_885 : vector<16xf32>
    %mul3A_919 = arith.constant 0.00999999977 : f32
    %mul3A_920 = vector.broadcast %mul3A_919 : f32 to vector<16xf32>
    %mul3A_921 = arith.mulf %mul3A_920, %get3A_900 : vector<16xf32>
    %sub3A_922 = arith.subf %sub3A_918, %mul3A_921 : vector<16xf32>
    %mul3A_923 = arith.mulf %sub3A_922, %get3A_900 : vector<16xf32>
    %add3A_924 = arith.addf %mul3A_914, %mul3A_923 : vector<16xf32>
    %get3A_925 = arith.constant 64 : index
    %get3A_926 = tpu.vector_load %arg16[%get3A_925] {strides = array<i32>} : memref<320xf32, #tpu.memory_space<vmem>>, vector<16xf32>,
    %get3A_927 = vector.shape_cast %get3A_926 : vector<16xf32> to vector<16xf32>
    %sub3A_928 = arith.subf %get3A_927, %get3A_890 : vector<16xf32>
    %mul3A_929 = arith.constant 0.00999999977 : f32
    %mul3A_930 = vector.broadcast %mul3A_929 : f32 to vector<16xf32>
    %mul3A_931 = arith.mulf %mul3A_930, %get3A_905 : vector<16xf32>
    %sub3A_932 = arith.subf %sub3A_928, %mul3A_931 : vector<16xf32>
    %mul3A_933 = arith.mulf %sub3A_932, %get3A_905 : vector<16xf32>
    %add3A_934 = arith.addf %add3A_924, %mul3A_933 : vector<16xf32>
    %neg3A_935 = arith.constant 0.000000e+00 : f32
    %neg3A_936 = vector.broadcast %neg3A_935 : f32 to vector<16xf32>
    %neg3A_937 = arith.subf %neg3A_936, %add3A_934 : vector<16xf32>
    %max3A_938 = arith.constant 0.000000e+00 : f32
    %max3A_939 = vector.broadcast %max3A_938 : f32 to vector<16xf32>
    %max3A_940 = arith.maximumf %neg3A_937, %max3A_939 : vector<16xf32>
    %add3A_941 = arith.addf %add3A_875, %max3A_940 : vector<16xf32>
    %get3A_942 = arith.constant 1 : i32
    %get3A_943 = arith.index_cast %get3A_942 : i32 to index
    %get3A_944 = arith.constant 16 : index
    %get3A_945 = tpu.vector_load %arg17[%get3A_943, %get3A_944] {strides = array<i32>} : memref<5x64xf32, #tpu.memory_space<vmem>>, vector<1x16xf32>,
    %get3A_946 = vector.shape_cast %get3A_945 : vector<1x16xf32> to vector<16xf32>
    %get3A_947 = arith.constant 1 : i32
    %get3A_948 = arith.index_cast %get3A_947 : i32 to index
    %get3A_949 = arith.constant 16 : index
    %get3A_950 = tpu.vector_load %arg18[%get3A_948, %get3A_949] {strides = array<i32>} : memref<5x64xf32, #tpu.memory_space<vmem>>, vector<1x16xf32>,
    %get3A_951 = vector.shape_cast %get3A_950 : vector<1x16xf32> to vector<16xf32>
    %get3A_952 = arith.constant 1 : i32
    %get3A_953 = arith.index_cast %get3A_952 : i32 to index
    %get3A_954 = arith.constant 16 : index
    %get3A_955 = tpu.vector_load %arg19[%get3A_953, %get3A_954] {strides = array<i32>} : memref<5x64xf32, #tpu.memory_space<vmem>>, vector<1x16xf32>,
    %get3A_956 = vector.shape_cast %get3A_955 : vector<1x16xf32> to vector<16xf32>
    %get3A_957 = arith.constant 1 : i32
    %get3A_958 = arith.index_cast %get3A_957 : i32 to index
    %get3A_959 = arith.constant 16 : index
    %get3A_960 = tpu.vector_load %arg20[%get3A_958, %get3A_959] {strides = array<i32>} : memref<5x64xf32, #tpu.memory_space<vmem>>, vector<1x16xf32>,
    %get3A_961 = vector.shape_cast %get3A_960 : vector<1x16xf32> to vector<16xf32>
    %get3A_962 = arith.constant 1 : i32
    %get3A_963 = arith.index_cast %get3A_962 : i32 to index
    %get3A_964 = arith.constant 16 : index
    %get3A_965 = tpu.vector_load %arg21[%get3A_963, %get3A_964] {strides = array<i32>} : memref<5x64xf32, #tpu.memory_space<vmem>>, vector<1x16xf32>,
    %get3A_966 = vector.shape_cast %get3A_965 : vector<1x16xf32> to vector<16xf32>
    %get3A_967 = arith.constant 1 : i32
    %get3A_968 = arith.index_cast %get3A_967 : i32 to index
    %get3A_969 = arith.constant 16 : index
    %get3A_970 = tpu.vector_load %arg22[%get3A_968, %get3A_969] {strides = array<i32>} : memref<5x64xf32, #tpu.memory_space<vmem>>, vector<1x16xf32>,
    %get3A_971 = vector.shape_cast %get3A_970 : vector<1x16xf32> to vector<16xf32>
    %get3A_972 = arith.constant 80 : index
    %get3A_973 = tpu.vector_load %arg14[%get3A_972] {strides = array<i32>} : memref<320xf32, #tpu.memory_space<vmem>>, vector<16xf32>,
    %get3A_974 = vector.shape_cast %get3A_973 : vector<16xf32> to vector<16xf32>
    %sub3A_975 = arith.subf %get3A_974, %get3A_946 : vector<16xf32>
    %mul3A_976 = arith.constant 0.00999999977 : f32
    %mul3A_977 = vector.broadcast %mul3A_976 : f32 to vector<16xf32>
    %mul3A_978 = arith.mulf %mul3A_977, %get3A_961 : vector<16xf32>
    %sub3A_979 = arith.subf %sub3A_975, %mul3A_978 : vector<16xf32>
    %mul3A_980 = arith.mulf %sub3A_979, %get3A_961 : vector<16xf32>
    %get3A_981 = arith.constant 80 : index
    %get3A_982 = tpu.vector_load %arg15[%get3A_981] {strides = array<i32>} : memref<320xf32, #tpu.memory_space<vmem>>, vector<16xf32>,
    %get3A_983 = vector.shape_cast %get3A_982 : vector<16xf32> to vector<16xf32>
    %sub3A_984 = arith.subf %get3A_983, %get3A_951 : vector<16xf32>
    %mul3A_985 = arith.constant 0.00999999977 : f32
    %mul3A_986 = vector.broadcast %mul3A_985 : f32 to vector<16xf32>
    %mul3A_987 = arith.mulf %mul3A_986, %get3A_966 : vector<16xf32>
    %sub3A_988 = arith.subf %sub3A_984, %mul3A_987 : vector<16xf32>
    %mul3A_989 = arith.mulf %sub3A_988, %get3A_966 : vector<16xf32>
    %add3A_990 = arith.addf %mul3A_980, %mul3A_989 : vector<16xf32>
    %get3A_991 = arith.constant 80 : index
    %get3A_992 = tpu.vector_load %arg16[%get3A_991] {strides = array<i32>} : memref<320xf32, #tpu.memory_space<vmem>>, vector<16xf32>,
    %get3A_993 = vector.shape_cast %get3A_992 : vector<16xf32> to vector<16xf32>
    %sub3A_994 = arith.subf %get3A_993, %get3A_956 : vector<16xf32>
    %mul3A_995 = arith.constant 0.00999999977 : f32
    %mul3A_996 = vector.broadcast %mul3A_995 : f32 to vector<16xf32>
    %mul3A_997 = arith.mulf %mul3A_996, %get3A_971 : vector<16xf32>
    %sub3A_998 = arith.subf %sub3A_994, %mul3A_997 : vector<16xf32>
    %mul3A_999 = arith.mulf %sub3A_998, %get3A_971 : vector<16xf32>
    %add3A_1000 = arith.addf %add3A_990, %mul3A_999 : vector<16xf32>
    %neg3A_1001 = arith.constant 0.000000e+00 : f32
    %neg3A_1002 = vector.broadcast %neg3A_1001 : f32 to vector<16xf32>
    %neg3A_1003 = arith.subf %neg3A_1002, %add3A_1000 : vector<16xf32>
    %max3A_1004 = arith.constant 0.000000e+00 : f32
    %max3A_1005 = vector.broadcast %max3A_1004 : f32 to vector<16xf32>
    %max3A_1006 = arith.maximumf %neg3A_1003, %max3A_1005 : vector<16xf32>
    %add3A_1007 = arith.addf %add3A_941, %max3A_1006 : vector<16xf32>
    %get3A_1008 = arith.constant 1 : i32
    %get3A_1009 = arith.index_cast %get3A_1008 : i32 to index
    %get3A_1010 = arith.constant 32 : index
    %get3A_1011 = tpu.vector_load %arg17[%get3A_1009, %get3A_1010] {strides = array<i32>} : memref<5x64xf32, #tpu.memory_space<vmem>>, vector<1x16xf32>,
    %get3A_1012 = vector.shape_cast %get3A_1011 : vector<1x16xf32> to vector<16xf32>
    %get3A_1013 = arith.constant 1 : i32
    %get3A_1014 = arith.index_cast %get3A_1013 : i32 to index
    %get3A_1015 = arith.constant 32 : index
    %get3A_1016 = tpu.vector_load %arg18[%get3A_1014, %get3A_1015] {strides = array<i32>} : memref<5x64xf32, #tpu.memory_space<vmem>>, vector<1x16xf32>,
    %get3A_1017 = vector.shape_cast %get3A_1016 : vector<1x16xf32> to vector<16xf32>
    %get3A_1018 = arith.constant 1 : i32
    %get3A_1019 = arith.index_cast %get3A_1018 : i32 to index
    %get3A_1020 = arith.constant 32 : index
    %get3A_1021 = tpu.vector_load %arg19[%get3A_1019, %get3A_1020] {strides = array<i32>} : memref<5x64xf32, #tpu.memory_space<vmem>>, vector<1x16xf32>,
    %get3A_1022 = vector.shape_cast %get3A_1021 : vector<1x16xf32> to vector<16xf32>
    %get3A_1023 = arith.constant 1 : i32
    %get3A_1024 = arith.index_cast %get3A_1023 : i32 to index
    %get3A_1025 = arith.constant 32 : index
    %get3A_1026 = tpu.vector_load %arg20[%get3A_1024, %get3A_1025] {strides = array<i32>} : memref<5x64xf32, #tpu.memory_space<vmem>>, vector<1x16xf32>,
    %get3A_1027 = vector.shape_cast %get3A_1026 : vector<1x16xf32> to vector<16xf32>
    %get3A_1028 = arith.constant 1 : i32
    %get3A_1029 = arith.index_cast %get3A_1028 : i32 to index
    %get3A_1030 = arith.constant 32 : index
    %get3A_1031 = tpu.vector_load %arg21[%get3A_1029, %get3A_1030] {strides = array<i32>} : memref<5x64xf32, #tpu.memory_space<vmem>>, vector<1x16xf32>,
    %get3A_1032 = vector.shape_cast %get3A_1031 : vector<1x16xf32> to vector<16xf32>
    %get3A_1033 = arith.constant 1 : i32
    %get3A_1034 = arith.index_cast %get3A_1033 : i32 to index
    %get3A_1035 = arith.constant 32 : index
    %get3A_1036 = tpu.vector_load %arg22[%get3A_1034, %get3A_1035] {strides = array<i32>} : memref<5x64xf32, #tpu.memory_space<vmem>>, vector<1x16xf32>,
    %get3A_1037 = vector.shape_cast %get3A_1036 : vector<1x16xf32> to vector<16xf32>
    %get3A_1038 = arith.constant 96 : index
    %get3A_1039 = tpu.vector_load %arg14[%get3A_1038] {strides = array<i32>} : memref<320xf32, #tpu.memory_space<vmem>>, vector<16xf32>,
    %get3A_1040 = vector.shape_cast %get3A_1039 : vector<16xf32> to vector<16xf32>
    %sub3A_1041 = arith.subf %get3A_1040, %get3A_1012 : vector<16xf32>
    %mul3A_1042 = arith.constant 0.00999999977 : f32
    %mul3A_1043 = vector.broadcast %mul3A_1042 : f32 to vector<16xf32>
    %mul3A_1044 = arith.mulf %mul3A_1043, %get3A_1027 : vector<16xf32>
    %sub3A_1045 = arith.subf %sub3A_1041, %mul3A_1044 : vector<16xf32>
    %mul3A_1046 = arith.mulf %sub3A_1045, %get3A_1027 : vector<16xf32>
    %get3A_1047 = arith.constant 96 : index
    %get3A_1048 = tpu.vector_load %arg15[%get3A_1047] {strides = array<i32>} : memref<320xf32, #tpu.memory_space<vmem>>, vector<16xf32>,
    %get3A_1049 = vector.shape_cast %get3A_1048 : vector<16xf32> to vector<16xf32>
    %sub3A_1050 = arith.subf %get3A_1049, %get3A_1017 : vector<16xf32>
    %mul3A_1051 = arith.constant 0.00999999977 : f32
    %mul3A_1052 = vector.broadcast %mul3A_1051 : f32 to vector<16xf32>
    %mul3A_1053 = arith.mulf %mul3A_1052, %get3A_1032 : vector<16xf32>
    %sub3A_1054 = arith.subf %sub3A_1050, %mul3A_1053 : vector<16xf32>
    %mul3A_1055 = arith.mulf %sub3A_1054, %get3A_1032 : vector<16xf32>
    %add3A_1056 = arith.addf %mul3A_1046, %mul3A_1055 : vector<16xf32>
    %get3A_1057 = arith.constant 96 : index
    %get3A_1058 = tpu.vector_load %arg16[%get3A_1057] {strides = array<i32>} : memref<320xf32, #tpu.memory_space<vmem>>, vector<16xf32>,
    %get3A_1059 = vector.shape_cast %get3A_1058 : vector<16xf32> to vector<16xf32>
    %sub3A_1060 = arith.subf %get3A_1059, %get3A_1022 : vector<16xf32>
    %mul3A_1061 = arith.constant 0.00999999977 : f32
    %mul3A_1062 = vector.broadcast %mul3A_1061 : f32 to vector<16xf32>
    %mul3A_1063 = arith.mulf %mul3A_1062, %get3A_1037 : vector<16xf32>
    %sub3A_1064 = arith.subf %sub3A_1060, %mul3A_1063 : vector<16xf32>
    %mul3A_1065 = arith.mulf %sub3A_1064, %get3A_1037 : vector<16xf32>
    %add3A_1066 = arith.addf %add3A_1056, %mul3A_1065 : vector<16xf32>
    %neg3A_1067 = arith.constant 0.000000e+00 : f32
    %neg3A_1068 = vector.broadcast %neg3A_1067 : f32 to vector<16xf32>
    %neg3A_1069 = arith.subf %neg3A_1068, %add3A_1066 : vector<16xf32>
    %max3A_1070 = arith.constant 0.000000e+00 : f32
    %max3A_1071 = vector.broadcast %max3A_1070 : f32 to vector<16xf32>
    %max3A_1072 = arith.maximumf %neg3A_1069, %max3A_1071 : vector<16xf32>
    %add3A_1073 = arith.addf %add3A_1007, %max3A_1072 : vector<16xf32>
    %get3A_1074 = arith.constant 1 : i32
    %get3A_1075 = arith.index_cast %get3A_1074 : i32 to index
    %get3A_1076 = arith.constant 48 : index
    %get3A_1077 = tpu.vector_load %arg17[%get3A_1075, %get3A_1076] {strides = array<i32>} : memref<5x64xf32, #tpu.memory_space<vmem>>, vector<1x16xf32>,
    %get3A_1078 = vector.shape_cast %get3A_1077 : vector<1x16xf32> to vector<16xf32>
    %get3A_1079 = arith.constant 1 : i32
    %get3A_1080 = arith.index_cast %get3A_1079 : i32 to index
    %get3A_1081 = arith.constant 48 : index
    %get3A_1082 = tpu.vector_load %arg18[%get3A_1080, %get3A_1081] {strides = array<i32>} : memref<5x64xf32, #tpu.memory_space<vmem>>, vector<1x16xf32>,
    %get3A_1083 = vector.shape_cast %get3A_1082 : vector<1x16xf32> to vector<16xf32>
    %get3A_1084 = arith.constant 1 : i32
    %get3A_1085 = arith.index_cast %get3A_1084 : i32 to index
    %get3A_1086 = arith.constant 48 : index
    %get3A_1087 = tpu.vector_load %arg19[%get3A_1085, %get3A_1086] {strides = array<i32>} : memref<5x64xf32, #tpu.memory_space<vmem>>, vector<1x16xf32>,
    %get3A_1088 = vector.shape_cast %get3A_1087 : vector<1x16xf32> to vector<16xf32>
    %get3A_1089 = arith.constant 1 : i32
    %get3A_1090 = arith.index_cast %get3A_1089 : i32 to index
    %get3A_1091 = arith.constant 48 : index
    %get3A_1092 = tpu.vector_load %arg20[%get3A_1090, %get3A_1091] {strides = array<i32>} : memref<5x64xf32, #tpu.memory_space<vmem>>, vector<1x16xf32>,
    %get3A_1093 = vector.shape_cast %get3A_1092 : vector<1x16xf32> to vector<16xf32>
    %get3A_1094 = arith.constant 1 : i32
    %get3A_1095 = arith.index_cast %get3A_1094 : i32 to index
    %get3A_1096 = arith.constant 48 : index
    %get3A_1097 = tpu.vector_load %arg21[%get3A_1095, %get3A_1096] {strides = array<i32>} : memref<5x64xf32, #tpu.memory_space<vmem>>, vector<1x16xf32>,
    %get3A_1098 = vector.shape_cast %get3A_1097 : vector<1x16xf32> to vector<16xf32>
    %get3A_1099 = arith.constant 1 : i32
    %get3A_1100 = arith.index_cast %get3A_1099 : i32 to index
    %get3A_1101 = arith.constant 48 : index
    %get3A_1102 = tpu.vector_load %arg22[%get3A_1100, %get3A_1101] {strides = array<i32>} : memref<5x64xf32, #tpu.memory_space<vmem>>, vector<1x16xf32>,
    %get3A_1103 = vector.shape_cast %get3A_1102 : vector<1x16xf32> to vector<16xf32>
    %get3A_1104 = arith.constant 112 : index
    %get3A_1105 = tpu.vector_load %arg14[%get3A_1104] {strides = array<i32>} : memref<320xf32, #tpu.memory_space<vmem>>, vector<16xf32>,
    %get3A_1106 = vector.shape_cast %get3A_1105 : vector<16xf32> to vector<16xf32>
    %sub3A_1107 = arith.subf %get3A_1106, %get3A_1078 : vector<16xf32>
    %mul3A_1108 = arith.constant 0.00999999977 : f32
    %mul3A_1109 = vector.broadcast %mul3A_1108 : f32 to vector<16xf32>
    %mul3A_1110 = arith.mulf %mul3A_1109, %get3A_1093 : vector<16xf32>
    %sub3A_1111 = arith.subf %sub3A_1107, %mul3A_1110 : vector<16xf32>
    %mul3A_1112 = arith.mulf %sub3A_1111, %get3A_1093 : vector<16xf32>
    %get3A_1113 = arith.constant 112 : index
    %get3A_1114 = tpu.vector_load %arg15[%get3A_1113] {strides = array<i32>} : memref<320xf32, #tpu.memory_space<vmem>>, vector<16xf32>,
    %get3A_1115 = vector.shape_cast %get3A_1114 : vector<16xf32> to vector<16xf32>
    %sub3A_1116 = arith.subf %get3A_1115, %get3A_1083 : vector<16xf32>
    %mul3A_1117 = arith.constant 0.00999999977 : f32
    %mul3A_1118 = vector.broadcast %mul3A_1117 : f32 to vector<16xf32>
    %mul3A_1119 = arith.mulf %mul3A_1118, %get3A_1098 : vector<16xf32>
    %sub3A_1120 = arith.subf %sub3A_1116, %mul3A_1119 : vector<16xf32>
    %mul3A_1121 = arith.mulf %sub3A_1120, %get3A_1098 : vector<16xf32>
    %add3A_1122 = arith.addf %mul3A_1112, %mul3A_1121 : vector<16xf32>
    %get3A_1123 = arith.constant 112 : index
    %get3A_1124 = tpu.vector_load %arg16[%get3A_1123] {strides = array<i32>} : memref<320xf32, #tpu.memory_space<vmem>>, vector<16xf32>,
    %get3A_1125 = vector.shape_cast %get3A_1124 : vector<16xf32> to vector<16xf32>
    %sub3A_1126 = arith.subf %get3A_1125, %get3A_1088 : vector<16xf32>
    %mul3A_1127 = arith.constant 0.00999999977 : f32
    %mul3A_1128 = vector.broadcast %mul3A_1127 : f32 to vector<16xf32>
    %mul3A_1129 = arith.mulf %mul3A_1128, %get3A_1103 : vector<16xf32>
    %sub3A_1130 = arith.subf %sub3A_1126, %mul3A_1129 : vector<16xf32>
    %mul3A_1131 = arith.mulf %sub3A_1130, %get3A_1103 : vector<16xf32>
    %add3A_1132 = arith.addf %add3A_1122, %mul3A_1131 : vector<16xf32>
    %neg3A_1133 = arith.constant 0.000000e+00 : f32
    %neg3A_1134 = vector.broadcast %neg3A_1133 : f32 to vector<16xf32>
    %neg3A_1135 = arith.subf %neg3A_1134, %add3A_1132 : vector<16xf32>
    %max3A_1136 = arith.constant 0.000000e+00 : f32
    %max3A_1137 = vector.broadcast %max3A_1136 : f32 to vector<16xf32>
    %max3A_1138 = arith.maximumf %neg3A_1135, %max3A_1137 : vector<16xf32>
    %add3A_1139 = arith.addf %add3A_1073, %max3A_1138 : vector<16xf32>
    %get3A_1140 = arith.constant 2 : i32
    %get3A_1141 = arith.index_cast %get3A_1140 : i32 to index
    %get3A_1142 = arith.constant 0 : index
    %get3A_1143 = tpu.vector_load %arg17[%get3A_1141, %get3A_1142] {strides = array<i32>} : memref<5x64xf32, #tpu.memory_space<vmem>>, vector<1x16xf32>,
    %get3A_1144 = vector.shape_cast %get3A_1143 : vector<1x16xf32> to vector<16xf32>
    %get3A_1145 = arith.constant 2 : i32
    %get3A_1146 = arith.index_cast %get3A_1145 : i32 to index
    %get3A_1147 = arith.constant 0 : index
    %get3A_1148 = tpu.vector_load %arg18[%get3A_1146, %get3A_1147] {strides = array<i32>} : memref<5x64xf32, #tpu.memory_space<vmem>>, vector<1x16xf32>,
    %get3A_1149 = vector.shape_cast %get3A_1148 : vector<1x16xf32> to vector<16xf32>
    %get3A_1150 = arith.constant 2 : i32
    %get3A_1151 = arith.index_cast %get3A_1150 : i32 to index
    %get3A_1152 = arith.constant 0 : index
    %get3A_1153 = tpu.vector_load %arg19[%get3A_1151, %get3A_1152] {strides = array<i32>} : memref<5x64xf32, #tpu.memory_space<vmem>>, vector<1x16xf32>,
    %get3A_1154 = vector.shape_cast %get3A_1153 : vector<1x16xf32> to vector<16xf32>
    %get3A_1155 = arith.constant 2 : i32
    %get3A_1156 = arith.index_cast %get3A_1155 : i32 to index
    %get3A_1157 = arith.constant 0 : index
    %get3A_1158 = tpu.vector_load %arg20[%get3A_1156, %get3A_1157] {strides = array<i32>} : memref<5x64xf32, #tpu.memory_space<vmem>>, vector<1x16xf32>,
    %get3A_1159 = vector.shape_cast %get3A_1158 : vector<1x16xf32> to vector<16xf32>
    %get3A_1160 = arith.constant 2 : i32
    %get3A_1161 = arith.index_cast %get3A_1160 : i32 to index
    %get3A_1162 = arith.constant 0 : index
    %get3A_1163 = tpu.vector_load %arg21[%get3A_1161, %get3A_1162] {strides = array<i32>} : memref<5x64xf32, #tpu.memory_space<vmem>>, vector<1x16xf32>,
    %get3A_1164 = vector.shape_cast %get3A_1163 : vector<1x16xf32> to vector<16xf32>
    %get3A_1165 = arith.constant 2 : i32
    %get3A_1166 = arith.index_cast %get3A_1165 : i32 to index
    %get3A_1167 = arith.constant 0 : index
    %get3A_1168 = tpu.vector_load %arg22[%get3A_1166, %get3A_1167] {strides = array<i32>} : memref<5x64xf32, #tpu.memory_space<vmem>>, vector<1x16xf32>,
    %get3A_1169 = vector.shape_cast %get3A_1168 : vector<1x16xf32> to vector<16xf32>
    %get3A_1170 = arith.constant 128 : index
    %get3A_1171 = tpu.vector_load %arg14[%get3A_1170] {strides = array<i32>} : memref<320xf32, #tpu.memory_space<vmem>>, vector<16xf32>,
    %get3A_1172 = vector.shape_cast %get3A_1171 : vector<16xf32> to vector<16xf32>
    %sub3A_1173 = arith.subf %get3A_1172, %get3A_1144 : vector<16xf32>
    %mul3A_1174 = arith.constant 0.00999999977 : f32
    %mul3A_1175 = vector.broadcast %mul3A_1174 : f32 to vector<16xf32>
    %mul3A_1176 = arith.mulf %mul3A_1175, %get3A_1159 : vector<16xf32>
    %sub3A_1177 = arith.subf %sub3A_1173, %mul3A_1176 : vector<16xf32>
    %mul3A_1178 = arith.mulf %sub3A_1177, %get3A_1159 : vector<16xf32>
    %get3A_1179 = arith.constant 128 : index
    %get3A_1180 = tpu.vector_load %arg15[%get3A_1179] {strides = array<i32>} : memref<320xf32, #tpu.memory_space<vmem>>, vector<16xf32>,
    %get3A_1181 = vector.shape_cast %get3A_1180 : vector<16xf32> to vector<16xf32>
    %sub3A_1182 = arith.subf %get3A_1181, %get3A_1149 : vector<16xf32>
    %mul3A_1183 = arith.constant 0.00999999977 : f32
    %mul3A_1184 = vector.broadcast %mul3A_1183 : f32 to vector<16xf32>
    %mul3A_1185 = arith.mulf %mul3A_1184, %get3A_1164 : vector<16xf32>
    %sub3A_1186 = arith.subf %sub3A_1182, %mul3A_1185 : vector<16xf32>
    %mul3A_1187 = arith.mulf %sub3A_1186, %get3A_1164 : vector<16xf32>
    %add3A_1188 = arith.addf %mul3A_1178, %mul3A_1187 : vector<16xf32>
    %get3A_1189 = arith.constant 128 : index
    %get3A_1190 = tpu.vector_load %arg16[%get3A_1189] {strides = array<i32>} : memref<320xf32, #tpu.memory_space<vmem>>, vector<16xf32>,
    %get3A_1191 = vector.shape_cast %get3A_1190 : vector<16xf32> to vector<16xf32>
    %sub3A_1192 = arith.subf %get3A_1191, %get3A_1154 : vector<16xf32>
    %mul3A_1193 = arith.constant 0.00999999977 : f32
    %mul3A_1194 = vector.broadcast %mul3A_1193 : f32 to vector<16xf32>
    %mul3A_1195 = arith.mulf %mul3A_1194, %get3A_1169 : vector<16xf32>
    %sub3A_1196 = arith.subf %sub3A_1192, %mul3A_1195 : vector<16xf32>
    %mul3A_1197 = arith.mulf %sub3A_1196, %get3A_1169 : vector<16xf32>
    %add3A_1198 = arith.addf %add3A_1188, %mul3A_1197 : vector<16xf32>
    %neg3A_1199 = arith.constant 0.000000e+00 : f32
    %neg3A_1200 = vector.broadcast %neg3A_1199 : f32 to vector<16xf32>
    %neg3A_1201 = arith.subf %neg3A_1200, %add3A_1198 : vector<16xf32>
    %max3A_1202 = arith.constant 0.000000e+00 : f32
    %max3A_1203 = vector.broadcast %max3A_1202 : f32 to vector<16xf32>
    %max3A_1204 = arith.maximumf %neg3A_1201, %max3A_1203 : vector<16xf32>
    %add3A_1205 = arith.addf %add3A_1139, %max3A_1204 : vector<16xf32>
    %get3A_1206 = arith.constant 2 : i32
    %get3A_1207 = arith.index_cast %get3A_1206 : i32 to index
    %get3A_1208 = arith.constant 16 : index
    %get3A_1209 = tpu.vector_load %arg17[%get3A_1207, %get3A_1208] {strides = array<i32>} : memref<5x64xf32, #tpu.memory_space<vmem>>, vector<1x16xf32>,
    %get3A_1210 = vector.shape_cast %get3A_1209 : vector<1x16xf32> to vector<16xf32>
    %get3A_1211 = arith.constant 2 : i32
    %get3A_1212 = arith.index_cast %get3A_1211 : i32 to index
    %get3A_1213 = arith.constant 16 : index
    %get3A_1214 = tpu.vector_load %arg18[%get3A_1212, %get3A_1213] {strides = array<i32>} : memref<5x64xf32, #tpu.memory_space<vmem>>, vector<1x16xf32>,
    %get3A_1215 = vector.shape_cast %get3A_1214 : vector<1x16xf32> to vector<16xf32>
    %get3A_1216 = arith.constant 2 : i32
    %get3A_1217 = arith.index_cast %get3A_1216 : i32 to index
    %get3A_1218 = arith.constant 16 : index
    %get3A_1219 = tpu.vector_load %arg19[%get3A_1217, %get3A_1218] {strides = array<i32>} : memref<5x64xf32, #tpu.memory_space<vmem>>, vector<1x16xf32>,
    %get3A_1220 = vector.shape_cast %get3A_1219 : vector<1x16xf32> to vector<16xf32>
    %get3A_1221 = arith.constant 2 : i32
    %get3A_1222 = arith.index_cast %get3A_1221 : i32 to index
    %get3A_1223 = arith.constant 16 : index
    %get3A_1224 = tpu.vector_load %arg20[%get3A_1222, %get3A_1223] {strides = array<i32>} : memref<5x64xf32, #tpu.memory_space<vmem>>, vector<1x16xf32>,
    %get3A_1225 = vector.shape_cast %get3A_1224 : vector<1x16xf32> to vector<16xf32>
    %get3A_1226 = arith.constant 2 : i32
    %get3A_1227 = arith.index_cast %get3A_1226 : i32 to index
    %get3A_1228 = arith.constant 16 : index
    %get3A_1229 = tpu.vector_load %arg21[%get3A_1227, %get3A_1228] {strides = array<i32>} : memref<5x64xf32, #tpu.memory_space<vmem>>, vector<1x16xf32>,
    %get3A_1230 = vector.shape_cast %get3A_1229 : vector<1x16xf32> to vector<16xf32>
    %get3A_1231 = arith.constant 2 : i32
    %get3A_1232 = arith.index_cast %get3A_1231 : i32 to index
    %get3A_1233 = arith.constant 16 : index
    %get3A_1234 = tpu.vector_load %arg22[%get3A_1232, %get3A_1233] {strides = array<i32>} : memref<5x64xf32, #tpu.memory_space<vmem>>, vector<1x16xf32>,
    %get3A_1235 = vector.shape_cast %get3A_1234 : vector<1x16xf32> to vector<16xf32>
    %get3A_1236 = arith.constant 144 : index
    %get3A_1237 = tpu.vector_load %arg14[%get3A_1236] {strides = array<i32>} : memref<320xf32, #tpu.memory_space<vmem>>, vector<16xf32>,
    %get3A_1238 = vector.shape_cast %get3A_1237 : vector<16xf32> to vector<16xf32>
    %sub3A_1239 = arith.subf %get3A_1238, %get3A_1210 : vector<16xf32>
    %mul3A_1240 = arith.constant 0.00999999977 : f32
    %mul3A_1241 = vector.broadcast %mul3A_1240 : f32 to vector<16xf32>
    %mul3A_1242 = arith.mulf %mul3A_1241, %get3A_1225 : vector<16xf32>
    %sub3A_1243 = arith.subf %sub3A_1239, %mul3A_1242 : vector<16xf32>
    %mul3A_1244 = arith.mulf %sub3A_1243, %get3A_1225 : vector<16xf32>
    %get3A_1245 = arith.constant 144 : index
    %get3A_1246 = tpu.vector_load %arg15[%get3A_1245] {strides = array<i32>} : memref<320xf32, #tpu.memory_space<vmem>>, vector<16xf32>,
    %get3A_1247 = vector.shape_cast %get3A_1246 : vector<16xf32> to vector<16xf32>
    %sub3A_1248 = arith.subf %get3A_1247, %get3A_1215 : vector<16xf32>
    %mul3A_1249 = arith.constant 0.00999999977 : f32
    %mul3A_1250 = vector.broadcast %mul3A_1249 : f32 to vector<16xf32>
    %mul3A_1251 = arith.mulf %mul3A_1250, %get3A_1230 : vector<16xf32>
    %sub3A_1252 = arith.subf %sub3A_1248, %mul3A_1251 : vector<16xf32>
    %mul3A_1253 = arith.mulf %sub3A_1252, %get3A_1230 : vector<16xf32>
    %add3A_1254 = arith.addf %mul3A_1244, %mul3A_1253 : vector<16xf32>
    %get3A_1255 = arith.constant 144 : index
    %get3A_1256 = tpu.vector_load %arg16[%get3A_1255] {strides = array<i32>} : memref<320xf32, #tpu.memory_space<vmem>>, vector<16xf32>,
    %get3A_1257 = vector.shape_cast %get3A_1256 : vector<16xf32> to vector<16xf32>
    %sub3A_1258 = arith.subf %get3A_1257, %get3A_1220 : vector<16xf32>
    %mul3A_1259 = arith.constant 0.00999999977 : f32
    %mul3A_1260 = vector.broadcast %mul3A_1259 : f32 to vector<16xf32>
    %mul3A_1261 = arith.mulf %mul3A_1260, %get3A_1235 : vector<16xf32>
    %sub3A_1262 = arith.subf %sub3A_1258, %mul3A_1261 : vector<16xf32>
    %mul3A_1263 = arith.mulf %sub3A_1262, %get3A_1235 : vector<16xf32>
    %add3A_1264 = arith.addf %add3A_1254, %mul3A_1263 : vector<16xf32>
    %neg3A_1265 = arith.constant 0.000000e+00 : f32
    %neg3A_1266 = vector.broadcast %neg3A_1265 : f32 to vector<16xf32>
    %neg3A_1267 = arith.subf %neg3A_1266, %add3A_1264 : vector<16xf32>
    %max3A_1268 = arith.constant 0.000000e+00 : f32
    %max3A_1269 = vector.broadcast %max3A_1268 : f32 to vector<16xf32>
    %max3A_1270 = arith.maximumf %neg3A_1267, %max3A_1269 : vector<16xf32>
    %add3A_1271 = arith.addf %add3A_1205, %max3A_1270 : vector<16xf32>
    %get3A_1272 = arith.constant 2 : i32
    %get3A_1273 = arith.index_cast %get3A_1272 : i32 to index
    %get3A_1274 = arith.constant 32 : index
    %get3A_1275 = tpu.vector_load %arg17[%get3A_1273, %get3A_1274] {strides = array<i32>} : memref<5x64xf32, #tpu.memory_space<vmem>>, vector<1x16xf32>,
    %get3A_1276 = vector.shape_cast %get3A_1275 : vector<1x16xf32> to vector<16xf32>
    %get3A_1277 = arith.constant 2 : i32
    %get3A_1278 = arith.index_cast %get3A_1277 : i32 to index
    %get3A_1279 = arith.constant 32 : index
    %get3A_1280 = tpu.vector_load %arg18[%get3A_1278, %get3A_1279] {strides = array<i32>} : memref<5x64xf32, #tpu.memory_space<vmem>>, vector<1x16xf32>,
    %get3A_1281 = vector.shape_cast %get3A_1280 : vector<1x16xf32> to vector<16xf32>
    %get3A_1282 = arith.constant 2 : i32
    %get3A_1283 = arith.index_cast %get3A_1282 : i32 to index
    %get3A_1284 = arith.constant 32 : index
    %get3A_1285 = tpu.vector_load %arg19[%get3A_1283, %get3A_1284] {strides = array<i32>} : memref<5x64xf32, #tpu.memory_space<vmem>>, vector<1x16xf32>,
    %get3A_1286 = vector.shape_cast %get3A_1285 : vector<1x16xf32> to vector<16xf32>
    %get3A_1287 = arith.constant 2 : i32
    %get3A_1288 = arith.index_cast %get3A_1287 : i32 to index
    %get3A_1289 = arith.constant 32 : index
    %get3A_1290 = tpu.vector_load %arg20[%get3A_1288, %get3A_1289] {strides = array<i32>} : memref<5x64xf32, #tpu.memory_space<vmem>>, vector<1x16xf32>,
    %get3A_1291 = vector.shape_cast %get3A_1290 : vector<1x16xf32> to vector<16xf32>
    %get3A_1292 = arith.constant 2 : i32
    %get3A_1293 = arith.index_cast %get3A_1292 : i32 to index
    %get3A_1294 = arith.constant 32 : index
    %get3A_1295 = tpu.vector_load %arg21[%get3A_1293, %get3A_1294] {strides = array<i32>} : memref<5x64xf32, #tpu.memory_space<vmem>>, vector<1x16xf32>,
    %get3A_1296 = vector.shape_cast %get3A_1295 : vector<1x16xf32> to vector<16xf32>
    %get3A_1297 = arith.constant 2 : i32
    %get3A_1298 = arith.index_cast %get3A_1297 : i32 to index
    %get3A_1299 = arith.constant 32 : index
    %get3A_1300 = tpu.vector_load %arg22[%get3A_1298, %get3A_1299] {strides = array<i32>} : memref<5x64xf32, #tpu.memory_space<vmem>>, vector<1x16xf32>,
    %get3A_1301 = vector.shape_cast %get3A_1300 : vector<1x16xf32> to vector<16xf32>
    %get3A_1302 = arith.constant 160 : index
    %get3A_1303 = tpu.vector_load %arg14[%get3A_1302] {strides = array<i32>} : memref<320xf32, #tpu.memory_space<vmem>>, vector<16xf32>,
    %get3A_1304 = vector.shape_cast %get3A_1303 : vector<16xf32> to vector<16xf32>
    %sub3A_1305 = arith.subf %get3A_1304, %get3A_1276 : vector<16xf32>
    %mul3A_1306 = arith.constant 0.00999999977 : f32
    %mul3A_1307 = vector.broadcast %mul3A_1306 : f32 to vector<16xf32>
    %mul3A_1308 = arith.mulf %mul3A_1307, %get3A_1291 : vector<16xf32>
    %sub3A_1309 = arith.subf %sub3A_1305, %mul3A_1308 : vector<16xf32>
    %mul3A_1310 = arith.mulf %sub3A_1309, %get3A_1291 : vector<16xf32>
    %get3A_1311 = arith.constant 160 : index
    %get3A_1312 = tpu.vector_load %arg15[%get3A_1311] {strides = array<i32>} : memref<320xf32, #tpu.memory_space<vmem>>, vector<16xf32>,
    %get3A_1313 = vector.shape_cast %get3A_1312 : vector<16xf32> to vector<16xf32>
    %sub3A_1314 = arith.subf %get3A_1313, %get3A_1281 : vector<16xf32>
    %mul3A_1315 = arith.constant 0.00999999977 : f32
    %mul3A_1316 = vector.broadcast %mul3A_1315 : f32 to vector<16xf32>
    %mul3A_1317 = arith.mulf %mul3A_1316, %get3A_1296 : vector<16xf32>
    %sub3A_1318 = arith.subf %sub3A_1314, %mul3A_1317 : vector<16xf32>
    %mul3A_1319 = arith.mulf %sub3A_1318, %get3A_1296 : vector<16xf32>
    %add3A_1320 = arith.addf %mul3A_1310, %mul3A_1319 : vector<16xf32>
    %get3A_1321 = arith.constant 160 : index
    %get3A_1322 = tpu.vector_load %arg16[%get3A_1321] {strides = array<i32>} : memref<320xf32, #tpu.memory_space<vmem>>, vector<16xf32>,
    %get3A_1323 = vector.shape_cast %get3A_1322 : vector<16xf32> to vector<16xf32>
    %sub3A_1324 = arith.subf %get3A_1323, %get3A_1286 : vector<16xf32>
    %mul3A_1325 = arith.constant 0.00999999977 : f32
    %mul3A_1326 = vector.broadcast %mul3A_1325 : f32 to vector<16xf32>
    %mul3A_1327 = arith.mulf %mul3A_1326, %get3A_1301 : vector<16xf32>
    %sub3A_1328 = arith.subf %sub3A_1324, %mul3A_1327 : vector<16xf32>
    %mul3A_1329 = arith.mulf %sub3A_1328, %get3A_1301 : vector<16xf32>
    %add3A_1330 = arith.addf %add3A_1320, %mul3A_1329 : vector<16xf32>
    %neg3A_1331 = arith.constant 0.000000e+00 : f32
    %neg3A_1332 = vector.broadcast %neg3A_1331 : f32 to vector<16xf32>
    %neg3A_1333 = arith.subf %neg3A_1332, %add3A_1330 : vector<16xf32>
    %max3A_1334 = arith.constant 0.000000e+00 : f32
    %max3A_1335 = vector.broadcast %max3A_1334 : f32 to vector<16xf32>
    %max3A_1336 = arith.maximumf %neg3A_1333, %max3A_1335 : vector<16xf32>
    %add3A_1337 = arith.addf %add3A_1271, %max3A_1336 : vector<16xf32>
    %get3A_1338 = arith.constant 2 : i32
    %get3A_1339 = arith.index_cast %get3A_1338 : i32 to index
    %get3A_1340 = arith.constant 48 : index
    %get3A_1341 = tpu.vector_load %arg17[%get3A_1339, %get3A_1340] {strides = array<i32>} : memref<5x64xf32, #tpu.memory_space<vmem>>, vector<1x16xf32>,
    %get3A_1342 = vector.shape_cast %get3A_1341 : vector<1x16xf32> to vector<16xf32>
    %get3A_1343 = arith.constant 2 : i32
    %get3A_1344 = arith.index_cast %get3A_1343 : i32 to index
    %get3A_1345 = arith.constant 48 : index
    %get3A_1346 = tpu.vector_load %arg18[%get3A_1344, %get3A_1345] {strides = array<i32>} : memref<5x64xf32, #tpu.memory_space<vmem>>, vector<1x16xf32>,
    %get3A_1347 = vector.shape_cast %get3A_1346 : vector<1x16xf32> to vector<16xf32>
    %get3A_1348 = arith.constant 2 : i32
    %get3A_1349 = arith.index_cast %get3A_1348 : i32 to index
    %get3A_1350 = arith.constant 48 : index
    %get3A_1351 = tpu.vector_load %arg19[%get3A_1349, %get3A_1350] {strides = array<i32>} : memref<5x64xf32, #tpu.memory_space<vmem>>, vector<1x16xf32>,
    %get3A_1352 = vector.shape_cast %get3A_1351 : vector<1x16xf32> to vector<16xf32>
    %get3A_1353 = arith.constant 2 : i32
    %get3A_1354 = arith.index_cast %get3A_1353 : i32 to index
    %get3A_1355 = arith.constant 48 : index
    %get3A_1356 = tpu.vector_load %arg20[%get3A_1354, %get3A_1355] {strides = array<i32>} : memref<5x64xf32, #tpu.memory_space<vmem>>, vector<1x16xf32>,
    %get3A_1357 = vector.shape_cast %get3A_1356 : vector<1x16xf32> to vector<16xf32>
    %get3A_1358 = arith.constant 2 : i32
    %get3A_1359 = arith.index_cast %get3A_1358 : i32 to index
    %get3A_1360 = arith.constant 48 : index
    %get3A_1361 = tpu.vector_load %arg21[%get3A_1359, %get3A_1360] {strides = array<i32>} : memref<5x64xf32, #tpu.memory_space<vmem>>, vector<1x16xf32>,
    %get3A_1362 = vector.shape_cast %get3A_1361 : vector<1x16xf32> to vector<16xf32>
    %get3A_1363 = arith.constant 2 : i32
    %get3A_1364 = arith.index_cast %get3A_1363 : i32 to index
    %get3A_1365 = arith.constant 48 : index
    %get3A_1366 = tpu.vector_load %arg22[%get3A_1364, %get3A_1365] {strides = array<i32>} : memref<5x64xf32, #tpu.memory_space<vmem>>, vector<1x16xf32>,
    %get3A_1367 = vector.shape_cast %get3A_1366 : vector<1x16xf32> to vector<16xf32>
    %get3A_1368 = arith.constant 176 : index
    %get3A_1369 = tpu.vector_load %arg14[%get3A_1368] {strides = array<i32>} : memref<320xf32, #tpu.memory_space<vmem>>, vector<16xf32>,
    %get3A_1370 = vector.shape_cast %get3A_1369 : vector<16xf32> to vector<16xf32>
    %sub3A_1371 = arith.subf %get3A_1370, %get3A_1342 : vector<16xf32>
    %mul3A_1372 = arith.constant 0.00999999977 : f32
    %mul3A_1373 = vector.broadcast %mul3A_1372 : f32 to vector<16xf32>
    %mul3A_1374 = arith.mulf %mul3A_1373, %get3A_1357 : vector<16xf32>
    %sub3A_1375 = arith.subf %sub3A_1371, %mul3A_1374 : vector<16xf32>
    %mul3A_1376 = arith.mulf %sub3A_1375, %get3A_1357 : vector<16xf32>
    %get3A_1377 = arith.constant 176 : index
    %get3A_1378 = tpu.vector_load %arg15[%get3A_1377] {strides = array<i32>} : memref<320xf32, #tpu.memory_space<vmem>>, vector<16xf32>,
    %get3A_1379 = vector.shape_cast %get3A_1378 : vector<16xf32> to vector<16xf32>
    %sub3A_1380 = arith.subf %get3A_1379, %get3A_1347 : vector<16xf32>
    %mul3A_1381 = arith.constant 0.00999999977 : f32
    %mul3A_1382 = vector.broadcast %mul3A_1381 : f32 to vector<16xf32>
    %mul3A_1383 = arith.mulf %mul3A_1382, %get3A_1362 : vector<16xf32>
    %sub3A_1384 = arith.subf %sub3A_1380, %mul3A_1383 : vector<16xf32>
    %mul3A_1385 = arith.mulf %sub3A_1384, %get3A_1362 : vector<16xf32>
    %add3A_1386 = arith.addf %mul3A_1376, %mul3A_1385 : vector<16xf32>
    %get3A_1387 = arith.constant 176 : index
    %get3A_1388 = tpu.vector_load %arg16[%get3A_1387] {strides = array<i32>} : memref<320xf32, #tpu.memory_space<vmem>>, vector<16xf32>,
    %get3A_1389 = vector.shape_cast %get3A_1388 : vector<16xf32> to vector<16xf32>
    %sub3A_1390 = arith.subf %get3A_1389, %get3A_1352 : vector<16xf32>
    %mul3A_1391 = arith.constant 0.00999999977 : f32
    %mul3A_1392 = vector.broadcast %mul3A_1391 : f32 to vector<16xf32>
    %mul3A_1393 = arith.mulf %mul3A_1392, %get3A_1367 : vector<16xf32>
    %sub3A_1394 = arith.subf %sub3A_1390, %mul3A_1393 : vector<16xf32>
    %mul3A_1395 = arith.mulf %sub3A_1394, %get3A_1367 : vector<16xf32>
    %add3A_1396 = arith.addf %add3A_1386, %mul3A_1395 : vector<16xf32>
    %neg3A_1397 = arith.constant 0.000000e+00 : f32
    %neg3A_1398 = vector.broadcast %neg3A_1397 : f32 to vector<16xf32>
    %neg3A_1399 = arith.subf %neg3A_1398, %add3A_1396 : vector<16xf32>
    %max3A_1400 = arith.constant 0.000000e+00 : f32
    %max3A_1401 = vector.broadcast %max3A_1400 : f32 to vector<16xf32>
    %max3A_1402 = arith.maximumf %neg3A_1399, %max3A_1401 : vector<16xf32>
    %add3A_1403 = arith.addf %add3A_1337, %max3A_1402 : vector<16xf32>
    %get3A_1404 = arith.constant 3 : i32
    %get3A_1405 = arith.index_cast %get3A_1404 : i32 to index
    %get3A_1406 = arith.constant 0 : index
    %get3A_1407 = tpu.vector_load %arg17[%get3A_1405, %get3A_1406] {strides = array<i32>} : memref<5x64xf32, #tpu.memory_space<vmem>>, vector<1x16xf32>,
    %get3A_1408 = vector.shape_cast %get3A_1407 : vector<1x16xf32> to vector<16xf32>
    %get3A_1409 = arith.constant 3 : i32
    %get3A_1410 = arith.index_cast %get3A_1409 : i32 to index
    %get3A_1411 = arith.constant 0 : index
    %get3A_1412 = tpu.vector_load %arg18[%get3A_1410, %get3A_1411] {strides = array<i32>} : memref<5x64xf32, #tpu.memory_space<vmem>>, vector<1x16xf32>,
    %get3A_1413 = vector.shape_cast %get3A_1412 : vector<1x16xf32> to vector<16xf32>
    %get3A_1414 = arith.constant 3 : i32
    %get3A_1415 = arith.index_cast %get3A_1414 : i32 to index
    %get3A_1416 = arith.constant 0 : index
    %get3A_1417 = tpu.vector_load %arg19[%get3A_1415, %get3A_1416] {strides = array<i32>} : memref<5x64xf32, #tpu.memory_space<vmem>>, vector<1x16xf32>,
    %get3A_1418 = vector.shape_cast %get3A_1417 : vector<1x16xf32> to vector<16xf32>
    %get3A_1419 = arith.constant 3 : i32
    %get3A_1420 = arith.index_cast %get3A_1419 : i32 to index
    %get3A_1421 = arith.constant 0 : index
    %get3A_1422 = tpu.vector_load %arg20[%get3A_1420, %get3A_1421] {strides = array<i32>} : memref<5x64xf32, #tpu.memory_space<vmem>>, vector<1x16xf32>,
    %get3A_1423 = vector.shape_cast %get3A_1422 : vector<1x16xf32> to vector<16xf32>
    %get3A_1424 = arith.constant 3 : i32
    %get3A_1425 = arith.index_cast %get3A_1424 : i32 to index
    %get3A_1426 = arith.constant 0 : index
    %get3A_1427 = tpu.vector_load %arg21[%get3A_1425, %get3A_1426] {strides = array<i32>} : memref<5x64xf32, #tpu.memory_space<vmem>>, vector<1x16xf32>,
    %get3A_1428 = vector.shape_cast %get3A_1427 : vector<1x16xf32> to vector<16xf32>
    %get3A_1429 = arith.constant 3 : i32
    %get3A_1430 = arith.index_cast %get3A_1429 : i32 to index
    %get3A_1431 = arith.constant 0 : index
    %get3A_1432 = tpu.vector_load %arg22[%get3A_1430, %get3A_1431] {strides = array<i32>} : memref<5x64xf32, #tpu.memory_space<vmem>>, vector<1x16xf32>,
    %get3A_1433 = vector.shape_cast %get3A_1432 : vector<1x16xf32> to vector<16xf32>
    %get3A_1434 = arith.constant 192 : index
    %get3A_1435 = tpu.vector_load %arg14[%get3A_1434] {strides = array<i32>} : memref<320xf32, #tpu.memory_space<vmem>>, vector<16xf32>,
    %get3A_1436 = vector.shape_cast %get3A_1435 : vector<16xf32> to vector<16xf32>
    %sub3A_1437 = arith.subf %get3A_1436, %get3A_1408 : vector<16xf32>
    %mul3A_1438 = arith.constant 0.00999999977 : f32
    %mul3A_1439 = vector.broadcast %mul3A_1438 : f32 to vector<16xf32>
    %mul3A_1440 = arith.mulf %mul3A_1439, %get3A_1423 : vector<16xf32>
    %sub3A_1441 = arith.subf %sub3A_1437, %mul3A_1440 : vector<16xf32>
    %mul3A_1442 = arith.mulf %sub3A_1441, %get3A_1423 : vector<16xf32>
    %get3A_1443 = arith.constant 192 : index
    %get3A_1444 = tpu.vector_load %arg15[%get3A_1443] {strides = array<i32>} : memref<320xf32, #tpu.memory_space<vmem>>, vector<16xf32>,
    %get3A_1445 = vector.shape_cast %get3A_1444 : vector<16xf32> to vector<16xf32>
    %sub3A_1446 = arith.subf %get3A_1445, %get3A_1413 : vector<16xf32>
    %mul3A_1447 = arith.constant 0.00999999977 : f32
    %mul3A_1448 = vector.broadcast %mul3A_1447 : f32 to vector<16xf32>
    %mul3A_1449 = arith.mulf %mul3A_1448, %get3A_1428 : vector<16xf32>
    %sub3A_1450 = arith.subf %sub3A_1446, %mul3A_1449 : vector<16xf32>
    %mul3A_1451 = arith.mulf %sub3A_1450, %get3A_1428 : vector<16xf32>
    %add3A_1452 = arith.addf %mul3A_1442, %mul3A_1451 : vector<16xf32>
    %get3A_1453 = arith.constant 192 : index
    %get3A_1454 = tpu.vector_load %arg16[%get3A_1453] {strides = array<i32>} : memref<320xf32, #tpu.memory_space<vmem>>, vector<16xf32>,
    %get3A_1455 = vector.shape_cast %get3A_1454 : vector<16xf32> to vector<16xf32>
    %sub3A_1456 = arith.subf %get3A_1455, %get3A_1418 : vector<16xf32>
    %mul3A_1457 = arith.constant 0.00999999977 : f32
    %mul3A_1458 = vector.broadcast %mul3A_1457 : f32 to vector<16xf32>
    %mul3A_1459 = arith.mulf %mul3A_1458, %get3A_1433 : vector<16xf32>
    %sub3A_1460 = arith.subf %sub3A_1456, %mul3A_1459 : vector<16xf32>
    %mul3A_1461 = arith.mulf %sub3A_1460, %get3A_1433 : vector<16xf32>
    %add3A_1462 = arith.addf %add3A_1452, %mul3A_1461 : vector<16xf32>
    %neg3A_1463 = arith.constant 0.000000e+00 : f32
    %neg3A_1464 = vector.broadcast %neg3A_1463 : f32 to vector<16xf32>
    %neg3A_1465 = arith.subf %neg3A_1464, %add3A_1462 : vector<16xf32>
    %max3A_1466 = arith.constant 0.000000e+00 : f32
    %max3A_1467 = vector.broadcast %max3A_1466 : f32 to vector<16xf32>
    %max3A_1468 = arith.maximumf %neg3A_1465, %max3A_1467 : vector<16xf32>
    %add3A_1469 = arith.addf %add3A_1403, %max3A_1468 : vector<16xf32>
    %get3A_1470 = arith.constant 3 : i32
    %get3A_1471 = arith.index_cast %get3A_1470 : i32 to index
    %get3A_1472 = arith.constant 16 : index
    %get3A_1473 = tpu.vector_load %arg17[%get3A_1471, %get3A_1472] {strides = array<i32>} : memref<5x64xf32, #tpu.memory_space<vmem>>, vector<1x16xf32>,
    %get3A_1474 = vector.shape_cast %get3A_1473 : vector<1x16xf32> to vector<16xf32>
    %get3A_1475 = arith.constant 3 : i32
    %get3A_1476 = arith.index_cast %get3A_1475 : i32 to index
    %get3A_1477 = arith.constant 16 : index
    %get3A_1478 = tpu.vector_load %arg18[%get3A_1476, %get3A_1477] {strides = array<i32>} : memref<5x64xf32, #tpu.memory_space<vmem>>, vector<1x16xf32>,
    %get3A_1479 = vector.shape_cast %get3A_1478 : vector<1x16xf32> to vector<16xf32>
    %get3A_1480 = arith.constant 3 : i32
    %get3A_1481 = arith.index_cast %get3A_1480 : i32 to index
    %get3A_1482 = arith.constant 16 : index
    %get3A_1483 = tpu.vector_load %arg19[%get3A_1481, %get3A_1482] {strides = array<i32>} : memref<5x64xf32, #tpu.memory_space<vmem>>, vector<1x16xf32>,
    %get3A_1484 = vector.shape_cast %get3A_1483 : vector<1x16xf32> to vector<16xf32>
    %get3A_1485 = arith.constant 3 : i32
    %get3A_1486 = arith.index_cast %get3A_1485 : i32 to index
    %get3A_1487 = arith.constant 16 : index
    %get3A_1488 = tpu.vector_load %arg20[%get3A_1486, %get3A_1487] {strides = array<i32>} : memref<5x64xf32, #tpu.memory_space<vmem>>, vector<1x16xf32>,
    %get3A_1489 = vector.shape_cast %get3A_1488 : vector<1x16xf32> to vector<16xf32>
    %get3A_1490 = arith.constant 3 : i32
    %get3A_1491 = arith.index_cast %get3A_1490 : i32 to index
    %get3A_1492 = arith.constant 16 : index
    %get3A_1493 = tpu.vector_load %arg21[%get3A_1491, %get3A_1492] {strides = array<i32>} : memref<5x64xf32, #tpu.memory_space<vmem>>, vector<1x16xf32>,
    %get3A_1494 = vector.shape_cast %get3A_1493 : vector<1x16xf32> to vector<16xf32>
    %get3A_1495 = arith.constant 3 : i32
    %get3A_1496 = arith.index_cast %get3A_1495 : i32 to index
    %get3A_1497 = arith.constant 16 : index
    %get3A_1498 = tpu.vector_load %arg22[%get3A_1496, %get3A_1497] {strides = array<i32>} : memref<5x64xf32, #tpu.memory_space<vmem>>, vector<1x16xf32>,
    %get3A_1499 = vector.shape_cast %get3A_1498 : vector<1x16xf32> to vector<16xf32>
    %get3A_1500 = arith.constant 208 : index
    %get3A_1501 = tpu.vector_load %arg14[%get3A_1500] {strides = array<i32>} : memref<320xf32, #tpu.memory_space<vmem>>, vector<16xf32>,
    %get3A_1502 = vector.shape_cast %get3A_1501 : vector<16xf32> to vector<16xf32>
    %sub3A_1503 = arith.subf %get3A_1502, %get3A_1474 : vector<16xf32>
    %mul3A_1504 = arith.constant 0.00999999977 : f32
    %mul3A_1505 = vector.broadcast %mul3A_1504 : f32 to vector<16xf32>
    %mul3A_1506 = arith.mulf %mul3A_1505, %get3A_1489 : vector<16xf32>
    %sub3A_1507 = arith.subf %sub3A_1503, %mul3A_1506 : vector<16xf32>
    %mul3A_1508 = arith.mulf %sub3A_1507, %get3A_1489 : vector<16xf32>
    %get3A_1509 = arith.constant 208 : index
    %get3A_1510 = tpu.vector_load %arg15[%get3A_1509] {strides = array<i32>} : memref<320xf32, #tpu.memory_space<vmem>>, vector<16xf32>,
    %get3A_1511 = vector.shape_cast %get3A_1510 : vector<16xf32> to vector<16xf32>
    %sub3A_1512 = arith.subf %get3A_1511, %get3A_1479 : vector<16xf32>
    %mul3A_1513 = arith.constant 0.00999999977 : f32
    %mul3A_1514 = vector.broadcast %mul3A_1513 : f32 to vector<16xf32>
    %mul3A_1515 = arith.mulf %mul3A_1514, %get3A_1494 : vector<16xf32>
    %sub3A_1516 = arith.subf %sub3A_1512, %mul3A_1515 : vector<16xf32>
    %mul3A_1517 = arith.mulf %sub3A_1516, %get3A_1494 : vector<16xf32>
    %add3A_1518 = arith.addf %mul3A_1508, %mul3A_1517 : vector<16xf32>
    %get3A_1519 = arith.constant 208 : index
    %get3A_1520 = tpu.vector_load %arg16[%get3A_1519] {strides = array<i32>} : memref<320xf32, #tpu.memory_space<vmem>>, vector<16xf32>,
    %get3A_1521 = vector.shape_cast %get3A_1520 : vector<16xf32> to vector<16xf32>
    %sub3A_1522 = arith.subf %get3A_1521, %get3A_1484 : vector<16xf32>
    %mul3A_1523 = arith.constant 0.00999999977 : f32
    %mul3A_1524 = vector.broadcast %mul3A_1523 : f32 to vector<16xf32>
    %mul3A_1525 = arith.mulf %mul3A_1524, %get3A_1499 : vector<16xf32>
    %sub3A_1526 = arith.subf %sub3A_1522, %mul3A_1525 : vector<16xf32>
    %mul3A_1527 = arith.mulf %sub3A_1526, %get3A_1499 : vector<16xf32>
    %add3A_1528 = arith.addf %add3A_1518, %mul3A_1527 : vector<16xf32>
    %neg3A_1529 = arith.constant 0.000000e+00 : f32
    %neg3A_1530 = vector.broadcast %neg3A_1529 : f32 to vector<16xf32>
    %neg3A_1531 = arith.subf %neg3A_1530, %add3A_1528 : vector<16xf32>
    %max3A_1532 = arith.constant 0.000000e+00 : f32
    %max3A_1533 = vector.broadcast %max3A_1532 : f32 to vector<16xf32>
    %max3A_1534 = arith.maximumf %neg3A_1531, %max3A_1533 : vector<16xf32>
    %add3A_1535 = arith.addf %add3A_1469, %max3A_1534 : vector<16xf32>
    %get3A_1536 = arith.constant 3 : i32
    %get3A_1537 = arith.index_cast %get3A_1536 : i32 to index
    %get3A_1538 = arith.constant 32 : index
    %get3A_1539 = tpu.vector_load %arg17[%get3A_1537, %get3A_1538] {strides = array<i32>} : memref<5x64xf32, #tpu.memory_space<vmem>>, vector<1x16xf32>,
    %get3A_1540 = vector.shape_cast %get3A_1539 : vector<1x16xf32> to vector<16xf32>
    %get3A_1541 = arith.constant 3 : i32
    %get3A_1542 = arith.index_cast %get3A_1541 : i32 to index
    %get3A_1543 = arith.constant 32 : index
    %get3A_1544 = tpu.vector_load %arg18[%get3A_1542, %get3A_1543] {strides = array<i32>} : memref<5x64xf32, #tpu.memory_space<vmem>>, vector<1x16xf32>,
    %get3A_1545 = vector.shape_cast %get3A_1544 : vector<1x16xf32> to vector<16xf32>
    %get3A_1546 = arith.constant 3 : i32
    %get3A_1547 = arith.index_cast %get3A_1546 : i32 to index
    %get3A_1548 = arith.constant 32 : index
    %get3A_1549 = tpu.vector_load %arg19[%get3A_1547, %get3A_1548] {strides = array<i32>} : memref<5x64xf32, #tpu.memory_space<vmem>>, vector<1x16xf32>,
    %get3A_1550 = vector.shape_cast %get3A_1549 : vector<1x16xf32> to vector<16xf32>
    %get3A_1551 = arith.constant 3 : i32
    %get3A_1552 = arith.index_cast %get3A_1551 : i32 to index
    %get3A_1553 = arith.constant 32 : index
    %get3A_1554 = tpu.vector_load %arg20[%get3A_1552, %get3A_1553] {strides = array<i32>} : memref<5x64xf32, #tpu.memory_space<vmem>>, vector<1x16xf32>,
    %get3A_1555 = vector.shape_cast %get3A_1554 : vector<1x16xf32> to vector<16xf32>
    %get3A_1556 = arith.constant 3 : i32
    %get3A_1557 = arith.index_cast %get3A_1556 : i32 to index
    %get3A_1558 = arith.constant 32 : index
    %get3A_1559 = tpu.vector_load %arg21[%get3A_1557, %get3A_1558] {strides = array<i32>} : memref<5x64xf32, #tpu.memory_space<vmem>>, vector<1x16xf32>,
    %get3A_1560 = vector.shape_cast %get3A_1559 : vector<1x16xf32> to vector<16xf32>
    %get3A_1561 = arith.constant 3 : i32
    %get3A_1562 = arith.index_cast %get3A_1561 : i32 to index
    %get3A_1563 = arith.constant 32 : index
    %get3A_1564 = tpu.vector_load %arg22[%get3A_1562, %get3A_1563] {strides = array<i32>} : memref<5x64xf32, #tpu.memory_space<vmem>>, vector<1x16xf32>,
    %get3A_1565 = vector.shape_cast %get3A_1564 : vector<1x16xf32> to vector<16xf32>
    %get3A_1566 = arith.constant 224 : index
    %get3A_1567 = tpu.vector_load %arg14[%get3A_1566] {strides = array<i32>} : memref<320xf32, #tpu.memory_space<vmem>>, vector<16xf32>,
    %get3A_1568 = vector.shape_cast %get3A_1567 : vector<16xf32> to vector<16xf32>
    %sub3A_1569 = arith.subf %get3A_1568, %get3A_1540 : vector<16xf32>
    %mul3A_1570 = arith.constant 0.00999999977 : f32
    %mul3A_1571 = vector.broadcast %mul3A_1570 : f32 to vector<16xf32>
    %mul3A_1572 = arith.mulf %mul3A_1571, %get3A_1555 : vector<16xf32>
    %sub3A_1573 = arith.subf %sub3A_1569, %mul3A_1572 : vector<16xf32>
    %mul3A_1574 = arith.mulf %sub3A_1573, %get3A_1555 : vector<16xf32>
    %get3A_1575 = arith.constant 224 : index
    %get3A_1576 = tpu.vector_load %arg15[%get3A_1575] {strides = array<i32>} : memref<320xf32, #tpu.memory_space<vmem>>, vector<16xf32>,
    %get3A_1577 = vector.shape_cast %get3A_1576 : vector<16xf32> to vector<16xf32>
    %sub3A_1578 = arith.subf %get3A_1577, %get3A_1545 : vector<16xf32>
    %mul3A_1579 = arith.constant 0.00999999977 : f32
    %mul3A_1580 = vector.broadcast %mul3A_1579 : f32 to vector<16xf32>
    %mul3A_1581 = arith.mulf %mul3A_1580, %get3A_1560 : vector<16xf32>
    %sub3A_1582 = arith.subf %sub3A_1578, %mul3A_1581 : vector<16xf32>
    %mul3A_1583 = arith.mulf %sub3A_1582, %get3A_1560 : vector<16xf32>
    %add3A_1584 = arith.addf %mul3A_1574, %mul3A_1583 : vector<16xf32>
    %get3A_1585 = arith.constant 224 : index
    %get3A_1586 = tpu.vector_load %arg16[%get3A_1585] {strides = array<i32>} : memref<320xf32, #tpu.memory_space<vmem>>, vector<16xf32>,
    %get3A_1587 = vector.shape_cast %get3A_1586 : vector<16xf32> to vector<16xf32>
    %sub3A_1588 = arith.subf %get3A_1587, %get3A_1550 : vector<16xf32>
    %mul3A_1589 = arith.constant 0.00999999977 : f32
    %mul3A_1590 = vector.broadcast %mul3A_1589 : f32 to vector<16xf32>
    %mul3A_1591 = arith.mulf %mul3A_1590, %get3A_1565 : vector<16xf32>
    %sub3A_1592 = arith.subf %sub3A_1588, %mul3A_1591 : vector<16xf32>
    %mul3A_1593 = arith.mulf %sub3A_1592, %get3A_1565 : vector<16xf32>
    %add3A_1594 = arith.addf %add3A_1584, %mul3A_1593 : vector<16xf32>
    %neg3A_1595 = arith.constant 0.000000e+00 : f32
    %neg3A_1596 = vector.broadcast %neg3A_1595 : f32 to vector<16xf32>
    %neg3A_1597 = arith.subf %neg3A_1596, %add3A_1594 : vector<16xf32>
    %max3A_1598 = arith.constant 0.000000e+00 : f32
    %max3A_1599 = vector.broadcast %max3A_1598 : f32 to vector<16xf32>
    %max3A_1600 = arith.maximumf %neg3A_1597, %max3A_1599 : vector<16xf32>
    %add3A_1601 = arith.addf %add3A_1535, %max3A_1600 : vector<16xf32>
    %get3A_1602 = arith.constant 3 : i32
    %get3A_1603 = arith.index_cast %get3A_1602 : i32 to index
    %get3A_1604 = arith.constant 48 : index
    %get3A_1605 = tpu.vector_load %arg17[%get3A_1603, %get3A_1604] {strides = array<i32>} : memref<5x64xf32, #tpu.memory_space<vmem>>, vector<1x16xf32>,
    %get3A_1606 = vector.shape_cast %get3A_1605 : vector<1x16xf32> to vector<16xf32>
    %get3A_1607 = arith.constant 3 : i32
    %get3A_1608 = arith.index_cast %get3A_1607 : i32 to index
    %get3A_1609 = arith.constant 48 : index
    %get3A_1610 = tpu.vector_load %arg18[%get3A_1608, %get3A_1609] {strides = array<i32>} : memref<5x64xf32, #tpu.memory_space<vmem>>, vector<1x16xf32>,
    %get3A_1611 = vector.shape_cast %get3A_1610 : vector<1x16xf32> to vector<16xf32>
    %get3A_1612 = arith.constant 3 : i32
    %get3A_1613 = arith.index_cast %get3A_1612 : i32 to index
    %get3A_1614 = arith.constant 48 : index
    %get3A_1615 = tpu.vector_load %arg19[%get3A_1613, %get3A_1614] {strides = array<i32>} : memref<5x64xf32, #tpu.memory_space<vmem>>, vector<1x16xf32>,
    %get3A_1616 = vector.shape_cast %get3A_1615 : vector<1x16xf32> to vector<16xf32>
    %get3A_1617 = arith.constant 3 : i32
    %get3A_1618 = arith.index_cast %get3A_1617 : i32 to index
    %get3A_1619 = arith.constant 48 : index
    %get3A_1620 = tpu.vector_load %arg20[%get3A_1618, %get3A_1619] {strides = array<i32>} : memref<5x64xf32, #tpu.memory_space<vmem>>, vector<1x16xf32>,
    %get3A_1621 = vector.shape_cast %get3A_1620 : vector<1x16xf32> to vector<16xf32>
    %get3A_1622 = arith.constant 3 : i32
    %get3A_1623 = arith.index_cast %get3A_1622 : i32 to index
    %get3A_1624 = arith.constant 48 : index
    %get3A_1625 = tpu.vector_load %arg21[%get3A_1623, %get3A_1624] {strides = array<i32>} : memref<5x64xf32, #tpu.memory_space<vmem>>, vector<1x16xf32>,
    %get3A_1626 = vector.shape_cast %get3A_1625 : vector<1x16xf32> to vector<16xf32>
    %get3A_1627 = arith.constant 3 : i32
    %get3A_1628 = arith.index_cast %get3A_1627 : i32 to index
    %get3A_1629 = arith.constant 48 : index
    %get3A_1630 = tpu.vector_load %arg22[%get3A_1628, %get3A_1629] {strides = array<i32>} : memref<5x64xf32, #tpu.memory_space<vmem>>, vector<1x16xf32>,
    %get3A_1631 = vector.shape_cast %get3A_1630 : vector<1x16xf32> to vector<16xf32>
    %get3A_1632 = arith.constant 240 : index
    %get3A_1633 = tpu.vector_load %arg14[%get3A_1632] {strides = array<i32>} : memref<320xf32, #tpu.memory_space<vmem>>, vector<16xf32>,
    %get3A_1634 = vector.shape_cast %get3A_1633 : vector<16xf32> to vector<16xf32>
    %sub3A_1635 = arith.subf %get3A_1634, %get3A_1606 : vector<16xf32>
    %mul3A_1636 = arith.constant 0.00999999977 : f32
    %mul3A_1637 = vector.broadcast %mul3A_1636 : f32 to vector<16xf32>
    %mul3A_1638 = arith.mulf %mul3A_1637, %get3A_1621 : vector<16xf32>
    %sub3A_1639 = arith.subf %sub3A_1635, %mul3A_1638 : vector<16xf32>
    %mul3A_1640 = arith.mulf %sub3A_1639, %get3A_1621 : vector<16xf32>
    %get3A_1641 = arith.constant 240 : index
    %get3A_1642 = tpu.vector_load %arg15[%get3A_1641] {strides = array<i32>} : memref<320xf32, #tpu.memory_space<vmem>>, vector<16xf32>,
    %get3A_1643 = vector.shape_cast %get3A_1642 : vector<16xf32> to vector<16xf32>
    %sub3A_1644 = arith.subf %get3A_1643, %get3A_1611 : vector<16xf32>
    %mul3A_1645 = arith.constant 0.00999999977 : f32
    %mul3A_1646 = vector.broadcast %mul3A_1645 : f32 to vector<16xf32>
    %mul3A_1647 = arith.mulf %mul3A_1646, %get3A_1626 : vector<16xf32>
    %sub3A_1648 = arith.subf %sub3A_1644, %mul3A_1647 : vector<16xf32>
    %mul3A_1649 = arith.mulf %sub3A_1648, %get3A_1626 : vector<16xf32>
    %add3A_1650 = arith.addf %mul3A_1640, %mul3A_1649 : vector<16xf32>
    %get3A_1651 = arith.constant 240 : index
    %get3A_1652 = tpu.vector_load %arg16[%get3A_1651] {strides = array<i32>} : memref<320xf32, #tpu.memory_space<vmem>>, vector<16xf32>,
    %get3A_1653 = vector.shape_cast %get3A_1652 : vector<16xf32> to vector<16xf32>
    %sub3A_1654 = arith.subf %get3A_1653, %get3A_1616 : vector<16xf32>
    %mul3A_1655 = arith.constant 0.00999999977 : f32
    %mul3A_1656 = vector.broadcast %mul3A_1655 : f32 to vector<16xf32>
    %mul3A_1657 = arith.mulf %mul3A_1656, %get3A_1631 : vector<16xf32>
    %sub3A_1658 = arith.subf %sub3A_1654, %mul3A_1657 : vector<16xf32>
    %mul3A_1659 = arith.mulf %sub3A_1658, %get3A_1631 : vector<16xf32>
    %add3A_1660 = arith.addf %add3A_1650, %mul3A_1659 : vector<16xf32>
    %neg3A_1661 = arith.constant 0.000000e+00 : f32
    %neg3A_1662 = vector.broadcast %neg3A_1661 : f32 to vector<16xf32>
    %neg3A_1663 = arith.subf %neg3A_1662, %add3A_1660 : vector<16xf32>
    %max3A_1664 = arith.constant 0.000000e+00 : f32
    %max3A_1665 = vector.broadcast %max3A_1664 : f32 to vector<16xf32>
    %max3A_1666 = arith.maximumf %neg3A_1663, %max3A_1665 : vector<16xf32>
    %add3A_1667 = arith.addf %add3A_1601, %max3A_1666 : vector<16xf32>
    %get3A_1668 = arith.constant 4 : i32
    %get3A_1669 = arith.index_cast %get3A_1668 : i32 to index
    %get3A_1670 = arith.constant 0 : index
    %get3A_1671 = tpu.vector_load %arg17[%get3A_1669, %get3A_1670] {strides = array<i32>} : memref<5x64xf32, #tpu.memory_space<vmem>>, vector<1x16xf32>,
    %get3A_1672 = vector.shape_cast %get3A_1671 : vector<1x16xf32> to vector<16xf32>
    %get3A_1673 = arith.constant 4 : i32
    %get3A_1674 = arith.index_cast %get3A_1673 : i32 to index
    %get3A_1675 = arith.constant 0 : index
    %get3A_1676 = tpu.vector_load %arg18[%get3A_1674, %get3A_1675] {strides = array<i32>} : memref<5x64xf32, #tpu.memory_space<vmem>>, vector<1x16xf32>,
    %get3A_1677 = vector.shape_cast %get3A_1676 : vector<1x16xf32> to vector<16xf32>
    %get3A_1678 = arith.constant 4 : i32
    %get3A_1679 = arith.index_cast %get3A_1678 : i32 to index
    %get3A_1680 = arith.constant 0 : index
    %get3A_1681 = tpu.vector_load %arg19[%get3A_1679, %get3A_1680] {strides = array<i32>} : memref<5x64xf32, #tpu.memory_space<vmem>>, vector<1x16xf32>,
    %get3A_1682 = vector.shape_cast %get3A_1681 : vector<1x16xf32> to vector<16xf32>
    %get3A_1683 = arith.constant 4 : i32
    %get3A_1684 = arith.index_cast %get3A_1683 : i32 to index
    %get3A_1685 = arith.constant 0 : index
    %get3A_1686 = tpu.vector_load %arg20[%get3A_1684, %get3A_1685] {strides = array<i32>} : memref<5x64xf32, #tpu.memory_space<vmem>>, vector<1x16xf32>,
    %get3A_1687 = vector.shape_cast %get3A_1686 : vector<1x16xf32> to vector<16xf32>
    %get3A_1688 = arith.constant 4 : i32
    %get3A_1689 = arith.index_cast %get3A_1688 : i32 to index
    %get3A_1690 = arith.constant 0 : index
    %get3A_1691 = tpu.vector_load %arg21[%get3A_1689, %get3A_1690] {strides = array<i32>} : memref<5x64xf32, #tpu.memory_space<vmem>>, vector<1x16xf32>,
    %get3A_1692 = vector.shape_cast %get3A_1691 : vector<1x16xf32> to vector<16xf32>
    %get3A_1693 = arith.constant 4 : i32
    %get3A_1694 = arith.index_cast %get3A_1693 : i32 to index
    %get3A_1695 = arith.constant 0 : index
    %get3A_1696 = tpu.vector_load %arg22[%get3A_1694, %get3A_1695] {strides = array<i32>} : memref<5x64xf32, #tpu.memory_space<vmem>>, vector<1x16xf32>,
    %get3A_1697 = vector.shape_cast %get3A_1696 : vector<1x16xf32> to vector<16xf32>
    %get3A_1698 = arith.constant 256 : index
    %get3A_1699 = tpu.vector_load %arg14[%get3A_1698] {strides = array<i32>} : memref<320xf32, #tpu.memory_space<vmem>>, vector<16xf32>,
    %get3A_1700 = vector.shape_cast %get3A_1699 : vector<16xf32> to vector<16xf32>
    %sub3A_1701 = arith.subf %get3A_1700, %get3A_1672 : vector<16xf32>
    %mul3A_1702 = arith.constant 0.00999999977 : f32
    %mul3A_1703 = vector.broadcast %mul3A_1702 : f32 to vector<16xf32>
    %mul3A_1704 = arith.mulf %mul3A_1703, %get3A_1687 : vector<16xf32>
    %sub3A_1705 = arith.subf %sub3A_1701, %mul3A_1704 : vector<16xf32>
    %mul3A_1706 = arith.mulf %sub3A_1705, %get3A_1687 : vector<16xf32>
    %get3A_1707 = arith.constant 256 : index
    %get3A_1708 = tpu.vector_load %arg15[%get3A_1707] {strides = array<i32>} : memref<320xf32, #tpu.memory_space<vmem>>, vector<16xf32>,
    %get3A_1709 = vector.shape_cast %get3A_1708 : vector<16xf32> to vector<16xf32>
    %sub3A_1710 = arith.subf %get3A_1709, %get3A_1677 : vector<16xf32>
    %mul3A_1711 = arith.constant 0.00999999977 : f32
    %mul3A_1712 = vector.broadcast %mul3A_1711 : f32 to vector<16xf32>
    %mul3A_1713 = arith.mulf %mul3A_1712, %get3A_1692 : vector<16xf32>
    %sub3A_1714 = arith.subf %sub3A_1710, %mul3A_1713 : vector<16xf32>
    %mul3A_1715 = arith.mulf %sub3A_1714, %get3A_1692 : vector<16xf32>
    %add3A_1716 = arith.addf %mul3A_1706, %mul3A_1715 : vector<16xf32>
    %get3A_1717 = arith.constant 256 : index
    %get3A_1718 = tpu.vector_load %arg16[%get3A_1717] {strides = array<i32>} : memref<320xf32, #tpu.memory_space<vmem>>, vector<16xf32>,
    %get3A_1719 = vector.shape_cast %get3A_1718 : vector<16xf32> to vector<16xf32>
    %sub3A_1720 = arith.subf %get3A_1719, %get3A_1682 : vector<16xf32>
    %mul3A_1721 = arith.constant 0.00999999977 : f32
    %mul3A_1722 = vector.broadcast %mul3A_1721 : f32 to vector<16xf32>
    %mul3A_1723 = arith.mulf %mul3A_1722, %get3A_1697 : vector<16xf32>
    %sub3A_1724 = arith.subf %sub3A_1720, %mul3A_1723 : vector<16xf32>
    %mul3A_1725 = arith.mulf %sub3A_1724, %get3A_1697 : vector<16xf32>
    %add3A_1726 = arith.addf %add3A_1716, %mul3A_1725 : vector<16xf32>
    %neg3A_1727 = arith.constant 0.000000e+00 : f32
    %neg3A_1728 = vector.broadcast %neg3A_1727 : f32 to vector<16xf32>
    %neg3A_1729 = arith.subf %neg3A_1728, %add3A_1726 : vector<16xf32>
    %max3A_1730 = arith.constant 0.000000e+00 : f32
    %max3A_1731 = vector.broadcast %max3A_1730 : f32 to vector<16xf32>
    %max3A_1732 = arith.maximumf %neg3A_1729, %max3A_1731 : vector<16xf32>
    %add3A_1733 = arith.addf %add3A_1667, %max3A_1732 : vector<16xf32>
    %get3A_1734 = arith.constant 4 : i32
    %get3A_1735 = arith.index_cast %get3A_1734 : i32 to index
    %get3A_1736 = arith.constant 16 : index
    %get3A_1737 = tpu.vector_load %arg17[%get3A_1735, %get3A_1736] {strides = array<i32>} : memref<5x64xf32, #tpu.memory_space<vmem>>, vector<1x16xf32>,
    %get3A_1738 = vector.shape_cast %get3A_1737 : vector<1x16xf32> to vector<16xf32>
    %get3A_1739 = arith.constant 4 : i32
    %get3A_1740 = arith.index_cast %get3A_1739 : i32 to index
    %get3A_1741 = arith.constant 16 : index
    %get3A_1742 = tpu.vector_load %arg18[%get3A_1740, %get3A_1741] {strides = array<i32>} : memref<5x64xf32, #tpu.memory_space<vmem>>, vector<1x16xf32>,
    %get3A_1743 = vector.shape_cast %get3A_1742 : vector<1x16xf32> to vector<16xf32>
    %get3A_1744 = arith.constant 4 : i32
    %get3A_1745 = arith.index_cast %get3A_1744 : i32 to index
    %get3A_1746 = arith.constant 16 : index
    %get3A_1747 = tpu.vector_load %arg19[%get3A_1745, %get3A_1746] {strides = array<i32>} : memref<5x64xf32, #tpu.memory_space<vmem>>, vector<1x16xf32>,
    %get3A_1748 = vector.shape_cast %get3A_1747 : vector<1x16xf32> to vector<16xf32>
    %get3A_1749 = arith.constant 4 : i32
    %get3A_1750 = arith.index_cast %get3A_1749 : i32 to index
    %get3A_1751 = arith.constant 16 : index
    %get3A_1752 = tpu.vector_load %arg20[%get3A_1750, %get3A_1751] {strides = array<i32>} : memref<5x64xf32, #tpu.memory_space<vmem>>, vector<1x16xf32>,
    %get3A_1753 = vector.shape_cast %get3A_1752 : vector<1x16xf32> to vector<16xf32>
    %get3A_1754 = arith.constant 4 : i32
    %get3A_1755 = arith.index_cast %get3A_1754 : i32 to index
    %get3A_1756 = arith.constant 16 : index
    %get3A_1757 = tpu.vector_load %arg21[%get3A_1755, %get3A_1756] {strides = array<i32>} : memref<5x64xf32, #tpu.memory_space<vmem>>, vector<1x16xf32>,
    %get3A_1758 = vector.shape_cast %get3A_1757 : vector<1x16xf32> to vector<16xf32>
    %get3A_1759 = arith.constant 4 : i32
    %get3A_1760 = arith.index_cast %get3A_1759 : i32 to index
    %get3A_1761 = arith.constant 16 : index
    %get3A_1762 = tpu.vector_load %arg22[%get3A_1760, %get3A_1761] {strides = array<i32>} : memref<5x64xf32, #tpu.memory_space<vmem>>, vector<1x16xf32>,
    %get3A_1763 = vector.shape_cast %get3A_1762 : vector<1x16xf32> to vector<16xf32>
    %get3A_1764 = arith.constant 272 : index
    %get3A_1765 = tpu.vector_load %arg14[%get3A_1764] {strides = array<i32>} : memref<320xf32, #tpu.memory_space<vmem>>, vector<16xf32>,
    %get3A_1766 = vector.shape_cast %get3A_1765 : vector<16xf32> to vector<16xf32>
    %sub3A_1767 = arith.subf %get3A_1766, %get3A_1738 : vector<16xf32>
    %mul3A_1768 = arith.constant 0.00999999977 : f32
    %mul3A_1769 = vector.broadcast %mul3A_1768 : f32 to vector<16xf32>
    %mul3A_1770 = arith.mulf %mul3A_1769, %get3A_1753 : vector<16xf32>
    %sub3A_1771 = arith.subf %sub3A_1767, %mul3A_1770 : vector<16xf32>
    %mul3A_1772 = arith.mulf %sub3A_1771, %get3A_1753 : vector<16xf32>
    %get3A_1773 = arith.constant 272 : index
    %get3A_1774 = tpu.vector_load %arg15[%get3A_1773] {strides = array<i32>} : memref<320xf32, #tpu.memory_space<vmem>>, vector<16xf32>,
    %get3A_1775 = vector.shape_cast %get3A_1774 : vector<16xf32> to vector<16xf32>
    %sub3A_1776 = arith.subf %get3A_1775, %get3A_1743 : vector<16xf32>
    %mul3A_1777 = arith.constant 0.00999999977 : f32
    %mul3A_1778 = vector.broadcast %mul3A_1777 : f32 to vector<16xf32>
    %mul3A_1779 = arith.mulf %mul3A_1778, %get3A_1758 : vector<16xf32>
    %sub3A_1780 = arith.subf %sub3A_1776, %mul3A_1779 : vector<16xf32>
    %mul3A_1781 = arith.mulf %sub3A_1780, %get3A_1758 : vector<16xf32>
    %add3A_1782 = arith.addf %mul3A_1772, %mul3A_1781 : vector<16xf32>
    %get3A_1783 = arith.constant 272 : index
    %get3A_1784 = tpu.vector_load %arg16[%get3A_1783] {strides = array<i32>} : memref<320xf32, #tpu.memory_space<vmem>>, vector<16xf32>,
    %get3A_1785 = vector.shape_cast %get3A_1784 : vector<16xf32> to vector<16xf32>
    %sub3A_1786 = arith.subf %get3A_1785, %get3A_1748 : vector<16xf32>
    %mul3A_1787 = arith.constant 0.00999999977 : f32
    %mul3A_1788 = vector.broadcast %mul3A_1787 : f32 to vector<16xf32>
    %mul3A_1789 = arith.mulf %mul3A_1788, %get3A_1763 : vector<16xf32>
    %sub3A_1790 = arith.subf %sub3A_1786, %mul3A_1789 : vector<16xf32>
    %mul3A_1791 = arith.mulf %sub3A_1790, %get3A_1763 : vector<16xf32>
    %add3A_1792 = arith.addf %add3A_1782, %mul3A_1791 : vector<16xf32>
    %neg3A_1793 = arith.constant 0.000000e+00 : f32
    %neg3A_1794 = vector.broadcast %neg3A_1793 : f32 to vector<16xf32>
    %neg3A_1795 = arith.subf %neg3A_1794, %add3A_1792 : vector<16xf32>
    %max3A_1796 = arith.constant 0.000000e+00 : f32
    %max3A_1797 = vector.broadcast %max3A_1796 : f32 to vector<16xf32>
    %max3A_1798 = arith.maximumf %neg3A_1795, %max3A_1797 : vector<16xf32>
    %add3A_1799 = arith.addf %add3A_1733, %max3A_1798 : vector<16xf32>
    %get3A_1800 = arith.constant 4 : i32
    %get3A_1801 = arith.index_cast %get3A_1800 : i32 to index
    %get3A_1802 = arith.constant 32 : index
    %get3A_1803 = tpu.vector_load %arg17[%get3A_1801, %get3A_1802] {strides = array<i32>} : memref<5x64xf32, #tpu.memory_space<vmem>>, vector<1x16xf32>,
    %get3A_1804 = vector.shape_cast %get3A_1803 : vector<1x16xf32> to vector<16xf32>
    %get3A_1805 = arith.constant 4 : i32
    %get3A_1806 = arith.index_cast %get3A_1805 : i32 to index
    %get3A_1807 = arith.constant 32 : index
    %get3A_1808 = tpu.vector_load %arg18[%get3A_1806, %get3A_1807] {strides = array<i32>} : memref<5x64xf32, #tpu.memory_space<vmem>>, vector<1x16xf32>,
    %get3A_1809 = vector.shape_cast %get3A_1808 : vector<1x16xf32> to vector<16xf32>
    %get3A_1810 = arith.constant 4 : i32
    %get3A_1811 = arith.index_cast %get3A_1810 : i32 to index
    %get3A_1812 = arith.constant 32 : index
    %get3A_1813 = tpu.vector_load %arg19[%get3A_1811, %get3A_1812] {strides = array<i32>} : memref<5x64xf32, #tpu.memory_space<vmem>>, vector<1x16xf32>,
    %get3A_1814 = vector.shape_cast %get3A_1813 : vector<1x16xf32> to vector<16xf32>
    %get3A_1815 = arith.constant 4 : i32
    %get3A_1816 = arith.index_cast %get3A_1815 : i32 to index
    %get3A_1817 = arith.constant 32 : index
    %get3A_1818 = tpu.vector_load %arg20[%get3A_1816, %get3A_1817] {strides = array<i32>} : memref<5x64xf32, #tpu.memory_space<vmem>>, vector<1x16xf32>,
    %get3A_1819 = vector.shape_cast %get3A_1818 : vector<1x16xf32> to vector<16xf32>
    %get3A_1820 = arith.constant 4 : i32
    %get3A_1821 = arith.index_cast %get3A_1820 : i32 to index
    %get3A_1822 = arith.constant 32 : index
    %get3A_1823 = tpu.vector_load %arg21[%get3A_1821, %get3A_1822] {strides = array<i32>} : memref<5x64xf32, #tpu.memory_space<vmem>>, vector<1x16xf32>,
    %get3A_1824 = vector.shape_cast %get3A_1823 : vector<1x16xf32> to vector<16xf32>
    %get3A_1825 = arith.constant 4 : i32
    %get3A_1826 = arith.index_cast %get3A_1825 : i32 to index
    %get3A_1827 = arith.constant 32 : index
    %get3A_1828 = tpu.vector_load %arg22[%get3A_1826, %get3A_1827] {strides = array<i32>} : memref<5x64xf32, #tpu.memory_space<vmem>>, vector<1x16xf32>,
    %get3A_1829 = vector.shape_cast %get3A_1828 : vector<1x16xf32> to vector<16xf32>
    %get3A_1830 = arith.constant 288 : index
    %get3A_1831 = tpu.vector_load %arg14[%get3A_1830] {strides = array<i32>} : memref<320xf32, #tpu.memory_space<vmem>>, vector<16xf32>,
    %get3A_1832 = vector.shape_cast %get3A_1831 : vector<16xf32> to vector<16xf32>
    %sub3A_1833 = arith.subf %get3A_1832, %get3A_1804 : vector<16xf32>
    %mul3A_1834 = arith.constant 0.00999999977 : f32
    %mul3A_1835 = vector.broadcast %mul3A_1834 : f32 to vector<16xf32>
    %mul3A_1836 = arith.mulf %mul3A_1835, %get3A_1819 : vector<16xf32>
    %sub3A_1837 = arith.subf %sub3A_1833, %mul3A_1836 : vector<16xf32>
    %mul3A_1838 = arith.mulf %sub3A_1837, %get3A_1819 : vector<16xf32>
    %get3A_1839 = arith.constant 288 : index
    %get3A_1840 = tpu.vector_load %arg15[%get3A_1839] {strides = array<i32>} : memref<320xf32, #tpu.memory_space<vmem>>, vector<16xf32>,
    %get3A_1841 = vector.shape_cast %get3A_1840 : vector<16xf32> to vector<16xf32>
    %sub3A_1842 = arith.subf %get3A_1841, %get3A_1809 : vector<16xf32>
    %mul3A_1843 = arith.constant 0.00999999977 : f32
    %mul3A_1844 = vector.broadcast %mul3A_1843 : f32 to vector<16xf32>
    %mul3A_1845 = arith.mulf %mul3A_1844, %get3A_1824 : vector<16xf32>
    %sub3A_1846 = arith.subf %sub3A_1842, %mul3A_1845 : vector<16xf32>
    %mul3A_1847 = arith.mulf %sub3A_1846, %get3A_1824 : vector<16xf32>
    %add3A_1848 = arith.addf %mul3A_1838, %mul3A_1847 : vector<16xf32>
    %get3A_1849 = arith.constant 288 : index
    %get3A_1850 = tpu.vector_load %arg16[%get3A_1849] {strides = array<i32>} : memref<320xf32, #tpu.memory_space<vmem>>, vector<16xf32>,
    %get3A_1851 = vector.shape_cast %get3A_1850 : vector<16xf32> to vector<16xf32>
    %sub3A_1852 = arith.subf %get3A_1851, %get3A_1814 : vector<16xf32>
    %mul3A_1853 = arith.constant 0.00999999977 : f32
    %mul3A_1854 = vector.broadcast %mul3A_1853 : f32 to vector<16xf32>
    %mul3A_1855 = arith.mulf %mul3A_1854, %get3A_1829 : vector<16xf32>
    %sub3A_1856 = arith.subf %sub3A_1852, %mul3A_1855 : vector<16xf32>
    %mul3A_1857 = arith.mulf %sub3A_1856, %get3A_1829 : vector<16xf32>
    %add3A_1858 = arith.addf %add3A_1848, %mul3A_1857 : vector<16xf32>
    %neg3A_1859 = arith.constant 0.000000e+00 : f32
    %neg3A_1860 = vector.broadcast %neg3A_1859 : f32 to vector<16xf32>
    %neg3A_1861 = arith.subf %neg3A_1860, %add3A_1858 : vector<16xf32>
    %max3A_1862 = arith.constant 0.000000e+00 : f32
    %max3A_1863 = vector.broadcast %max3A_1862 : f32 to vector<16xf32>
    %max3A_1864 = arith.maximumf %neg3A_1861, %max3A_1863 : vector<16xf32>
    %add3A_1865 = arith.addf %add3A_1799, %max3A_1864 : vector<16xf32>
    %get3A_1866 = arith.constant 4 : i32
    %get3A_1867 = arith.index_cast %get3A_1866 : i32 to index
    %get3A_1868 = arith.constant 48 : index
    %get3A_1869 = tpu.vector_load %arg17[%get3A_1867, %get3A_1868] {strides = array<i32>} : memref<5x64xf32, #tpu.memory_space<vmem>>, vector<1x16xf32>,
    %get3A_1870 = vector.shape_cast %get3A_1869 : vector<1x16xf32> to vector<16xf32>
    %get3A_1871 = arith.constant 4 : i32
    %get3A_1872 = arith.index_cast %get3A_1871 : i32 to index
    %get3A_1873 = arith.constant 48 : index
    %get3A_1874 = tpu.vector_load %arg18[%get3A_1872, %get3A_1873] {strides = array<i32>} : memref<5x64xf32, #tpu.memory_space<vmem>>, vector<1x16xf32>,
    %get3A_1875 = vector.shape_cast %get3A_1874 : vector<1x16xf32> to vector<16xf32>
    %get3A_1876 = arith.constant 4 : i32
    %get3A_1877 = arith.index_cast %get3A_1876 : i32 to index
    %get3A_1878 = arith.constant 48 : index
    %get3A_1879 = tpu.vector_load %arg19[%get3A_1877, %get3A_1878] {strides = array<i32>} : memref<5x64xf32, #tpu.memory_space<vmem>>, vector<1x16xf32>,
    %get3A_1880 = vector.shape_cast %get3A_1879 : vector<1x16xf32> to vector<16xf32>
    %get3A_1881 = arith.constant 4 : i32
    %get3A_1882 = arith.index_cast %get3A_1881 : i32 to index
    %get3A_1883 = arith.constant 48 : index
    %get3A_1884 = tpu.vector_load %arg20[%get3A_1882, %get3A_1883] {strides = array<i32>} : memref<5x64xf32, #tpu.memory_space<vmem>>, vector<1x16xf32>,
    %get3A_1885 = vector.shape_cast %get3A_1884 : vector<1x16xf32> to vector<16xf32>
    %get3A_1886 = arith.constant 4 : i32
    %get3A_1887 = arith.index_cast %get3A_1886 : i32 to index
    %get3A_1888 = arith.constant 48 : index
    %get3A_1889 = tpu.vector_load %arg21[%get3A_1887, %get3A_1888] {strides = array<i32>} : memref<5x64xf32, #tpu.memory_space<vmem>>, vector<1x16xf32>,
    %get3A_1890 = vector.shape_cast %get3A_1889 : vector<1x16xf32> to vector<16xf32>
    %get3A_1891 = arith.constant 4 : i32
    %get3A_1892 = arith.index_cast %get3A_1891 : i32 to index
    %get3A_1893 = arith.constant 48 : index
    %get3A_1894 = tpu.vector_load %arg22[%get3A_1892, %get3A_1893] {strides = array<i32>} : memref<5x64xf32, #tpu.memory_space<vmem>>, vector<1x16xf32>,
    %get3A_1895 = vector.shape_cast %get3A_1894 : vector<1x16xf32> to vector<16xf32>
    %get3A_1896 = arith.constant 304 : index
    %get3A_1897 = tpu.vector_load %arg14[%get3A_1896] {strides = array<i32>} : memref<320xf32, #tpu.memory_space<vmem>>, vector<16xf32>,
    %get3A_1898 = vector.shape_cast %get3A_1897 : vector<16xf32> to vector<16xf32>
    %sub3A_1899 = arith.subf %get3A_1898, %get3A_1870 : vector<16xf32>
    %mul3A_1900 = arith.constant 0.00999999977 : f32
    %mul3A_1901 = vector.broadcast %mul3A_1900 : f32 to vector<16xf32>
    %mul3A_1902 = arith.mulf %mul3A_1901, %get3A_1885 : vector<16xf32>
    %sub3A_1903 = arith.subf %sub3A_1899, %mul3A_1902 : vector<16xf32>
    %mul3A_1904 = arith.mulf %sub3A_1903, %get3A_1885 : vector<16xf32>
    %get3A_1905 = arith.constant 304 : index
    %get3A_1906 = tpu.vector_load %arg15[%get3A_1905] {strides = array<i32>} : memref<320xf32, #tpu.memory_space<vmem>>, vector<16xf32>,
    %get3A_1907 = vector.shape_cast %get3A_1906 : vector<16xf32> to vector<16xf32>
    %sub3A_1908 = arith.subf %get3A_1907, %get3A_1875 : vector<16xf32>
    %mul3A_1909 = arith.constant 0.00999999977 : f32
    %mul3A_1910 = vector.broadcast %mul3A_1909 : f32 to vector<16xf32>
    %mul3A_1911 = arith.mulf %mul3A_1910, %get3A_1890 : vector<16xf32>
    %sub3A_1912 = arith.subf %sub3A_1908, %mul3A_1911 : vector<16xf32>
    %mul3A_1913 = arith.mulf %sub3A_1912, %get3A_1890 : vector<16xf32>
    %add3A_1914 = arith.addf %mul3A_1904, %mul3A_1913 : vector<16xf32>
    %get3A_1915 = arith.constant 304 : index
    %get3A_1916 = tpu.vector_load %arg16[%get3A_1915] {strides = array<i32>} : memref<320xf32, #tpu.memory_space<vmem>>, vector<16xf32>,
    %get3A_1917 = vector.shape_cast %get3A_1916 : vector<16xf32> to vector<16xf32>
    %sub3A_1918 = arith.subf %get3A_1917, %get3A_1880 : vector<16xf32>
    %mul3A_1919 = arith.constant 0.00999999977 : f32
    %mul3A_1920 = vector.broadcast %mul3A_1919 : f32 to vector<16xf32>
    %mul3A_1921 = arith.mulf %mul3A_1920, %get3A_1895 : vector<16xf32>
    %sub3A_1922 = arith.subf %sub3A_1918, %mul3A_1921 : vector<16xf32>
    %mul3A_1923 = arith.mulf %sub3A_1922, %get3A_1895 : vector<16xf32>
    %add3A_1924 = arith.addf %add3A_1914, %mul3A_1923 : vector<16xf32>
    %neg3A_1925 = arith.constant 0.000000e+00 : f32
    %neg3A_1926 = vector.broadcast %neg3A_1925 : f32 to vector<16xf32>
    %neg3A_1927 = arith.subf %neg3A_1926, %add3A_1924 : vector<16xf32>
    %max3A_1928 = arith.constant 0.000000e+00 : f32
    %max3A_1929 = vector.broadcast %max3A_1928 : f32 to vector<16xf32>
    %max3A_1930 = arith.maximumf %neg3A_1927, %max3A_1929 : vector<16xf32>
    %add3A_1931 = arith.addf %add3A_1865, %max3A_1930 : vector<16xf32>
    %swap3A = arith.constant 0 : index
    %swap3A_1932 = tpu.vector_load %arg23[%swap3A] {strides = array<i32>} : memref<16xf32, #tpu.memory_space<vmem>>, vector<16xf32>,
    %swap3A_1933 = vector.shape_cast %swap3A_1932 : vector<16xf32> to vector<16xf32>
    %swap3A_1934 = vector.shape_cast %add3A_1931 : vector<16xf32> to vector<16xf32>
    tpu.vector_store %arg23[%swap3A], %swap3A_1934 {strides = array<i32>} : memref<16xf32, #tpu.memory_space<vmem>>, vector<16xf32>,
    "tpu.region"() ({
      %run_scoped3A_1935 = tpu.sem_alloc : memref<!tpu.dma_semaphore, #tpu.memory_space<semaphore_mem>>
      %dma_start3A_1936 = arith.constant 0 : i32
      %dma_start3A_1937 = tpu.memref_slice %arg12[%add3A, %dma_start3A_1936] : memref<32x16xf32, #tpu.memory_space<hbm>> -> memref<1x16xf32, #tpu.memory_space<hbm>>
      %dma_start3A_1938 = tpu.memref_squeeze %dma_start3A_1937 : memref<1x16xf32, #tpu.memory_space<hbm>> -> memref<16xf32, #tpu.memory_space<hbm>>
      %dma_start3A_1939 = arith.constant 0 : i32
      %dma_start3A_1940 = tpu.memref_slice %arg12[%add3A, %dma_start3A_1939] : memref<32x16xf32, #tpu.memory_space<hbm>> -> memref<1x16xf32, #tpu.memory_space<hbm>>
      %dma_start3A_1941 = tpu.memref_squeeze %dma_start3A_1940 : memref<1x16xf32, #tpu.memory_space<hbm>> -> memref<16xf32, #tpu.memory_space<hbm>>
      tpu.enqueue_dma source(%arg23 : memref<16xf32, #tpu.memory_space<vmem>>) target(%dma_start3A_1941 : memref<16xf32, #tpu.memory_space<hbm>>) target_semaphore(%run_scoped3A_1935 : memref<!tpu.dma_semaphore, #tpu.memory_space<semaphore_mem>>)
      %dma_wait3A_1942 = arith.constant 0 : i32
      %dma_wait3A_1943 = tpu.memref_slice %arg12[%add3A, %dma_wait3A_1942] : memref<32x16xf32, #tpu.memory_space<hbm>> -> memref<1x16xf32, #tpu.memory_space<hbm>>
      %dma_wait3A_1944 = tpu.memref_squeeze %dma_wait3A_1943 : memref<1x16xf32, #tpu.memory_space<hbm>> -> memref<16xf32, #tpu.memory_space<hbm>>
      %dma_wait3A_1945 = arith.constant 0 : i32
      %dma_wait3A_1946 = tpu.memref_slice %arg12[%add3A, %dma_wait3A_1945] : memref<32x16xf32, #tpu.memory_space<hbm>> -> memref<1x16xf32, #tpu.memory_space<hbm>>
      %dma_wait3A_1947 = tpu.memref_squeeze %dma_wait3A_1946 : memref<1x16xf32, #tpu.memory_space<hbm>> -> memref<16xf32, #tpu.memory_space<hbm>>
      tpu.wait_dma2 semaphore(%run_scoped3A_1935 : memref<!tpu.dma_semaphore, #tpu.memory_space<semaphore_mem>>) src(%arg23 : memref<16xf32, #tpu.memory_space<vmem>>) dst(%dma_wait3A_1947 : memref<16xf32, #tpu.memory_space<hbm>>)
      tpu.yield
    }) : () -> ()
    return
  }
}

module attributes {stable_mosaic.version = 14 : i64} {
  func.func @_argmin_kernel(%arg0: i32, %arg1: i32, %arg2: memref<1x1024x32xbf16, #tpu.memory_space<vmem>>, %arg3: memref<1x32x8192xbf16, #tpu.memory_space<vmem>>, %arg4: memref<1x1024x1xi32, #tpu.memory_space<vmem>>) attributes {dimension_semantics = [#tpu.dimension_semantics<arbitrary>, #tpu.dimension_semantics<arbitrary>], iteration_bounds = array<i64: 2, 5>, scalar_prefetch = 0 : i64, scratch_operands = 0 : i64, tpu.core_type = #tpu.core_type<tc>, window_params = [{transform_indices = @transform_0, window_bounds = array<i64: 1, 1024, 32>}, {transform_indices = @transform_1, window_bounds = array<i64: 1, 32, 8192>}, {transform_indices = @transform_2, window_bounds = array<i64: 1, 1024, 1>}]} {
    %get3A = arith.constant 0 : index
    %get3A_0 = arith.constant 0 : index
    %get3A_1 = arith.constant 0 : index
    %get3A_2 = vector.load %arg2[%get3A, %get3A_0, %get3A_1] : memref<1x1024x32xbf16, #tpu.memory_space<vmem>>, vector<1x1024x32xbf16>
    %get3A_3 = vector.shape_cast %get3A_2 : vector<1x1024x32xbf16> to vector<1024x32xbf16>
    %iota3A = tpu.iota {dimensions = array<i32: 1>} : vector<1024x8192xi32>
    %convert_element_type3A = arith.sitofp %iota3A : vector<1024x8192xi32> to vector<1024x8192xf32>
    %broadcast_in_dim3A = arith.constant 0x7F800000 : f32
    %broadcast_in_dim3A_4 = vector.broadcast %broadcast_in_dim3A : f32 to vector<1024x1xf32>
    %broadcast_in_dim3A_5 = arith.constant 0.000000e+00 : f32
    %broadcast_in_dim3A_6 = vector.broadcast %broadcast_in_dim3A_5 : f32 to vector<1024x1xf32>
    %broadcast_in_dim3A_7 = arith.constant 0.000000e+00 : f32
    %broadcast_in_dim3A_8 = vector.broadcast %broadcast_in_dim3A_7 : f32 to vector<1024x1xf32>
    %scan3A = arith.constant 0 : i32
    %mul3A = arith.constant 8192 : i32
    %mul3A_9 = arith.muli %scan3A, %mul3A : i32
    %get3A_10 = arith.constant 0 : index
    %get3A_11 = arith.constant 0 : index
    %get3A_12 = arith.index_cast %mul3A_9 : i32 to index
    %get3A_13 = vector.load %arg3[%get3A_10, %get3A_11, %get3A_12] : memref<1x32x8192xbf16, #tpu.memory_space<vmem>>, vector<1x32x8192xbf16>
    %get3A_14 = vector.shape_cast %get3A_13 : vector<1x32x8192xbf16> to vector<32x8192xbf16>
    %dot_general3A = arith.constant dense<0.000000e+00> : vector<1024x8192xf32>
    %dot_general3A_15 = tpu.matmul %get3A_3, %get3A_14, %dot_general3A {dimension_numbers = #tpu.dot_dimension_numbers<[1], [0], [0], [1], [0, 0, 1, 1], [], []>, transpose_lhs_hint = false} : vector<1024x32xbf16>, vector<32x8192xbf16>, vector<1024x8192xf32> -> vector<1024x8192xf32>
    %reduce_min3A = arith.constant dense<0x7F800000> : vector<1024xf32>
    %reduce_min3A_16 = vector.multi_reduction <minimumf>, %dot_general3A_15, %reduce_min3A [1] : vector<1024x8192xf32> to vector<1024xf32>
    %broadcast_in_dim3A_17 = vector.shape_cast %reduce_min3A_16 : vector<1024xf32> to vector<1024x1xf32>
    %eq3A = vector.broadcast %broadcast_in_dim3A_17 : vector<1024x1xf32> to vector<1024x8192xf32>
    %eq3A_18 = arith.cmpf oeq, %dot_general3A_15, %eq3A : vector<1024x8192xf32>
    %jit3A = arith.constant 8.192000e+03 : f32
    %broadcast_in_dim3A_19 = vector.broadcast %jit3A : f32 to vector<1024x8192xf32>
    %select_n3A = arith.select %eq3A_18, %convert_element_type3A, %broadcast_in_dim3A_19 : vector<1024x8192xi1>, vector<1024x8192xf32>
    %reduce_min3A_20 = arith.constant dense<0x7F800000> : vector<1024xf32>
    %reduce_min3A_21 = vector.multi_reduction <minimumf>, %select_n3A, %reduce_min3A_20 [1] : vector<1024x8192xf32> to vector<1024xf32>
    %broadcast_in_dim3A_22 = vector.shape_cast %reduce_min3A_21 : vector<1024xf32> to vector<1024x1xf32>
    %lt3A = arith.cmpf olt, %broadcast_in_dim3A_17, %broadcast_in_dim3A_4 : vector<1024x1xf32>
    %select_n3A_23 = arith.select %lt3A, %broadcast_in_dim3A_22, %broadcast_in_dim3A_6 : vector<1024x1xi1>, vector<1024x1xf32>
    %convert_element_type3A_24 = arith.sitofp %scan3A : i32 to f32
    %broadcast_in_dim3A_25 = vector.broadcast %convert_element_type3A_24 : f32 to vector<1024x1xf32>
    %select_n3A_26 = arith.select %lt3A, %broadcast_in_dim3A_25, %broadcast_in_dim3A_8 : vector<1024x1xi1>, vector<1024x1xf32>
    %select_n3A_27 = arith.select %lt3A, %broadcast_in_dim3A_17, %broadcast_in_dim3A_4 : vector<1024x1xi1>, vector<1024x1xf32>
    %scan3A_28 = arith.constant 1 : i32
    %mul3A_29 = arith.constant 8.192000e+03 : f32
    %mul3A_30 = vector.broadcast %mul3A_29 : f32 to vector<1024x1xf32>
    %mul3A_31 = arith.mulf %select_n3A_26, %mul3A_30 : vector<1024x1xf32>
    %add3A = arith.addf %mul3A_31, %select_n3A_23 : vector<1024x1xf32>
    %convert_element_type3A_32 = arith.fptosi %add3A : vector<1024x1xf32> to vector<1024x1xi32>
    %mul3A_33 = arith.constant 8192 : i32
    %mul3A_34 = arith.muli %arg0, %mul3A_33 : i32
    %add3A_35 = vector.broadcast %mul3A_34 : i32 to vector<1024x1xi32>
    %add3A_36 = arith.addi %convert_element_type3A_32, %add3A_35 : vector<1024x1xi32>
    %broadcast_in_dim3A_37 = vector.shape_cast %add3A_36 : vector<1024x1xi32> to vector<1x1024x1xi32>
    %swap3A = arith.constant 0 : index
    %swap3A_38 = arith.constant 0 : index
    %swap3A_39 = arith.constant 0 : index
    %swap3A_40 = vector.load %arg4[%swap3A, %swap3A_38, %swap3A_39] : memref<1x1024x1xi32, #tpu.memory_space<vmem>>, vector<1x1024x1xi32>
    tpu.vector_store %arg4[%swap3A, %swap3A_38, %swap3A_39], %broadcast_in_dim3A_37 {strides = array<i32>} : memref<1x1024x1xi32, #tpu.memory_space<vmem>>, vector<1x1024x1xi32>,
    return
  }
  func.func @transform_0(%arg0: i32, %arg1: i32) -> (i32, i32, i32) {
    %c0_i32 = arith.constant 0 : i32
    %c0_i32_0 = arith.constant 0 : i32
    return %arg0, %arg1, %c0_i32 : i32, i32, i32
  }
  func.func @transform_1(%arg0: i32, %arg1: i32) -> (i32, i32, i32) {
    %c0_i32 = arith.constant 0 : i32
    %c0_i32_0 = arith.constant 0 : i32
    %c0_i32_1 = arith.constant 0 : i32
    return %arg0, %c0_i32, %c0_i32_0 : i32, i32, i32
  }
  func.func @transform_2(%arg0: i32, %arg1: i32) -> (i32, i32, i32) {
    %c0_i32 = arith.constant 0 : i32
    %c0_i32_0 = arith.constant 0 : i32
    return %arg0, %arg1, %c0_i32 : i32, i32, i32
  }
}

</mosaic_0001>

<sc_bundles>
// kernel: kernel.4.cloned.1.call-start
scs
__scs_entry_jumppad:
0x0: {  	(pc) =	sbr.rel $0x88, $3  }
0x1: {  	(tag) =	ssettag $0x0;
	lr =	simm.s32 $0x1  }
0x2: {  	[smem:$0x3F9E] =	sst lr;
	_ =	strace $0xD0000000  }
0x3: {  	_ = 	snop  }
0x4: {  	_ = 	snop  }
0x5: {  	_ = 	snop  }
0x6: {  	_ = 	snop  }
0x7: {  	_ = 	snop  }
__scs_overlays_trampoline_lowered:
0x8: {  	[smem:$0x3FAD] =	sst s0  }
0x9: {  	[smem:$0x3FAE] =	sst s1  }
0xa: {  	[smem:$0x3FAF] =	sst s2  }
0xb: {  	[smem:$0x3FB0] =	sst s3  }
0xc: {  	[smem:$0x3FB1] =	sst s4  }
0xd: {  	[smem:$0x3FB2] =	sst s5  }
0xe: {  	[smem:$0x3FB3] =	sst s6  }
0xf: {  	[smem:$0x3FB4] =	sst s7  }
0x10: {  	[smem:$0x3FB5] =	sst s8  }
0x11: {  	[smem:$0x3FB6] =	sst s9;
	s0 =	simm.s32 @!p0 $0x0  }
0x12: {  	s1 =	sld [smem:$0x3F9C];
	s0 =	simm.s32 @p0 $0x1  }
0x13: {  	[smem:$0x3FB7] =	sst s0;
	s0 =	simm.s32 @!p1 $0x0  }
0x14: {  	s2 =	sld [smem:$0x3F9B];
	s0 =	simm.s32 @p1 $0x1  }
0x15: {  	[smem:$0x3FB8] =	sst s0;
	s0 =	simm.s32 @!p2 $0x0  }
0x16: {  	s3 =	sld [smem:$0x3FDB];
	s0 =	simm.s32 @p2 $0x1  }
0x17: {  	s4 =	simm.s32 $0x1BF5;
	[smem:$0x3FBA] =	sst s0  }
0x18: {  	s0 =	sld [smem:$0x3F9D];
	_ =	swait.ge [sflag:s4], $0x0  }
0x19: {  	s7 =	sld [smem:$0x3F9E]  }
0x1a: {  	s8 =	sadd.s32 $0xFFFFE003, lr  }
0x1b: {  	s9 =	sadd.s32 $0xFFFFFEF7, lr;
	s5 =	simm.s32 $0xFFFFFFFF;
	p2 =	slt.u32 s8, $0xFFFFF086  }
0x1c: {  	p1 =	slt.u32 s9, $0xF7A;
	s5 =	simm.s32 @!p2 $0x0  }
0x1d: {  	s5 =	simm.s32 @p1 $0x1;
	p0 =	seq.s32 s7, s2  }
0x1e: {  	s7 =	smul.u32 @!p0 $0xF7A, s2;
	p2 =	seq.s32 @!p0 s5, $0x0  }
0x1f: {  	s9 =	smul.u32 $0xF7A, s1;
	s8 =	simm.s32 @!p0 $0x1BF5;
	p2 =	por !p2, p0  }
0x20: {  	[sflag:s8] =	ssyncset.s32 @!p0 $0xFFFFF086;
	s6 =	sadd.s32 @!p0 s3, s7;
	s7 =	simm.s32 @!p0 $0x108  }
0x21: {  	s3 =	sadd.s32 s3, s9;
	s6 =	sadd.s32 @!p0 $0x88, s6;
	s7 =	simm.s32 @p2 $0x1082  }
0x22: {  	[simem:s7], [sflag:s8] =	dma.local @!p0 [hbm:s6], $0xF7A  }
0x23: {  	s9 =	sor.u32 $0xD0000000, s2;
	s6 =	simm.s32 $0x108;
	_ =	swait.ge @!p0 [sflag:s8], $0x0  }
0x24: {  	s3 =	sadd.s32 $0x88, s3;
	s6 =	simm.s32 @!p1 $0x1082;
	[sflag:s4] =	ssyncset.s32 $0xFFFFF086  }
0x25: {  	[simem:s6], [sflag:s4] =	dma.local [hbm:s3], $0xF7A  }
0x26: {  	[smem:$0x3F9E] =	sst s1;
	(tag) =	ssettag s2;
	_ =	strace s9  }
0x27: {  	s1 =	sld [smem:$0x3FAE]  }
0x28: {  	s2 =	sld [smem:$0x3FAF]  }
0x29: {  	s4 =	sld [smem:$0x3FB1]  }
0x2a: {  	p0 =	seq.s32 s5, $0x0;
	s5 =	sld [smem:$0x3FB2]  }
0x2b: {  	s6 =	sld [smem:$0x3FB3]  }
0x2c: {  	s7 =	sld [smem:$0x3FB4]  }
0x2d: {  	s3 =	simm.s32 $0x108;
	s8 =	sld [smem:$0x3FB5]  }
0x2e: {  	s3 =	simm.s32 @!p0 $0x1082;
	s9 =	sld [smem:$0x3FB6]  }
0x2f: {  	lr =	sadd.s32 s0, s3;
	s0 =	sld [smem:$0x3FAD]  }
0x30: {  	s3 =	sld [smem:$0x3FB0]  }
0x31: {  	[smem:$0x3FB9] =	sst s10  }
0x32: {  	s10 =	sld [smem:$0x3FB7];
	_ =	sdelay $0x3  }
0x33: {  	p0 =	seq.s32 s10, $0x1;
	s10 =	sld [smem:$0x3FB9];
	_ =	sdelay $0x3  }
0x34: {  	[smem:$0x3FB9] =	sst s10  }
0x35: {  	s10 =	sld [smem:$0x3FB8];
	_ =	sdelay $0x3  }
0x36: {  	p1 =	seq.s32 s10, $0x1;
	s10 =	sld [smem:$0x3FB9];
	_ =	sdelay $0x3  }
0x37: {  	[smem:$0x3FB9] =	sst s10  }
0x38: {  	s10 =	sld [smem:$0x3FBA]  }
0x39: {  	_ = 	snop;
	(pc) =	sbr.ind lr, $3  }
0x3a: {  	_ = 	snop  }
0x3b: {  	_ = 	snop  }
0x3c: {  	p2 =	seq.s32 s10, $0x1;
	s10 =	sld [smem:$0x3FB9]  }
0x3d: {  	_ =	shalt  }
0x3e: {  	_ =	shalt  }
0x3f: {  	_ =	shalt  }
0x40: {  	_ =	shalt  }
0x41: {  	_ =	shalt  }
0x42: {  	_ =	shalt  }
0x43: {  	_ =	shalt  }
0x44: {  	_ =	shalt  }
0x45: {  	_ =	shalt  }
0x46: {  	_ =	shalt  }
0x47: {  	_ =	shalt  }
0x48: {  	_ =	shalt  }
0x49: {  	_ =	shalt  }
0x4a: {  	_ =	shalt  }
0x4b: {  	_ =	shalt  }
0x4c: {  	_ =	shalt  }
0x4d: {  	_ =	shalt  }
0x4e: {  	_ =	shalt  }
0x4f: {  	_ =	shalt  }
0x50: {  	_ =	shalt  }
0x51: {  	_ =	shalt  }
0x52: {  	_ =	shalt  }
0x53: {  	_ =	shalt  }
0x54: {  	_ =	shalt  }
0x55: {  	_ =	shalt  }
0x56: {  	_ =	shalt  }
0x57: {  	_ =	shalt  }
0x58: {  	_ =	shalt  }
0x59: {  	_ =	shalt  }
0x5a: {  	_ =	shalt  }
0x5b: {  	_ =	shalt  }
0x5c: {  	_ =	shalt  }
0x5d: {  	_ =	shalt  }
0x5e: {  	_ =	shalt  }
0x5f: {  	_ =	shalt  }
0x60: {  	_ =	shalt  }
0x61: {  	_ =	shalt  }
0x62: {  	_ =	shalt  }
0x63: {  	_ =	shalt  }
0x64: {  	_ =	shalt  }
0x65: {  	_ =	shalt  }
0x66: {  	_ =	shalt  }
0x67: {  	_ =	shalt  }
0x68: {  	_ =	shalt  }
0x69: {  	_ =	shalt  }
0x6a: {  	_ =	shalt  }
0x6b: {  	_ =	shalt  }
0x6c: {  	_ =	shalt  }
0x6d: {  	_ =	shalt  }
0x6e: {  	_ =	shalt  }
0x6f: {  	_ =	shalt  }
0x70: {  	_ =	shalt  }
0x71: {  	_ =	shalt  }
0x72: {  	_ =	shalt  }
0x73: {  	_ =	shalt  }
0x74: {  	_ =	shalt  }
0x75: {  	_ =	shalt  }
0x76: {  	_ =	shalt  }
0x77: {  	_ =	shalt  }
0x78: {  	_ =	shalt  }
0x79: {  	_ =	shalt  }
0x7a: {  	_ =	shalt  }
0x7b: {  	_ =	shalt  }
0x7c: {  	_ =	shalt  }
0x7d: {  	_ =	shalt  }
0x7e: {  	_ =	shalt  }
0x7f: {  	_ =	shalt  }
0x80: {  	_ =	shalt  }
0x81: {  	_ =	shalt  }
0x82: {  	_ =	shalt  }
0x83: {  	_ =	shalt  }
0x84: {  	_ =	shalt  }
0x85: {  	_ =	shalt  }
0x86: {  	_ =	shalt  }
0x87: {  	_ =	shalt  }
.Lfunc_end0:
.L_simem_size_0:
called_computation_lowered:
.L_overlay_start_0:
0x88: {  	s2 =	sld [smem:$0x3FD9]  }
0x89: {  	s3 =	sld [smem:$0x3FFE];
	_ =	sdelay $0x1  }
0x8a: {  	s1 =	srdreg.scid  }
0x8b: {  	s0 =	sand.u32 $0x1, s1  }
0x8c: {  	s16 =	sshll.u32 s0, $0xA;
	s2 =	sadd.s32 s3, s2  }
0x8d: {  	s2 =	sadd.s32 s2, s16  }
0x8e: {  	[smem:$0x3FC5] =	sst s2  }
0x8f: {  	_ = 	snop  }
0x90: {  	(tm) =	ssettm $0x1  }
0x91: {  	s17 =	sld [smem:$0x3FFB];
	_ =	sdelay $0x3  }
0x92: {  	_ =	strace s17  }
0x93: {  	s2 =	sld [smem:$0x3FFC];
	_ =	sdelay $0x3  }
0x94: {  	_ =	strace s2  }
0x95: {  	s2 =	sld [smem:$0x3FFD];
	_ =	sdelay $0x3  }
0x96: {  	_ =	strace s2  }
0x97: {  	_ =	strace $0x8FFFFFFF  }
0x98: {  	s18 =	sld [smem:$0x3FDB];
	_ =	sdelay $0x1  }
0x99: {  	s19 =	simm.s32 $_scs_section_size  }
0x9a: {  	s4 =	simm.s32 $_size__tile_overlayer_lowered;
	s5 =	simm.s32 $_tile_overlayer_lowered  }
0x9b: {  	s22 =	simm.s32 $0x1BFF;
	s21 =	sshll.u32 s5, $0x1;
	s2 =	sadd.s32 s19, s18  }
0x9c: {  	s6 =	simm.s32 $0x0;
	s20 =	sshll.u32 s4, $0x1;
	s4 =	sadd.s32 s21, s2  }
0x9d: {  	[timem:s6], [sflag:s22] =	dma.local [hbm:s4], s20  }
0x9e: {  	_ =	swait.ge [sflag:s22], s20  }
0x9f: {  	s3 =	ssub.s32 $0x0, s20;
	[sflag:s22] =	ssyncset.done $0x0  }
0xa0: {  	[sflag:s22] =	ssyncadd.s32 s3;
	_ =	sdelay $0x1  }
0xa1: {  	s23 =	simm.s32 $0x1B8B  }
0xa2: {  	_ =	swait.ge [sflag:s23], $0x1  }
0xa3: {  	[sflag:s23] =	ssyncset.done $0x0  }
0xa4: {  	s25 =	simm.s32 $0x1B8E;
	s24 =	sld [smem:$0x3FFE];
	[sflag:s23] =	ssyncadd.s32 $0xFFFFFFFF  }
0xa5: {  	s26 =	simm.s32 $execute0_lowered;
	[smem:$0x3FD2] =	sst s25  }
0xa6: {  	s4 =	sshll.u32 s26, $0x1;
	_ =	strace $0x80000046;
	[dreg:$0x1] =	wrdreg $0xFFFFFFFF  }
0xa7: {  	s28 =	simm.s32 $_size_execute0_lowered;
	s2 =	sadd.s32 s2, s4;
	[dreg:$0x0] =	wrdreg $0x0  }
0xa8: {  	s4 =	sshll.u32 s28, $0x1;
	[dreg:$0x2] =	wrdreg s2  }
0xa9: {  	[dreg:$0x3] =	wrdreg s4  }
0xaa: {  	[dreg:$0x4] =	wrdreg $0xC0  }
0xab: {  	_ =	task [dreg:s6], $0x5FFFF  }
0xac: {  	[dreg:$0x1] =	wrdreg $0xFFFFFFFF  }
0xad: {  	[dreg:$0x0] =	wrdreg $0x60  }
0xae: {  	[dreg:$0x2] =	wrdreg s24  }
0xaf: {  	[dreg:$0x3] =	wrdreg $0x9  }
0xb0: {  	_ =	task.clear_ibuf [dreg:s6], $0x4FFFF;
	_ =	strace $0x90000046  }
0xb1: {  	s29 =	simm.s32 $0x9;
	_ =	strace $0x80000048  }
0xb2: {  	_ =	swait.ge [sflag:s29], $0x1  }
0xb3: {  	[sflag:s29] =	ssyncadd.s32 $0xFFFFFFFF  }
0xb4: {  	_ =	strace $0x90000048  }
0xb5: {  	_ =	sfence  }
0xb6: {  	s30 =	sld [smem:$0x0];
	_ =	sdelay $0x2  }
0xb7: {  	s31 =	sshll.u32 s1, $0xD;
	s1 =	sshrl.u32 s1, $0x2  }
0xb8: {  	s3 =	sand.u32 $0x4000, s31;
	s1 =	sadd.s32 s1, s30  }
0xb9: {  	s0 =	sor.u32 s3, s0;
	s1 =	sshll.u32 s1, $0x11  }
0xba: {  	s0 =	sor.u32 s1, s0  }
0xbb: {  	s0 =	sadd.s32 $0x8F2B, s0  }
0xbc: {  	[sflag:s0] =	ssyncadd.remote.s32 $0x1  }
0xbd: {  	_ =	sfence.sel $0xFFFF  }
0xbe: {  	[dreg:$0x0] =	wrdreg $0xFFFFFFFF;
	(pc) =	sbr.abs _section_cstart, $3  }
0xbf: {  	[dreg:$0x1] =	wrdreg $0xFFFFFFFF  }
0xc0: {  	_ =	task.clear_ibuf [dreg:s6], $0x2FFFF;
	_ =	strace $0x9FFFFFFF  }
0xc1: {  	(tm) =	ssettm $0x7FFFFFFF  }
tec
execute0_lowered:
.L_overlay_start_1:
0x0: {  	(tag) =	ssettag $0x1  }
0x1: {  	s1 =	srdreg.scid;
	s0 =	stileid.u32  }
0x2: {  	s1 =	sand.u32 $0x1, s1;
	s2 =	sshll.u32 s0, $0x1  }
0x3: {  	s8 =	rddreg [dreg:$0x0];
	s3 =	sor.u32 s1, s2;
	s2 =	simm.s32 $0x0  }
0x4: {  	s11 =	simm.s32 $0x400;
	[smem:$0x7FF] =	sst s2  }
0x5: {  	s12 =	simm.s32 $0x580;
	_ =	strace $0x80000047;
	[dreg:$0xb] =	wrdreg s11  }
0x6: {  	s13 =	simm.s32 $0x700;
	[dreg:$0xc] =	wrdreg s12  }
0x7: {  	s14 =	simm.s32 $0x880;
	s15 =	simm.s32 $0xC80;
	[dreg:$0xd] =	wrdreg s13  }
0x8: {  	s16 =	simm.s32 $0x1C80;
	s17 =	simm.s32 $0x900;
	[dreg:$0xe] =	wrdreg s14  }
0x9: {  	s18 =	simm.s32 $0xD00;
	s19 =	simm.s32 $0x1100;
	[dreg:$0xf] =	wrdreg s15  }
0xa: {  	s20 =	simm.s32 $0x1500;
	s21 =	simm.s32 $0x1900;
	[dreg:$0x13] =	wrdreg s16  }
0xb: {  	s22 =	simm.s32 $0x1D00;
	s23 =	simm.s32 $0x980;
	[dreg:$0x14] =	wrdreg s17  }
0xc: {  	s24 =	simm.s32 $0xD80;
	s25 =	simm.s32 $0x1180;
	[dreg:$0x15] =	wrdreg s18  }
0xd: {  	s28 =	simm.s32 $0x1680;
	s29 =	simm.s32 $0x1A80;
	[dreg:$0x16] =	wrdreg s19  }
0xe: {  	s30 =	simm.s32 $0x1E80;
	s31 =	simm.s32 $0x1;
	[dreg:$0x17] =	wrdreg s20  }
0xf: {  	s4 =	smul.u32 $0x140, s3;
	s3 =	sshll.u32 s3, $0x4;
	[dreg:$0x18] =	wrdreg s21  }
0x10: {  	s1 =	ssub.s32 $0x2, s1;
	s3 =	sadd.s32 s3, s8;
	[dreg:$0x19] =	wrdreg s22  }
0x11: {  	s11 =	simm.s32 $0x80;
	s12 =	simm.s32 $0x100;
	[dreg:$0x1a] =	wrdreg s23  }
0x12: {  	s13 =	simm.s32 $0x180;
	[dreg:$0x1b] =	wrdreg s24;
	s14 =	simm.s32 $0x200  }
0x13: {  	[dreg:$0x1c] =	wrdreg s25;
	s15 =	simm.s32 $0x40;
	s4 =	sshrl.u32 s4, $0x3  }
0x14: {  	s17 =	simm.s32 $0x1D80;
	s3 =	sadd.s32 $0x4C00, s3;
	s4 =	sadd.s32 s4, s8  }
0x15: {  	s18 =	simm.s32 $0xA00;
	[dreg:$0xa] =	wrdreg s3;
	s5 =	sadd.s32 $0x400, s4  }
0x16: {  	s19 =	simm.s32 $0xE00;
	s26 =	sadd.s32 $0x408, s4;
	[dreg:$0x2] =	wrdreg s5  }
0x17: {  	s20 =	simm.s32 $0x1200;
	s0 =	sadd.s32 $0x410, s4;
	[dreg:$0x3] =	wrdreg s26  }
0x18: {  	s21 =	simm.s32 $0x1600;
	s6 =	sadd.s32 $0x418, s4;
	[dreg:$0x4] =	wrdreg s0  }
0x19: {  	s22 =	simm.s32 $0x1A00;
	s7 =	sadd.s32 $0x420, s4;
	[dreg:$0x5] =	wrdreg s6  }
0x1a: {  	s23 =	simm.s32 $0x1E00;
	s9 =	sadd.s32 $0xA00, s4;
	[dreg:$0x6] =	wrdreg s7  }
0x1b: {  	s24 =	simm.s32 $0xA80;
	s10 =	sadd.s32 $0x1000, s4;
	[dreg:$0x7] =	wrdreg s9  }
0x1c: {  	s25 =	simm.s32 $0xE80;
	s4 =	sadd.s32 $0x1600, s4;
	[dreg:$0x8] =	wrdreg s10  }
0x1d: {  	s3 =	sadd.s32 $0x1C00, s8;
	[dreg:$0x9] =	wrdreg s4;
	s4 =	sadd.s32 $0x2400, s8  }
0x1e: {  	s6 =	simm.s32 $0x1080;
	s5 =	sadd.s32 $0x2C00, s8;
	s7 =	simm.s32 $0x1480  }
0x1f: {  	s9 =	simm.s32 $0x1880;
	s10 =	sshrl.u32 s1, $0x1;
	[dreg:$0x10] =	wrdreg s6  }
0x20: {  	s26 =	simm.s32 $0x1580;
	s6 =	sadd.s32 $0x3400, s8;
	[dreg:$0x11] =	wrdreg s7  }
0x21: {  	s7 =	sadd.s32 $0x3C00, s8;
	[dreg:$0x12] =	wrdreg s9;
	s8 =	sadd.s32 $0x4400, s8  }
0x22: {  	s1 =	ssub.s32 s1, s10;
	s10 =	simm.s32 $0x2;
	[dreg:$0x1d] =	wrdreg s26  }
0x23: {  	s26 =	simm.s32 $0x1280;
	s9 =	smax.u32 s1, $0x1;
	s1 =	simm.s32 $0x2080  }
.LBB2_1:
0x24: {  	s0 =	rddreg [dreg:$0x2]  }
0x25: {  	[tilespmem:s2], [sflag:$0x2] =	stream.linear.gather [hbm4b:s0+s2], $0x40, $0x38;
	[tilespmem:$0x2100] =	vst v63  }
0x26: {  	_ =	swait.ge [sflag:s10], $0x40  }
0x27: {  	[sflag:s10] =	ssyncset.done $0x0  }
0x28: {  	s16 =	rddreg [dreg:$0x3];
	[sflag:s10] =	ssyncadd.s32 $0xFFFFFFC0  }
0x29: {  	[tilespmem:s11], [sflag:$0x2] =	stream.linear.gather [hbm4b:s16+s2], $0x40, $0x38;
	[tilespmem:$0x2100] =	vst v63  }
0x2a: {  	_ =	swait.ge [sflag:s10], $0x40  }
0x2b: {  	[sflag:s10] =	ssyncset.done $0x0  }
0x2c: {  	s16 =	rddreg [dreg:$0x4];
	[sflag:s10] =	ssyncadd.s32 $0xFFFFFFC0  }
0x2d: {  	[tilespmem:s12], [sflag:$0x2] =	stream.linear.gather [hbm4b:s16+s2], $0x40, $0x38;
	[tilespmem:$0x2100] =	vst v63  }
0x2e: {  	_ =	swait.ge [sflag:s10], $0x40  }
0x2f: {  	[sflag:s10] =	ssyncset.done $0x0  }
0x30: {  	s16 =	rddreg [dreg:$0x5];
	[sflag:s10] =	ssyncadd.s32 $0xFFFFFFC0  }
0x31: {  	[tilespmem:s13], [sflag:$0x2] =	stream.linear.gather [hbm4b:s16+s2], $0x40, $0x38;
	[tilespmem:$0x2100] =	vst v63  }
0x32: {  	_ =	swait.ge [sflag:s10], $0x40  }
0x33: {  	[sflag:s10] =	ssyncset.done $0x0  }
0x34: {  	s16 =	rddreg [dreg:$0x6];
	[sflag:s10] =	ssyncadd.s32 $0xFFFFFFC0  }
0x35: {  	[tilespmem:s14], [sflag:$0x2] =	stream.linear.gather [hbm4b:s16+s2], $0x40, $0x38;
	[tilespmem:$0x2100] =	vst v63  }
0x36: {  	_ =	swait.ge [sflag:s10], $0x40  }
0x37: {  	s0 =	rddreg [dreg:$0x7];
	[sflag:s10] =	ssyncset.done $0x0  }
0x38: {  	s16 =	rddreg [dreg:$0xb];
	[sflag:s10] =	ssyncadd.s32 $0xFFFFFFC0  }
0x39: {  	[tilespmem:s16], [sflag:$0x2] =	stream.linear.gather [hbm4b:s0+s2], $0x140, $0x38;
	[tilespmem:$0x2100] =	vst v63  }
0x3a: {  	_ =	swait.ge [sflag:s10], $0x140  }
0x3b: {  	s0 =	rddreg [dreg:$0x8];
	[sflag:s10] =	ssyncset.done $0x0  }
0x3c: {  	s16 =	rddreg [dreg:$0xc];
	[sflag:s10] =	ssyncadd.s32 $0xFFFFFEC0  }
0x3d: {  	[tilespmem:s16], [sflag:$0x2] =	stream.linear.gather [hbm4b:s0+s2], $0x140, $0x38;
	[tilespmem:$0x2100] =	vst v63  }
0x3e: {  	_ =	swait.ge [sflag:s10], $0x140  }
0x3f: {  	s0 =	rddreg [dreg:$0x9];
	[sflag:s10] =	ssyncset.done $0x0  }
0x40: {  	s16 =	rddreg [dreg:$0xd];
	[sflag:s10] =	ssyncadd.s32 $0xFFFFFEC0  }
0x41: {  	[tilespmem:s16], [sflag:$0x2] =	stream.linear.gather [hbm4b:s0+s2], $0x140, $0x38;
	[tilespmem:$0x2100] =	vst v63  }
0x42: {  	_ =	swait.ge [sflag:s10], $0x140  }
0x43: {  	[sflag:s10] =	ssyncset.done $0x0  }
0x44: {  	s0 =	rddreg [dreg:$0xe];
	[sflag:s10] =	ssyncadd.s32 $0xFFFFFEC0  }
0x45: {  	[tilespmem:s0], [sflag:$0x1] =	stream.indirect.gather [hbm4b:s3+s15], $0x1, s2, s15, $0xb8;
	[tilespmem:$0x2100] =	vst v63  }
0x46: {  	s16 =	rddreg [dreg:$0xf]  }
0x47: {  	[tilespmem:s16], [sflag:$0x1] =	stream.indirect.gather [hbm4b:s4+s15], $0x1, s2, s15, $0xb8;
	[tilespmem:$0x2100] =	vst v63  }
0x48: {  	s0 =	rddreg [dreg:$0x10]  }
0x49: {  	[tilespmem:s0], [sflag:$0x1] =	stream.indirect.gather [hbm4b:s5+s15], $0x1, s2, s15, $0xb8;
	[tilespmem:$0x2100] =	vst v63  }
0x4a: {  	s16 =	rddreg [dreg:$0x11]  }
0x4b: {  	[tilespmem:s16], [sflag:$0x1] =	stream.indirect.gather [hbm4b:s6+s15], $0x1, s2, s15, $0xb8;
	[tilespmem:$0x2100] =	vst v63  }
0x4c: {  	s0 =	rddreg [dreg:$0x12]  }
0x4d: {  	[tilespmem:s0], [sflag:$0x1] =	stream.indirect.gather [hbm4b:s7+s15], $0x1, s2, s15, $0xb8;
	[tilespmem:$0x2100] =	vst v63  }
0x4e: {  	s16 =	rddreg [dreg:$0x13]  }
0x4f: {  	[tilespmem:s16], [sflag:$0x1] =	stream.indirect.gather [hbm4b:s8+s15], $0x1, s2, s15, $0xb8;
	[tilespmem:$0x2100] =	vst v63  }
0x50: {  	s0 =	rddreg [dreg:$0x14]  }
0x51: {  	[tilespmem:s0], [sflag:$0x1] =	stream.indirect.gather [hbm4b:s3+s15], $0x1, s11, s15, $0xb8;
	[tilespmem:$0x2100] =	vst v63  }
0x52: {  	s16 =	rddreg [dreg:$0x15]  }
0x53: {  	[tilespmem:s16], [sflag:$0x1] =	stream.indirect.gather [hbm4b:s4+s15], $0x1, s11, s15, $0xb8;
	[tilespmem:$0x2100] =	vst v63  }
0x54: {  	s0 =	rddreg [dreg:$0x16]  }
0x55: {  	[tilespmem:s0], [sflag:$0x1] =	stream.indirect.gather [hbm4b:s5+s15], $0x1, s11, s15, $0xb8;
	[tilespmem:$0x2100] =	vst v63  }
0x56: {  	s16 =	rddreg [dreg:$0x17]  }
0x57: {  	[tilespmem:s16], [sflag:$0x1] =	stream.indirect.gather [hbm4b:s6+s15], $0x1, s11, s15, $0xb8;
	[tilespmem:$0x2100] =	vst v63  }
0x58: {  	s0 =	rddreg [dreg:$0x18]  }
0x59: {  	[tilespmem:s0], [sflag:$0x1] =	stream.indirect.gather [hbm4b:s7+s15], $0x1, s11, s15, $0xb8;
	[tilespmem:$0x2100] =	vst v63  }
0x5a: {  	s16 =	rddreg [dreg:$0x19]  }
0x5b: {  	[tilespmem:s16], [sflag:$0x1] =	stream.indirect.gather [hbm4b:s8+s15], $0x1, s11, s15, $0xb8;
	[tilespmem:$0x2100] =	vst v63  }
0x5c: {  	s0 =	rddreg [dreg:$0x1a]  }
0x5d: {  	[tilespmem:s0], [sflag:$0x1] =	stream.indirect.gather [hbm4b:s3+s15], $0x1, s12, s15, $0xb8;
	[tilespmem:$0x2100] =	vst v63  }
0x5e: {  	s16 =	rddreg [dreg:$0x1b]  }
0x5f: {  	[tilespmem:s16], [sflag:$0x1] =	stream.indirect.gather [hbm4b:s4+s15], $0x1, s12, s15, $0xb8;
	[tilespmem:$0x2100] =	vst v63  }
0x60: {  	s0 =	rddreg [dreg:$0x1c]  }
0x61: {  	[tilespmem:s0], [sflag:$0x1] =	stream.indirect.gather [hbm4b:s5+s15], $0x1, s12, s15, $0xb8;
	[tilespmem:$0x2100] =	vst v63  }
0x62: {  	s16 =	rddreg [dreg:$0x1d]  }
0x63: {  	[tilespmem:s16], [sflag:$0x1] =	stream.indirect.gather [hbm4b:s6+s15], $0x1, s12, s15, $0xb8;
	[tilespmem:$0x2100] =	vst v63  }
0x64: {  	s16 =	simm.s32 $0x1980  }
0x65: {  	[tilespmem:s16], [sflag:$0x1] =	stream.indirect.gather [hbm4b:s7+s15], $0x1, s12, s15, $0xb8;
	[tilespmem:$0x2100] =	vst v63  }
0x66: {  	_ = 	snop  }
0x67: {  	[tilespmem:s17], [sflag:$0x1] =	stream.indirect.gather [hbm4b:s8+s15], $0x1, s12, s15, $0xb8;
	[tilespmem:$0x2100] =	vst v63  }
0x68: {  	_ = 	snop  }
0x69: {  	[tilespmem:s18], [sflag:$0x1] =	stream.indirect.gather [hbm4b:s3+s15], $0x1, s13, s15, $0xb8;
	[tilespmem:$0x2100] =	vst v63  }
0x6a: {  	_ = 	snop  }
0x6b: {  	[tilespmem:s19], [sflag:$0x1] =	stream.indirect.gather [hbm4b:s4+s15], $0x1, s13, s15, $0xb8;
	[tilespmem:$0x2100] =	vst v63  }
0x6c: {  	_ = 	snop  }
0x6d: {  	[tilespmem:s20], [sflag:$0x1] =	stream.indirect.gather [hbm4b:s5+s15], $0x1, s13, s15, $0xb8;
	[tilespmem:$0x2100] =	vst v63  }
0x6e: {  	_ = 	snop  }
0x6f: {  	[tilespmem:s21], [sflag:$0x1] =	stream.indirect.gather [hbm4b:s6+s15], $0x1, s13, s15, $0xb8;
	[tilespmem:$0x2100] =	vst v63  }
0x70: {  	_ = 	snop  }
0x71: {  	[tilespmem:s22], [sflag:$0x1] =	stream.indirect.gather [hbm4b:s7+s15], $0x1, s13, s15, $0xb8;
	[tilespmem:$0x2100] =	vst v63  }
0x72: {  	_ = 	snop  }
0x73: {  	[tilespmem:s23], [sflag:$0x1] =	stream.indirect.gather [hbm4b:s8+s15], $0x1, s13, s15, $0xb8;
	[tilespmem:$0x2100] =	vst v63  }
0x74: {  	_ = 	snop  }
0x75: {  	[tilespmem:s24], [sflag:$0x1] =	stream.indirect.gather [hbm4b:s3+s15], $0x1, s14, s15, $0xb8;
	[tilespmem:$0x2100] =	vst v63  }
0x76: {  	_ = 	snop  }
0x77: {  	[tilespmem:s25], [sflag:$0x1] =	stream.indirect.gather [hbm4b:s4+s15], $0x1, s14, s15, $0xb8;
	[tilespmem:$0x2100] =	vst v63  }
0x78: {  	_ = 	snop  }
0x79: {  	[tilespmem:s26], [sflag:$0x1] =	stream.indirect.gather [hbm4b:s5+s15], $0x1, s14, s15, $0xb8;
	[tilespmem:$0x2100] =	vst v63  }
0x7a: {  	_ = 	snop  }
0x7b: {  	[tilespmem:s28], [sflag:$0x1] =	stream.indirect.gather [hbm4b:s6+s15], $0x1, s14, s15, $0xb8;
	[tilespmem:$0x2100] =	vst v63  }
0x7c: {  	_ = 	snop  }
0x7d: {  	[tilespmem:s29], [sflag:$0x1] =	stream.indirect.gather [hbm4b:s7+s15], $0x1, s14, s15, $0xb8;
	[tilespmem:$0x2100] =	vst v63  }
0x7e: {  	_ = 	snop  }
0x7f: {  	[tilespmem:s30], [sflag:$0x1] =	stream.indirect.gather [hbm4b:s8+s15], $0x1, s14, s15, $0xb8;
	[tilespmem:$0x2100] =	vst v63  }
0x80: {  	_ =	swait.ge [sflag:s31], $0x40  }
0x81: {  	[sflag:s31] =	ssyncset.done $0x0  }
0x82: {  	[sflag:s31] =	ssyncadd.s32 $0xFFFFFFC0  }
0x83: {  	_ =	swait.ge [sflag:s31], $0x40  }
0x84: {  	[sflag:s31] =	ssyncset.done $0x0  }
0x85: {  	[sflag:s31] =	ssyncadd.s32 $0xFFFFFFC0  }
0x86: {  	_ =	swait.ge [sflag:s31], $0x40  }
0x87: {  	[sflag:s31] =	ssyncset.done $0x0  }
0x88: {  	[sflag:s31] =	ssyncadd.s32 $0xFFFFFFC0  }
0x89: {  	_ =	swait.ge [sflag:s31], $0x40  }
0x8a: {  	[sflag:s31] =	ssyncset.done $0x0  }
0x8b: {  	[sflag:s31] =	ssyncadd.s32 $0xFFFFFFC0  }
0x8c: {  	_ =	swait.ge [sflag:s31], $0x40  }
0x8d: {  	[sflag:s31] =	ssyncset.done $0x0  }
0x8e: {  	[sflag:s31] =	ssyncadd.s32 $0xFFFFFFC0  }
0x8f: {  	_ =	swait.ge [sflag:s31], $0x40  }
0x90: {  	[sflag:s31] =	ssyncset.done $0x0  }
0x91: {  	[sflag:s31] =	ssyncadd.s32 $0xFFFFFFC0  }
0x92: {  	_ =	swait.ge [sflag:s31], $0x40  }
0x93: {  	[sflag:s31] =	ssyncset.done $0x0  }
0x94: {  	[sflag:s31] =	ssyncadd.s32 $0xFFFFFFC0  }
0x95: {  	_ =	swait.ge [sflag:s31], $0x40  }
0x96: {  	[sflag:s31] =	ssyncset.done $0x0  }
0x97: {  	[sflag:s31] =	ssyncadd.s32 $0xFFFFFFC0  }
0x98: {  	_ =	swait.ge [sflag:s31], $0x40  }
0x99: {  	[sflag:s31] =	ssyncset.done $0x0  }
0x9a: {  	[sflag:s31] =	ssyncadd.s32 $0xFFFFFFC0  }
0x9b: {  	_ =	swait.ge [sflag:s31], $0x40  }
0x9c: {  	[sflag:s31] =	ssyncset.done $0x0  }
0x9d: {  	[sflag:s31] =	ssyncadd.s32 $0xFFFFFFC0  }
0x9e: {  	_ =	swait.ge [sflag:s31], $0x40  }
0x9f: {  	[sflag:s31] =	ssyncset.done $0x0  }
0xa0: {  	[sflag:s31] =	ssyncadd.s32 $0xFFFFFFC0  }
0xa1: {  	_ =	swait.ge [sflag:s31], $0x40  }
0xa2: {  	[sflag:s31] =	ssyncset.done $0x0  }
0xa3: {  	[sflag:s31] =	ssyncadd.s32 $0xFFFFFFC0  }
0xa4: {  	_ =	swait.ge [sflag:s31], $0x40  }
0xa5: {  	[sflag:s31] =	ssyncset.done $0x0  }
0xa6: {  	[sflag:s31] =	ssyncadd.s32 $0xFFFFFFC0  }
0xa7: {  	_ =	swait.ge [sflag:s31], $0x40  }
0xa8: {  	[sflag:s31] =	ssyncset.done $0x0  }
0xa9: {  	[sflag:s31] =	ssyncadd.s32 $0xFFFFFFC0  }
0xaa: {  	_ =	swait.ge [sflag:s31], $0x40  }
0xab: {  	[sflag:s31] =	ssyncset.done $0x0  }
0xac: {  	[sflag:s31] =	ssyncadd.s32 $0xFFFFFFC0  }
0xad: {  	_ =	swait.ge [sflag:s31], $0x40  }
0xae: {  	[sflag:s31] =	ssyncset.done $0x0  }
0xaf: {  	[sflag:s31] =	ssyncadd.s32 $0xFFFFFFC0  }
0xb0: {  	_ =	swait.ge [sflag:s31], $0x40  }
0xb1: {  	[sflag:s31] =	ssyncset.done $0x0  }
0xb2: {  	[sflag:s31] =	ssyncadd.s32 $0xFFFFFFC0  }
0xb3: {  	_ =	swait.ge [sflag:s31], $0x40  }
0xb4: {  	[sflag:s31] =	ssyncset.done $0x0  }
0xb5: {  	[sflag:s31] =	ssyncadd.s32 $0xFFFFFFC0  }
0xb6: {  	_ =	swait.ge [sflag:s31], $0x40  }
0xb7: {  	[sflag:s31] =	ssyncset.done $0x0  }
0xb8: {  	[sflag:s31] =	ssyncadd.s32 $0xFFFFFFC0  }
0xb9: {  	_ =	swait.ge [sflag:s31], $0x40  }
0xba: {  	[sflag:s31] =	ssyncset.done $0x0  }
0xbb: {  	[sflag:s31] =	ssyncadd.s32 $0xFFFFFFC0  }
0xbc: {  	_ =	swait.ge [sflag:s31], $0x40  }
0xbd: {  	[sflag:s31] =	ssyncset.done $0x0  }
0xbe: {  	[sflag:s31] =	ssyncadd.s32 $0xFFFFFFC0  }
0xbf: {  	_ =	swait.ge [sflag:s31], $0x40  }
0xc0: {  	[sflag:s31] =	ssyncset.done $0x0  }
0xc1: {  	[sflag:s31] =	ssyncadd.s32 $0xFFFFFFC0  }
0xc2: {  	_ =	swait.ge [sflag:s31], $0x40  }
0xc3: {  	[sflag:s31] =	ssyncset.done $0x0  }
0xc4: {  	[sflag:s31] =	ssyncadd.s32 $0xFFFFFFC0  }
0xc5: {  	_ =	swait.ge [sflag:s31], $0x40  }
0xc6: {  	[sflag:s31] =	ssyncset.done $0x0  }
0xc7: {  	[sflag:s31] =	ssyncadd.s32 $0xFFFFFFC0  }
0xc8: {  	_ =	swait.ge [sflag:s31], $0x40  }
0xc9: {  	[sflag:s31] =	ssyncset.done $0x0  }
0xca: {  	[sflag:s31] =	ssyncadd.s32 $0xFFFFFFC0  }
0xcb: {  	_ =	swait.ge [sflag:s31], $0x40  }
0xcc: {  	[sflag:s31] =	ssyncset.done $0x0  }
0xcd: {  	[sflag:s31] =	ssyncadd.s32 $0xFFFFFFC0  }
0xce: {  	_ =	swait.ge [sflag:s31], $0x40  }
0xcf: {  	[sflag:s31] =	ssyncset.done $0x0  }
0xd0: {  	[sflag:s31] =	ssyncadd.s32 $0xFFFFFFC0  }
0xd1: {  	_ =	swait.ge [sflag:s31], $0x40  }
0xd2: {  	[sflag:s31] =	ssyncset.done $0x0  }
0xd3: {  	[sflag:s31] =	ssyncadd.s32 $0xFFFFFFC0  }
0xd4: {  	_ =	swait.ge [sflag:s31], $0x40  }
0xd5: {  	[sflag:s31] =	ssyncset.done $0x0  }
0xd6: {  	[sflag:s31] =	ssyncadd.s32 $0xFFFFFFC0  }
0xd7: {  	_ =	swait.ge [sflag:s31], $0x40  }
0xd8: {  	[sflag:s31] =	ssyncset.done $0x0  }
0xd9: {  	[sflag:s31] =	ssyncadd.s32 $0xFFFFFFC0  }
0xda: {  	v3 =	vld [tilespmem:$0x880]  }
0xdb: {  	v4 =	vld [tilespmem:$0xC80]  }
0xdc: {  	v5 =	vld [tilespmem:$0x1080]  }
0xdd: {  	v9 =	vld [tilespmem:$0x1480]  }
0xde: {  	v14 =	vld [tilespmem:$0x1880]  }
0xdf: {  	v18 =	vld [tilespmem:$0x1C80]  }
0xe0: {  	v12 =	vld [tilespmem:$0x400]  }
0xe1: {  	v13 =	vld [tilespmem:$0x580]  }
0xe2: {  	v19 =	vld [tilespmem:$0x700]  }
0xe3: {  	v20 =	vld [tilespmem:$0x890]  }
0xe4: {  	v21 =	vld [tilespmem:$0xC90]  }
0xe5: {  	v25 =	vld [tilespmem:$0x1090]  }
0xe6: {  	v26 =	vld [tilespmem:$0x1490]  }
0xe7: {  	v27 =	vld [tilespmem:$0x1890]  }
0xe8: {  	v28 =	vld [tilespmem:$0x1C90]  }
0xe9: {  	v31 =	vld [tilespmem:$0x410]  }
0xea: {  	v33 =	vld [tilespmem:$0x590]  }
0xeb: {  	v34 =	vld [tilespmem:$0x710]  }
0xec: {  	v35 =	vld [tilespmem:$0x8A0]  }
0xed: {  	v39 =	vld [tilespmem:$0xCA0]  }
0xee: {  	v44 =	vld [tilespmem:$0x10A0]  }
0xef: {  	v45 =	vld [tilespmem:$0x14A0]  }
0xf0: {  	v46 =	vld [tilespmem:$0x18A0]  }
0xf1: {  	v49 =	vld [tilespmem:$0x1CA0]  }
0xf2: {  	v38 =	vld [tilespmem:$0x420]  }
0xf3: {  	v47 =	vld [tilespmem:$0x5A0]  }
0xf4: {  	v48 =	vld [tilespmem:$0x720]  }
0xf5: {  	v50 =	vld [tilespmem:$0x8B0]  }
0xf6: {  	v51 =	vld [tilespmem:$0xCB0]  }
0xf7: {  	v52 =	vld [tilespmem:$0x10B0]  }
0xf8: {  	v53 =	vld [tilespmem:$0x14B0]  }
0xf9: {  	v54 =	vld [tilespmem:$0x18B0]  }
0xfa: {  	v55 =	vld [tilespmem:$0x1CB0]  }
0xfb: {  	v56 =	vld [tilespmem:$0x430]  }
0xfc: {  	v57 =	vld [tilespmem:$0x5B0]  }
0xfd: {  	v58 =	vld [tilespmem:$0x730]  }
0xfe: {  	v59 =	vld [tilespmem:$0x900]  }
0xff: {  	v60 =	vld [tilespmem:$0xD00]  }
0x100: {  	v61 =	vld [tilespmem:$0x1100]  }
0x101: {  	v62 =	vld [tilespmem:$0x1500]  }
0x102: {  	v63 =	vld [tilespmem:$0x1900]  }
0x103: {  	v40 =	vld [tilespmem:$0x1D00]  }
0x104: {  	v2 =	vld [tilespmem:$0x440]  }
0x105: {  	v6 =	vld [tilespmem:$0x5C0]  }
0x106: {  	v22 =	vld [tilespmem:$0x740]  }
0x107: {  	v24 =	vld [tilespmem:$0x910]  }
0x108: {  	v29 =	vld [tilespmem:$0xD10]  }
0x109: {  	v43 =	vld [tilespmem:$0x1110]  }
0x10a: {  	v42 =	vld [tilespmem:$0x1510]  }
0x10b: {  	v41 =	vld [tilespmem:$0x1910]  }
0x10c: {  	v36 =	vld [tilespmem:$0x1D10]  }
0x10d: {  	v7 =	vld [tilespmem:$0x450]  }
0x10e: {  	v16 =	vld [tilespmem:$0x5D0]  }
0x10f: {  	v30 =	vld [tilespmem:$0x750]  }
0x110: {  	v0 =	vld [tilespmem:$0x920]  }
0x111: {  	v11 =	vld [tilespmem:$0xD20]  }
0x112: {  	v15 =	vld [tilespmem:$0x1120]  }
0x113: {  	v23 =	vld [tilespmem:$0x1D20]  }
0x114: {  	v37 =	vld [tilespmem:$0x460]  }
0x115: {  	v17 =	vld [tilespmem:$0x5E0]  }
0x116: {  	v32 =	vld [tilespmem:$0x760]  }
0x117: {  	v8 =	vld [tilespmem:$0x930]  }
0x118: {  	v10 =	vld [tilespmem:$0xD30]  }
0x119: {  	[tilespmem:$0x1FFC0] =	vst v15;
	v15 =	vld [tilespmem:$0x1520]  }
0x11a: {  	[tilespmem:$0x1FF70] =	vst v11;
	v11 =	vld [tilespmem:$0x1920]  }
0x11b: {  	[tilespmem:$0x1FF80] =	vst v17;
	v17 =	vld [tilespmem:$0x1130]  }
0x11c: {  	[tilespmem:$0x1FF90] =	vst v8;
	v8 =	vld [tilespmem:$0x1530]  }
0x11d: {  	[tilespmem:$0x1FF60] =	vst v0;
	v0 =	vld [tilespmem:$0x5F0]  }
0x11e: {  	[tilespmem:$0x1FFA0] =	vst v10;
	v10 =	vld [tilespmem:$0x1930]  }
0x11f: {  	[tilespmem:$0x1FFD0] =	vst v32;
	v32 =	vld [tilespmem:$0x470]  }
0x120: {  	v3 =	vsub.f32 v12, v3;
	v12 =	vmul.f32 $9.999999770e-03, v9;
	v1 =	vsub.f32 v13, v4;
	v4 =	vld [tilespmem:$0x770]  }
0x121: {  	v13 =	vld [tilespmem:$0x980]  }
0x122: {  	v16 =	vsub.f32 v16, v29;
	v29 =	vld [tilespmem:$0x4A0];
	v3 =	vsub.f32 v3, v12;
	[tilespmem:$0x1FFB0] =	vst v0;
	v0 =	vmul.f32 $9.999999770e-03, v14  }
0x123: {  	v22 =	vsub.f32 v22, v61;
	v61 =	vsub.f32 v30, v43;
	v43 =	vld [tilespmem:$0x9B0]  }
0x124: {  	v0 =	vsub.f32 v1, v0;
	v1 =	vmul.f32 v3, v9;
	v3 =	vsub.f32 v19, v5;
	v19 =	vld [tilespmem:$0x1180]  }
0x125: {  	v12 =	vld [tilespmem:$0xD80]  }
0x126: {  	[tilespmem:$0x1FFE0] =	vst v17;
	v17 =	vld [tilespmem:$0x1D30];
	v9 =	vmul.f32 $9.999999770e-03, v18  }
0x127: {  	v21 =	vsub.f32 v33, v21;
	v33 =	vmul.f32 $9.999999770e-03, v27;
	v5 =	vld [tilespmem:$0x1580]  }
0x128: {  	v0 =	vmul.f32 v0, v14;
	v14 =	vsub.f32 v31, v20;
	v20 =	vsub.f32 v3, v9;
	v9 =	vld [tilespmem:$0x1980]  }
0x129: {  	v33 =	vsub.f32 v21, v33;
	v3 =	vld [tilespmem:$0x1D80];
	[tilespmem:$0x1FFF0] =	vst v19;
	v19 =	vmul.f32 $9.999999770e-03, v26  }
0x12a: {  	v31 =	vsub.f32 v48, v44;
	v48 =	vld [tilespmem:$0x610];
	v0 =	vadd.f32 v0, v1  }
0x12b: {  	v1 =	vsub.f32 v14, v19;
	v19 =	vsub.f32 v38, v35;
	v38 =	vld [tilespmem:$0x480]  }
0x12c: {  	v21 =	vmul.f32 $9.999999770e-03, v45;
	v14 =	vmul.f32 v20, v18;
	v20 =	vsub.f32 v47, v39;
	v39 =	vld [tilespmem:$0x600]  }
0x12d: {  	v47 =	vmul.f32 $9.999999770e-03, v46;
	v18 =	vmul.f32 v33, v27;
	v33 =	vld [tilespmem:$0x780]  }
0x12e: {  	v27 =	vld [tilespmem:$0x990];
	v19 =	vsub.f32 v19, v21  }
0x12f: {  	v1 =	vmul.f32 v1, v26;
	v26 =	vsub.f32 v34, v25;
	v20 =	vsub.f32 v20, v47;
	v25 =	vld [tilespmem:$0xD90]  }
0x130: {  	v47 =	vmul.f32 $9.999999770e-03, v28;
	v0 =	vadd.f32 v14, v0;
	v14 =	vmul.f32 v19, v45;
	v19 =	vld [tilespmem:$0x1190]  }
0x131: {  	v1 =	vadd.f32 v18, v1;
	v18 =	vld [tilespmem:$0x1590]  }
0x132: {  	v21 =	vsub.f32 v26, v47;
	v26 =	vmul.f32 v20, v46;
	v20 =	vld [tilespmem:$0x1990]  }
0x133: {  	v47 =	vld [tilespmem:$0x490]  }
0x134: {  	v45 =	vld [tilespmem:$0x790]  }
0x135: {  	v44 =	vsub.f32 v57, v51;
	v46 =	vld [tilespmem:$0x7A0]  }
0x136: {  	v34 =	vsub.f32 v56, v50;
	v56 =	vmul.f32 $9.999999770e-03, v53;
	v13 =	vsub.f32 v38, v13;
	v38 =	vld [tilespmem:$0x7C0]  }
0x137: {  	v57 =	vmul.f32 $9.999999770e-03, v54;
	v35 =	vmul.f32 $9.999999770e-03, v49;
	v50 =	vadd.f32 v26, v14;
	v14 =	vld [tilespmem:$0x1D90]  }
0x138: {  	v21 =	vmul.f32 v21, v28;
	v28 =	vsub.f32 v34, v56;
	v34 =	vld [tilespmem:$0x9A0]  }
0x139: {  	v26 =	vsub.f32 v31, v35;
	v31 =	vsub.f32 v44, v57;
	v35 =	vld [tilespmem:$0xDA0]  }
0x13a: {  	v52 =	vsub.f32 v58, v52;
	v44 =	vld [tilespmem:$0xDB0];
	v28 =	vmul.f32 v28, v53  }
0x13b: {  	v6 =	vsub.f32 v6, v60;
	v31 =	vmul.f32 v31, v54;
	v49 =	vmul.f32 v26, v49;
	v26 =	vld [tilespmem:$0x11A0]  }
0x13c: {  	v58 =	vmul.f32 $9.999999770e-03, v63;
	v56 =	vmul.f32 $9.999999770e-03, v55;
	v1 =	vadd.f32 v21, v1;
	v21 =	vld [tilespmem:$0x1DA0]  }
0x13d: {  	v2 =	vsub.f32 v2, v59;
	v60 =	vadd.f32 v31, v28;
	v28 =	vld [tilespmem:$0x15A0]  }
0x13e: {  	v6 =	vsub.f32 v6, v58;
	v58 =	vmul.f32 $9.999999770e-03, v41;
	v59 =	vsub.f32 v52, v56;
	v31 =	vld [tilespmem:$0x19A0]  }
0x13f: {  	v57 =	vmul.f32 $9.999999770e-03, v62;
	v53 =	vadd.f32 v49, v50;
	v50 =	vld [tilespmem:$0x620]  }
0x140: {  	v52 =	vmul.f32 v59, v55;
	v59 =	vsub.f32 v16, v58;
	v58 =	vld [tilespmem:$0x1FF90]  }
0x141: {  	v6 =	vmul.f32 v6, v63;
	v0 =	vsub.f32 $0.0e+00, v0;
	v2 =	vsub.f32 v2, v57;
	v16 =	vld [tilespmem:$0x1A00]  }
0x142: {  	v56 =	vsub.f32 v7, v24;
	v55 =	vmul.f32 $9.999999770e-03, v40;
	v7 =	vmul.f32 v59, v41;
	v41 =	vld [tilespmem:$0x11B0]  }
0x143: {  	v57 =	vmul.f32 $9.999999770e-03, v42;
	v2 =	vmul.f32 v2, v62;
	v63 =	vsub.f32 $0.0e+00, v53;
	v53 =	vld [tilespmem:$0x1FF60]  }
0x144: {  	v1 =	vsub.f32 $0.0e+00, v1;
	v22 =	vsub.f32 v22, v55;
	v55 =	vld [tilespmem:$0x1FF70]  }
0x145: {  	v2 =	vadd.f32 v6, v2;
	v6 =	vsub.f32 v56, v57;
	v56 =	vld [tilespmem:$0x1FF80]  }
0x146: {  	v62 =	vmul.f32 $9.999999770e-03, v36;
	v54 =	vadd.f32 v52, v60;
	v60 =	vmul.f32 v22, v40;
	v40 =	vld [tilespmem:$0x15B0]  }
0x147: {  	v0 =	vmax.f32 v0, $0.0e+00;
	v1 =	vmax.f32 v1, $0.0e+00;
	v6 =	vmul.f32 v6, v42;
	v42 =	vld [tilespmem:$0x19B0]  }
0x148: {  	v0 =	vadd.f32 v1, v0;
	v22 =	vsub.f32 v61, v62;
	v61 =	vld [tilespmem:$0x1FFB0]  }
0x149: {  	v24 =	vmax.f32 v63, $0.0e+00;
	v63 =	vld [tilespmem:$0x1FFC0]  }
0x14a: {  	v0 =	vadd.f32 v24, v0;
	v24 =	vld [tilespmem:$0x1200]  }
0x14b: {  	v30 =	vsub.f32 $0.0e+00, v54;
	v49 =	vmul.f32 v22, v36;
	v36 =	vld [tilespmem:$0x1DB0]  }
0x14c: {  	v22 =	vld [tilespmem:$0x4B0]  }
0x14d: {  	v52 =	vmax.f32 v30, $0.0e+00;
	v30 =	vld [tilespmem:$0x7B0]  }
0x14e: {  	v2 =	vadd.f32 v60, v2;
	v6 =	vadd.f32 v7, v6;
	v60 =	vld [tilespmem:$0x1FFA0]  }
0x14f: {  	v54 =	vmul.f32 $9.999999770e-03, v15;
	v0 =	vadd.f32 v52, v0;
	v7 =	vsub.f32 v37, v53;
	v37 =	vld [tilespmem:$0xE00]  }
0x150: {  	v52 =	vld [tilespmem:$0xA10];
	v51 =	vsub.f32 $0.0e+00, v2;
	v6 =	vadd.f32 v49, v6  }
0x151: {  	v2 =	vld [tilespmem:$0x630];
	v7 =	vsub.f32 v7, v54  }
0x152: {  	v59 =	vmul.f32 $9.999999770e-03, v8;
	v54 =	vld [tilespmem:$0x1FFF0];
	v1 =	vmax.f32 v51, $0.0e+00;
	v6 =	vsub.f32 $0.0e+00, v6  }
0x153: {  	v0 =	vadd.f32 v1, v0;
	v1 =	vld [tilespmem:$0xA00];
	v49 =	vmul.f32 v7, v15;
	v7 =	vsub.f32 v32, v58  }
0x154: {  	v62 =	vmul.f32 $9.999999770e-03, v10;
	v15 =	vld [tilespmem:$0x1600];
	v51 =	vsub.f32 v61, v60;
	v6 =	vmax.f32 v6, $0.0e+00  }
0x155: {  	v6 =	vadd.f32 v6, v0;
	v32 =	vsub.f32 v7, v59;
	v7 =	vld [tilespmem:$0x1E00]  }
0x156: {  	v57 =	vmul.f32 $9.999999770e-03, v11;
	v0 =	vsub.f32 v56, v55;
	v51 =	vsub.f32 v51, v62;
	v59 =	vld [tilespmem:$0x1FFE0]  }
0x157: {  	v55 =	vld [tilespmem:$0x4C0];
	v62 =	vmul.f32 $9.999999770e-03, v5  }
0x158: {  	v0 =	vsub.f32 v0, v57;
	v57 =	vld [tilespmem:$0x1FFD0];
	v8 =	vmul.f32 v32, v8;
	v10 =	vmul.f32 v51, v10  }
0x159: {  	v32 =	vld [tilespmem:$0x640];
	v13 =	vsub.f32 v13, v62  }
0x15a: {  	v12 =	vsub.f32 v39, v12;
	v8 =	vadd.f32 v10, v8;
	v10 =	vld [tilespmem:$0xE10]  }
0x15b: {  	v19 =	vsub.f32 v45, v19;
	v39 =	vmul.f32 $9.999999770e-03, v14;
	v5 =	vmul.f32 v13, v5;
	v13 =	vld [tilespmem:$0x650]  }
0x15c: {  	v4 =	vsub.f32 v4, v59;
	v59 =	vsub.f32 v47, v27;
	v27 =	vld [tilespmem:$0x4D0]  }
0x15d: {  	v2 =	vsub.f32 v2, v44;
	v0 =	vmul.f32 v0, v11;
	v47 =	vsub.f32 v19, v39;
	v19 =	vld [tilespmem:$0xE20]  }
0x15e: {  	v60 =	vmul.f32 $9.999999770e-03, v17;
	v39 =	vsub.f32 v30, v41;
	v30 =	vld [tilespmem:$0x1630];
	v1 =	vsub.f32 v55, v1  }
0x15f: {  	v44 =	vmul.f32 $9.999999770e-03, v15;
	v0 =	vadd.f32 v0, v49;
	v49 =	vsub.f32 v29, v34;
	v34 =	vld [tilespmem:$0x1A20]  }
0x160: {  	v29 =	vld [tilespmem:$0xA30];
	v53 =	vsub.f32 v57, v63;
	v4 =	vsub.f32 v4, v60;
	v63 =	vmul.f32 $9.999999770e-03, v9  }
0x161: {  	v60 =	vmul.f32 $9.999999770e-03, v18;
	v1 =	vsub.f32 v1, v44;
	v44 =	vld [tilespmem:$0x690]  }
0x162: {  	v58 =	vmul.f32 $9.999999770e-03, v23;
	v4 =	vmul.f32 v4, v17;
	v12 =	vsub.f32 v12, v63;
	v17 =	vld [tilespmem:$0x1210]  }
0x163: {  	v63 =	vsub.f32 v59, v60;
	v59 =	vsub.f32 v46, v26;
	v46 =	vld [tilespmem:$0x4F0]  }
0x164: {  	v61 =	vsub.f32 v53, v58;
	v10 =	vsub.f32 v13, v10;
	v13 =	vld [tilespmem:$0x1680]  }
0x165: {  	v57 =	vmul.f32 v12, v9;
	v9 =	vld [tilespmem:$0x1A10]  }
0x166: {  	v56 =	vmul.f32 $9.999999770e-03, v3;
	v11 =	vmul.f32 v61, v23;
	v61 =	vsub.f32 v48, v25;
	v25 =	vld [tilespmem:$0x7D0]  }
0x167: {  	v24 =	vsub.f32 v38, v24;
	v62 =	vmul.f32 $9.999999770e-03, v20;
	v51 =	vmul.f32 $9.999999770e-03, v28;
	v12 =	vld [tilespmem:$0xA20]  }
0x168: {  	v22 =	vsub.f32 v22, v43;
	v41 =	vmul.f32 $9.999999770e-03, v36;
	v45 =	vmul.f32 v63, v18;
	v18 =	vld [tilespmem:$0x1620]  }
0x169: {  	v32 =	vsub.f32 v32, v37;
	v53 =	vsub.f32 v50, v35;
	v48 =	vmul.f32 v47, v14;
	v47 =	vld [tilespmem:$0x670]  }
0x16a: {  	v60 =	vmul.f32 $9.999999770e-03, v21;
	v27 =	vsub.f32 v27, v52;
	v4 =	vadd.f32 v4, v8;
	v23 =	vld [tilespmem:$0x1280]  }
0x16b: {  	v63 =	vmul.f32 $9.999999770e-03, v42;
	v11 =	vadd.f32 v11, v0;
	v0 =	vsub.f32 v33, v54;
	v33 =	vld [tilespmem:$0x1610]  }
0x16c: {  	v5 =	vadd.f32 v57, v5;
	v8 =	vsub.f32 v61, v62;
	v61 =	vld [tilespmem:$0x660];
	v62 =	vmul.f32 $9.999999770e-03, v40  }
0x16d: {  	v1 =	vmul.f32 v1, v15;
	v4 =	vsub.f32 $0.0e+00, v4;
	v58 =	vsub.f32 v0, v56;
	v0 =	vld [tilespmem:$0x1E10]  }
0x16e: {  	v54 =	vmul.f32 $9.999999770e-03, v31;
	v2 =	vsub.f32 v2, v63;
	v35 =	vsub.f32 v22, v62;
	v22 =	vld [tilespmem:$0x1230]  }
0x16f: {  	v11 =	vsub.f32 $0.0e+00, v11;
	v8 =	vmul.f32 v8, v20;
	v4 =	vmax.f32 v4, $0.0e+00;
	v62 =	vld [tilespmem:$0x680]  }
0x170: {  	v56 =	vsub.f32 v49, v51;
	v2 =	vmul.f32 v2, v42;
	v42 =	vsub.f32 v46, v29;
	v46 =	vld [tilespmem:$0x810]  }
0x171: {  	v57 =	vsub.f32 v53, v54;
	v49 =	vmul.f32 $9.999999770e-03, v7;
	v29 =	vld [tilespmem:$0x6A0];
	v51 =	vmul.f32 $9.999999770e-03, v9  }
0x172: {  	v17 =	vsub.f32 v25, v17;
	v3 =	vmul.f32 v58, v3;
	v11 =	vmax.f32 v11, $0.0e+00;
	v58 =	vld [tilespmem:$0x4E0]  }
0x173: {  	v14 =	vmul.f32 v57, v31;
	v31 =	vld [tilespmem:$0xE30];
	v43 =	vmul.f32 v35, v40;
	v53 =	vsub.f32 v24, v49  }
0x174: {  	v24 =	vld [tilespmem:$0xA90];
	v6 =	vadd.f32 v11, v6;
	v50 =	vmul.f32 $9.999999770e-03, v33;
	v10 =	vsub.f32 v10, v51  }
0x175: {  	v11 =	vld [tilespmem:$0x1220];
	v3 =	vadd.f32 v3, v5;
	v5 =	vadd.f32 v8, v45;
	v8 =	vmul.f32 v56, v28  }
0x176: {  	v28 =	vld [tilespmem:$0x7E0];
	v45 =	vmul.f32 $9.999999770e-03, v16;
	v2 =	vadd.f32 v2, v43;
	v55 =	vmul.f32 v53, v7  }
0x177: {  	v7 =	vld [tilespmem:$0x1A80];
	v43 =	vmul.f32 $9.999999770e-03, v30;
	v4 =	vadd.f32 v4, v6;
	v54 =	vsub.f32 v27, v50  }
0x178: {  	v53 =	vld [tilespmem:$0x12A0];
	v9 =	vmul.f32 v10, v9;
	v3 =	vsub.f32 $0.0e+00, v3;
	v5 =	vadd.f32 v48, v5  }
0x179: {  	v6 =	vld [tilespmem:$0x1E20];
	v63 =	vmul.f32 $9.999999770e-03, v0;
	v8 =	vadd.f32 v14, v8;
	v14 =	vsub.f32 v39, v41  }
0x17a: {  	v10 =	vld [tilespmem:$0x1E80];
	v48 =	vsub.f32 v32, v45;
	v56 =	vmul.f32 v54, v33;
	v57 =	vsub.f32 v58, v12  }
0x17b: {  	v50 =	vld [tilespmem:$0xEA0];
	v17 =	vsub.f32 v17, v63;
	v3 =	vmax.f32 v3, $0.0e+00;
	v5 =	vsub.f32 $0.0e+00, v5  }
0x17c: {  	v32 =	vld [tilespmem:$0x7F0];
	v14 =	vmul.f32 v14, v36;
	v3 =	vadd.f32 v3, v4;
	v4 =	vsub.f32 v59, v60  }
0x17d: {  	v39 =	vld [tilespmem:$0xE80];
	v52 =	vmul.f32 v48, v16;
	v9 =	vadd.f32 v9, v56;
	v60 =	vsub.f32 v61, v19  }
0x17e: {  	v12 =	vld [tilespmem:$0x800];
	v61 =	vmul.f32 $9.999999770e-03, v34;
	v11 =	vsub.f32 v28, v11;
	v0 =	vmul.f32 v17, v0  }
0x17f: {  	v63 =	vld [tilespmem:$0x520];
	v5 =	vmax.f32 v5, $0.0e+00;
	v1 =	vadd.f32 v52, v1;
	v2 =	vadd.f32 v14, v2  }
0x180: {  	v58 =	vmul.f32 $9.999999770e-03, v18;
	v36 =	vld [tilespmem:$0xA80];
	v3 =	vadd.f32 v5, v3;
	v14 =	vsub.f32 v60, v61  }
0x181: {  	v16 =	vld [tilespmem:$0x1290];
	v28 =	vmul.f32 $9.999999770e-03, v6;
	v0 =	vadd.f32 v0, v9;
	v5 =	vsub.f32 v47, v31  }
0x182: {  	v59 =	vld [tilespmem:$0x500];
	v4 =	vmul.f32 v4, v21;
	v51 =	vsub.f32 v32, v22;
	v61 =	vsub.f32 v62, v39  }
0x183: {  	v17 =	vld [tilespmem:$0x1690];
	v62 =	vmul.f32 $9.999999770e-03, v7;
	v1 =	vadd.f32 v55, v1;
	v2 =	vsub.f32 $0.0e+00, v2  }
0x184: {  	v56 =	vld [tilespmem:$0x16A0];
	v32 =	vmul.f32 $9.999999770e-03, v10;
	v11 =	vsub.f32 v11, v28;
	v12 =	vsub.f32 v12, v23  }
0x185: {  	v21 =	vld [tilespmem:$0x1E30];
	v55 =	vmul.f32 $9.999999770e-03, v13;
	v4 =	vadd.f32 v4, v8;
	v0 =	vsub.f32 $0.0e+00, v0  }
0x186: {  	v8 =	vld [tilespmem:$0x1A30];
	v14 =	vmul.f32 v14, v34;
	v15 =	vsub.f32 v61, v62;
	v16 =	vsub.f32 v46, v16  }
0x187: {  	v47 =	vld [tilespmem:$0xAA0];
	v2 =	vmax.f32 v2, $0.0e+00;
	v1 =	vsub.f32 $0.0e+00, v1;
	v35 =	vmul.f32 v11, v6  }
0x188: {  	v41 =	vld [tilespmem:$0x510];
	v54 =	vsub.f32 v59, v36;
	v28 =	vmul.f32 $9.999999770e-03, v17;
	v4 =	vsub.f32 $0.0e+00, v4  }
0x189: {  	v60 =	vld [tilespmem:$0x1EA0];
	v12 =	vsub.f32 v12, v32;
	v39 =	vmul.f32 $9.999999770e-03, v56;
	v0 =	vmax.f32 v0, $0.0e+00  }
0x18a: {  	v31 =	vld [tilespmem:$0x820];
	v52 =	vmul.f32 $9.999999770e-03, v21;
	v59 =	vsub.f32 v54, v55;
	v4 =	vmax.f32 v4, $0.0e+00  }
0x18b: {  	v36 =	vld [tilespmem:$0x16B0];
	v3 =	vadd.f32 v4, v3;
	v4 =	vsub.f32 v57, v58;
	v45 =	vmul.f32 $9.999999770e-03, v8  }
0x18c: {  	v33 =	vld [tilespmem:$0xE90];
	v7 =	vmul.f32 v15, v7;
	v11 =	vsub.f32 v63, v47;
	v57 =	vsub.f32 v51, v52  }
0x18d: {  	v38 =	vld [tilespmem:$0x1A90];
	v4 =	vmul.f32 v4, v18;
	v2 =	vadd.f32 v2, v3;
	v49 =	vsub.f32 v5, v45  }
0x18e: {  	v9 =	vld [tilespmem:$0x1E90];
	v1 =	vmax.f32 v1, $0.0e+00;
	v3 =	vsub.f32 v41, v24;
	v5 =	vsub.f32 v29, v50  }
0x18f: {  	v51 =	vmul.f32 $9.999999770e-03, v60;
	v50 =	vsub.f32 v31, v53;
	v34 =	vadd.f32 v14, v4  }
0x190: {  	v58 =	vld [tilespmem:$0x1AA0];
	v52 =	vmul.f32 $9.999999770e-03, v36;
	v1 =	vadd.f32 v1, v2;
	v4 =	vsub.f32 v42, v43  }
0x191: {  	v47 =	vld [tilespmem:$0x1EB0];
	v14 =	vsub.f32 v44, v33;
	v3 =	vsub.f32 v3, v28;
	v42 =	vmul.f32 v12, v10  }
0x192: {  	v41 =	vld [tilespmem:$0x530];
	v44 =	vsub.f32 v11, v39;
	v40 =	vadd.f32 v35, v34;
	v4 =	vmul.f32 v4, v30  }
0x193: {  	v33 =	vld [tilespmem:$0xAB0];
	v54 =	vsub.f32 v50, v51;
	v30 =	vmul.f32 $9.999999770e-03, v38;
	v34 =	vmul.f32 $9.999999770e-03, v9  }
0x194: {  	v43 =	vld [tilespmem:$0x6B0];
	v0 =	vadd.f32 v0, v1;
	v1 =	vmul.f32 v57, v21;
	v2 =	vsub.f32 $0.0e+00, v40  }
0x195: {  	v35 =	vld [tilespmem:$0xEB0];
	v14 =	vsub.f32 v14, v30;
	v37 =	vsub.f32 v16, v34;
	v40 =	vmul.f32 $9.999999770e-03, v58  }
0x196: {  	v45 =	vld [tilespmem:$0x12B0];
	v3 =	vmul.f32 v3, v17;
	v48 =	vmax.f32 v2, $0.0e+00;
	v2 =	vmul.f32 v49, v8  }
0x197: {  	v6 =	vmul.f32 v14, v38;
	v38 =	vld [tilespmem:$0x1AB0];
	v9 =	vmul.f32 v37, v9;
	v5 =	vsub.f32 v5, v40  }
0x198: {  	v49 =	vld [tilespmem:$0x830];
	v0 =	vadd.f32 v48, v0;
	v2 =	vadd.f32 v2, v4;
	v4 =	vmul.f32 v59, v13  }
0x199: {  	v48 =	vmul.f32 v44, v56;
	v3 =	vadd.f32 v6, v3;
	v13 =	vsub.f32 v41, v33  }
0x19a: {  	v5 =	vmul.f32 v5, v58;
	v6 =	vsub.f32 v43, v35;
	v4 =	vadd.f32 v7, v4  }
0x19b: {  	v56 =	vmul.f32 $9.999999770e-03, v47;
	v1 =	vadd.f32 v1, v2;
	v3 =	vadd.f32 v9, v3  }
0x19c: {  	v5 =	vadd.f32 v5, v48;
	v55 =	vsub.f32 v13, v52;
	v53 =	vmul.f32 $9.999999770e-03, v38  }
0x19d: {  	v7 =	vmul.f32 v54, v60;
	v9 =	vsub.f32 v49, v45;
	v46 =	vadd.f32 v42, v4  }
0x19e: {  	v1 =	vsub.f32 $0.0e+00, v1;
	v6 =	vsub.f32 v6, v53  }
0x19f: {  	v57 =	vmul.f32 v55, v36;
	v58 =	vadd.f32 v7, v5;
	v9 =	vsub.f32 v9, v56  }
0x1a0: {  	v2 =	vsub.f32 $0.0e+00, v46;
	v1 =	vmax.f32 v1, $0.0e+00;
	v6 =	vmul.f32 v6, v38  }
0x1a1: {  	v3 =	vsub.f32 $0.0e+00, v3;
	v0 =	vadd.f32 v1, v0  }
0x1a2: {  	v4 =	vmul.f32 v9, v47;
	v2 =	vmax.f32 v2, $0.0e+00;
	v59 =	vadd.f32 v6, v57  }
0x1a3: {  	v0 =	vadd.f32 v2, v0  }
0x1a4: {  	v60 =	vmax.f32 v3, $0.0e+00;
	v1 =	vsub.f32 $0.0e+00, v58;
	v61 =	vadd.f32 v4, v59  }
0x1a5: {  	v0 =	vadd.f32 v60, v0  }
0x1a6: {  	v1 =	vmax.f32 v1, $0.0e+00;
	v62 =	vsub.f32 $0.0e+00, v61  }
0x1a7: {  	v0 =	vadd.f32 v1, v0  }
0x1a8: {  	v63 =	vmax.f32 v62, $0.0e+00  }
0x1a9: {  	v0 =	vadd.f32 v63, v0  }
0x1aa: {  	p0 =	sne.s32 s9, $0x1  }
.Ltmp0:
0x1ab: {  	s16 =	rddreg [dreg:$0xa];
	[tilespmem:$0x2080] =	vst v0;
	(pc) =	sbr.rel @p0 .LBB2_1-.Ltmp0, $4  }
0x1ac: {  	[hbm4b:s16+s2] =	stream.linear.scatter [tilespmem:s1], [sflag:$0x2], $0x80, $0x38;
	[tilespmem:$0x2100] =	vst v63  }
0x1ad: {  	_ =	swait.ge [sflag:s10], $0x80  }
0x1ae: {  	[sflag:s10] =	ssyncset.done $0x0  }
0x1af: {  	s9 =	sadd.s32 $0xFFFFFFFF, s9;
	[sflag:s10] =	ssyncadd.s32 $0xFFFFFF80  }
0x1b0: {  	_ =	sfence.sel $0x180000  }
0x1b1: {  	[bflag:$0x0] =	sbarrier.arrive $0xFFFF  }
0x1b2: {  	_ =	strace $0x90000047  }
0x1b3: {  	s0 =	stileid.u32;
	[bflag:$0x2] =	sbarrier.arrive $0xFFFF  }
0x1b4: {  	p0 =	sne.s32 s0, $0x0;
	s0 =	rddreg [dreg:$0x1]  }
0x1b5: {  	s0 =	sadd.s32 @!p0 $0x100000, s0  }
0x1b6: {  	[sflag:s0] =	ssyncadd.tile.s32 @!p0 $0x1;
	_ =	shalt  }
.Lfunc_end2:
_tile_overlayer_lowered:
.L_overlay_start_2:
0x1b7: {  	(tag) =	ssettag $0x2  }
0x1b8: {  	s0 =	rddreg [dreg:$0x0];
	s2 =	stileid.u32  }
0x1b9: {  	s1 =	rddreg [dreg:$0x1];
	p0 =	sne.s32 s2, $0x0  }
0x1ba: {  	s3 =	rddreg [dreg:$0x2];
	[bflag:$0x3] =	sbarrier.arrive $0xFFFF;
	s2 =	simm.s32 @!p0 $0x1C02  }
0x1bb: {  	[timem:s3], [sflag:s2] =	dma.local @!p0 [hbm:s0], s1  }
0x1bc: {  	s0 =	simm.s32 @!p0 $0x2  }
0x1bd: {  	_ =	swait.ge @!p0 [sflag:s0], s1  }
0x1be: {  	s1 =	ssub.s32 @!p0 $0x0, s1;
	[sflag:s0] =	ssyncset.done @!p0 $0x0  }
0x1bf: {  	[sflag:s0] =	ssyncadd.s32 @!p0 s1  }
0x1c0: {  	[bflag:$0x3] =	sbarrier.arrive $0xFFFF  }
0x1c1: {  	_ =	shalt  }

</sc_bundles>
